<compile_context>
chip_gen: v7x
topology: tpu7x:2x2x1
jax: 0.10.2.dev20260603
libtpu: 0.0.44.dev20260713+nightly
codegen_flags: <defaults>
</compile_context>

<pallas_src>
import functools

import jax
import jax.numpy as jnp
from jax import lax
from jax.experimental import pallas as pl
from jax.experimental.pallas import tpu as pltpu
from jax.experimental.pallas import tpu_sc as plsc

N = 10000
E = 320000
D = 128

NC = 2
NS = 16
L = 16
NW = NC * NS
EPW = E // NW
C = 80
CDEG = EPW // C
CH = 40
NCHUNK = EPW // CH
NP = 10240
ROWS_PT = NP // NS

_BN = 1000
_BE = 2000


def _node_pre_body(x_ref, wsrc_ref, bsrc_ref, wdst_ref, bdst_ref,
                   wself_ref, bias_ref, esrc_ref, edst_ref, selfp_ref):
    x = x_ref[...]
    esrc_ref[...] = jnp.dot(x, wsrc_ref[...],
                            preferred_element_type=jnp.float32) + bsrc_ref[...]
    edst_ref[...] = jnp.dot(x, wdst_ref[...],
                            preferred_element_type=jnp.float32) + bdst_ref[...]
    selfp_ref[...] = (jnp.dot(x, wself_ref[...],
                              preferred_element_type=jnp.float32)
                      + bias_ref[...] + x)


def _node_pre(node_feats, wsrc_t, bsrc, wdst_t, bdst, wself_t, bias):
    f32 = jnp.float32
    row = pl.BlockSpec((_BN, D), lambda i: (i, 0))
    mat = pl.BlockSpec((D, D), lambda i: (0, 0))
    vec = pl.BlockSpec((1, D), lambda i: (0, 0))
    return pl.pallas_call(
        _node_pre_body,
        grid=(N // _BN,),
        in_specs=[row, mat, vec, mat, vec, mat, vec],
        out_specs=[row, row, row],
        out_shape=[jax.ShapeDtypeStruct((N, D), f32)] * 3,
    )(node_feats, wsrc_t, bsrc, wdst_t, bdst, wself_t, bias)


def _edge_pre_body(x_ref, w_ref, b_ref, out_ref):
    out_ref[...] = (jnp.dot(x_ref[...], w_ref[...],
                            preferred_element_type=jnp.float32) + b_ref[...])


def _edge_pre(edge_feats, wedge_t, bedge):
    row = pl.BlockSpec((_BE, D), lambda i: (i, 0))
    return pl.pallas_call(
        _edge_pre_body,
        grid=(E // _BE,),
        in_specs=[row,
                  pl.BlockSpec((D, D), lambda i: (0, 0)),
                  pl.BlockSpec((1, D), lambda i: (0, 0))],
        out_specs=row,
        out_shape=jax.ShapeDtypeStruct((E, D), jnp.float32),
    )(edge_feats, wedge_t, bedge)


def _sc_body(src_hbm, dst_hbm, esrc_hbm, edst_hbm, nf_hbm, ee_hbm,
             zrow_hbm,
             m_hbm, sum_hbm,
             sidx0, didx0, sidx1, didx1, dscat0, dscat1,
             g0src, g0dst, g0nf, g0ee, g1src, g1dst, g1nf, g1ee,
             acc, gs0, gs1, ws0, ws1, is0, is1):
    cid = lax.axis_index("c")
    sid = lax.axis_index("s")
    wid = sid * NC + cid
    base0 = pl.multiple_of(wid * EPW, 8)
    row0 = pl.multiple_of(sid * ROWS_PT, 8)

    pltpu.sync_copy(zrow_hbm.at[pl.ds(row0, ROWS_PT)],
                    acc.at[pl.ds(row0, ROWS_PT)])
    plsc.subcore_barrier()

    bufs = ((sidx0, didx0, g0src, g0dst, g0nf, g0ee, gs0, ws0, is0, dscat0),
            (sidx1, didx1, g1src, g1dst, g1nf, g1ee, gs1, ws1, is1, dscat1))

    def snapshot_scatter_idx(b):
        di, dsc = bufs[b][1], bufs[b][9]
        for off in (0, 16, 24):
            dsc[pl.ds(off, L)] = di[pl.ds(off, L)]

    def fire_idx(b, k):
        si, di, isem = bufs[b][0], bufs[b][1], bufs[b][8]
        base = pl.multiple_of(base0 + k * CH, 8)
        pltpu.async_copy(src_hbm.at[pl.ds(base, CH)], si, isem)
        pltpu.async_copy(dst_hbm.at[pl.ds(base, CH)], di, isem)

    def drain_idx(b, k):
        si, di, isem = bufs[b][0], bufs[b][1], bufs[b][8]
        base = pl.multiple_of(base0 + k * CH, 8)
        pltpu.make_async_copy(src_hbm.at[pl.ds(base, CH)], si, isem).wait()
        pltpu.make_async_copy(dst_hbm.at[pl.ds(base, CH)], di, isem).wait()

    def fire_gathers(b, k):
        si, di, gsrc, gdst, gnf, gee, gsem = bufs[b][:7]
        base = pl.multiple_of(base0 + k * CH, 8)
        pltpu.async_copy(esrc_hbm.at[si], gsrc, gsem)
        pltpu.async_copy(edst_hbm.at[di], gdst, gsem)
        pltpu.async_copy(nf_hbm.at[si], gnf, gsem)
        pltpu.async_copy(ee_hbm.at[pl.ds(base, CH)], gee, gsem)

    def drain_gathers(b, k):
        si, di, gsrc, gdst, gnf, gee, gsem = bufs[b][:7]
        base = pl.multiple_of(base0 + k * CH, 8)
        pltpu.make_async_copy(esrc_hbm.at[si], gsrc, gsem).wait()
        pltpu.make_async_copy(edst_hbm.at[di], gdst, gsem).wait()
        pltpu.make_async_copy(nf_hbm.at[si], gnf, gsem).wait()
        pltpu.make_async_copy(ee_hbm.at[pl.ds(base, CH)], gee, gsem).wait()

    def compute(b):
        gsrc, gdst, gnf, gee = bufs[b][2:6]

        @pl.loop(0, CH)
        def _row(r):
            for c in range(0, D, L):
                sl = pl.ds(c, L)
                mval = gsrc[r, sl] + gdst[r, sl] + gee[r, sl]
                gee[r, sl] = mval
                sig = 1.0 / (1.0 + jnp.exp(-mval))
                gnf[r, sl] = gnf[r, sl] * sig

    def fire_m_write(b, k):
        gee, wsem = bufs[b][5], bufs[b][7]
        base = pl.multiple_of(base0 + k * CH, 8)
        pltpu.async_copy(gee, m_hbm.at[pl.ds(base, CH)], wsem)

    def drain_m_write(b, k):
        gee, wsem = bufs[b][5], bufs[b][7]
        base = pl.multiple_of(base0 + k * CH, 8)
        pltpu.make_async_copy(gee, m_hbm.at[pl.ds(base, CH)], wsem).wait()

    def scatter_msg(b):
        gnf, dsc = bufs[b][4], bufs[b][9]
        pltpu.sync_copy(gnf, acc.at[dsc], add=True)

    def step(b, k, last):
        drain_gathers(b, k)
        snapshot_scatter_idx(b)
        if not last:
            fire_idx(b, k + 2)
        compute(b)
        fire_m_write(b, k)
        scatter_msg(b)
        drain_m_write(b, k)
        if not last:
            drain_idx(b, k + 2)
            fire_gathers(b, k + 2)

    fire_idx(0, 0)
    fire_idx(1, 1)
    drain_idx(0, 0)
    fire_gathers(0, 0)
    drain_idx(1, 1)
    fire_gathers(1, 1)

    @pl.loop(0, NCHUNK // 2 - 1)
    def _pair(t):
        step(0, 2 * t, False)
        step(1, 2 * t + 1, False)

    step(0, NCHUNK - 2, True)
    step(1, NCHUNK - 1, True)

    plsc.subcore_barrier()
    pltpu.sync_copy(acc.at[pl.ds(row0, ROWS_PT)],
                    sum_hbm.at[cid, pl.ds(row0, ROWS_PT)])


def _sc_gather_scatter(src, dst, e_src, e_dst, node_feats, e_edge, zrow):
    f32 = jnp.float32
    i32 = jnp.int32
    fn = pl.kernel(
        _sc_body,
        out_type=(jax.ShapeDtypeStruct((E, D), f32),
                  jax.ShapeDtypeStruct((NC, NP, D), f32)),
        mesh=plsc.VectorSubcoreMesh(core_axis_name="c", subcore_axis_name="s"),
        scratch_types=[
            pltpu.VMEM((CH,), i32),
            pltpu.VMEM((CH,), i32),
            pltpu.VMEM((CH,), i32),
            pltpu.VMEM((CH,), i32),
            pltpu.VMEM((CH,), i32),
            pltpu.VMEM((CH,), i32),
            pltpu.VMEM((CH, D), f32),
            pltpu.VMEM((CH, D), f32),
            pltpu.VMEM((CH, D), f32),
            pltpu.VMEM((CH, D), f32),
            pltpu.VMEM((CH, D), f32),
            pltpu.VMEM((CH, D), f32),
            pltpu.VMEM((CH, D), f32),
            pltpu.VMEM((CH, D), f32),
            pltpu.VMEM_SHARED((NP, D), f32),
            pltpu.SemaphoreType.DMA,
            pltpu.SemaphoreType.DMA,
            pltpu.SemaphoreType.DMA,
            pltpu.SemaphoreType.DMA,
            pltpu.SemaphoreType.DMA,
            pltpu.SemaphoreType.DMA,
        ],
    )
    return fn(src, dst, e_src, e_dst, node_feats, e_edge, zrow)


def _sc_deg_body(dst_hbm, zdeg_hbm, ones_hbm, deg_hbm, didx, ones_v, dacc):
    cid = lax.axis_index("c")
    sid = lax.axis_index("s")
    wid = sid * NC + cid
    base0 = pl.multiple_of(wid * EPW, 8)
    row0 = pl.multiple_of(sid * ROWS_PT, 8)

    pltpu.sync_copy(zdeg_hbm.at[pl.ds(row0, ROWS_PT)],
                    dacc.at[pl.ds(row0, ROWS_PT)])
    pltpu.sync_copy(ones_hbm, ones_v)
    plsc.subcore_barrier()

    @pl.loop(0, CDEG)
    def _chunk(k):
        base = pl.multiple_of(base0 + k * C, 8)
        pltpu.sync_copy(dst_hbm.at[pl.ds(base, C)], didx)
        pltpu.sync_copy(ones_v, dacc.at[didx], add=True)

    plsc.subcore_barrier()
    pltpu.sync_copy(dacc.at[pl.ds(row0, ROWS_PT)],
                    deg_hbm.at[cid, pl.ds(row0, ROWS_PT)])


def _sc_degree(dst, zdeg, ones):
    f32 = jnp.float32
    fn = pl.kernel(
        _sc_deg_body,
        out_type=jax.ShapeDtypeStruct((NC, NP, D), f32),
        mesh=plsc.VectorSubcoreMesh(core_axis_name="c", subcore_axis_name="s"),
        scratch_types=[
            pltpu.VMEM((C,), jnp.int32),
            pltpu.VMEM((C, D), f32),
            pltpu.VMEM_SHARED((NP, D), f32),
        ],
    )
    return fn(dst, zdeg, ones)


def _combine_body(sum_ref, deg_ref, selfp_ref, wneigh_ref, out_ref):
    s = sum_ref[0] + sum_ref[1]
    dg = deg_ref[0, :, 0:1] + deg_ref[1, :, 0:1]
    h = s / jnp.maximum(dg, 1.0)
    out_ref[...] = selfp_ref[...] + jnp.dot(
        h, wneigh_ref[...], preferred_element_type=jnp.float32)


def _combine(sums, degs, selfp, wneigh_t):
    row = pl.BlockSpec((_BN, D), lambda i: (i, 0))
    return pl.pallas_call(
        _combine_body,
        grid=(N // _BN,),
        in_specs=[pl.BlockSpec((NC, _BN, D), lambda i: (0, i, 0)),
                  pl.BlockSpec((NC, _BN, D), lambda i: (0, i, 0)),
                  row,
                  pl.BlockSpec((D, D), lambda i: (0, 0))],
        out_specs=row,
        out_shape=jax.ShapeDtypeStruct((N, D), jnp.float32),
    )(sums, degs, selfp, wneigh_t)


def kernel(node_feats, edge_index, edge_feats,
           W_src_gate, b_src_gate, W_dst_gate, b_dst_gate,
           W_edge_gate, b_edge_gate, W_self, W_neigh, bias):
    src = edge_index[0].astype(jnp.int32)
    dst = edge_index[1].astype(jnp.int32)

    e_src, e_dst, selfp = _node_pre(
        node_feats, W_src_gate.T, b_src_gate.reshape(1, D),
        W_dst_gate.T, b_dst_gate.reshape(1, D),
        W_self.T, bias.reshape(1, D))
    e_edge = _edge_pre(edge_feats, W_edge_gate.T, b_edge_gate.reshape(1, D))

    zrow = jnp.zeros((NP, D), jnp.float32)
    ones = jnp.ones((C, D), jnp.float32)
    degs = _sc_degree(dst, zrow, ones)
    m, sums = _sc_gather_scatter(src, dst, e_src, e_dst, node_feats,
                                 e_edge, zrow)

    rst = _combine(sums, degs, selfp, W_neigh.T)
    return (rst, m)

# --- scband reference (transcript-rebuilt; emitter-appended) ---
"""Pipeline reference for scband-sageconv-edge-residual-32031866093818 (READ-ONLY COPY).

The authoritative reference and input builder live on the scoring server;
editing this copy changes nothing except your own understanding.
"""

import jax, jax.numpy as jnp
import numpy as np

N_NODES = 10000
N_EDGES = 320000
D = 128


def _xavier(key, shape, gain):
    fan_in, fan_out = shape[1], shape[0]
    a = gain * float(np.sqrt(6.0 / (fan_in + fan_out)))
    return jax.random.uniform(key, shape, dtype=jnp.float32, minval=-a, maxval=a)


def setup_inputs(seed: int = 0) -> dict:
    key = jax.random.key(seed)
    ks = jax.random.split(key, 12)
    gain = float(np.sqrt(2.0))  # relu gain
    node_feats = jax.random.normal(ks[0], (N_NODES, D), dtype=jnp.float32)
    edge_index = jax.random.randint(ks[1], (2, N_EDGES), 0, N_NODES, dtype=jnp.int64)
    edge_feats = jax.random.normal(ks[2], (N_EDGES, D), dtype=jnp.float32)
    # gate linears use default torch Linear init (kaiming-uniform-ish); any
    # deterministic init is fine for a numerical reference
    bound = 1.0 / float(np.sqrt(D))
    W_src_gate = jax.random.uniform(ks[3], (D, D), jnp.float32, -bound, bound)
    b_src_gate = jax.random.uniform(ks[4], (D,), jnp.float32, -bound, bound)
    W_dst_gate = jax.random.uniform(ks[5], (D, D), jnp.float32, -bound, bound)
    b_dst_gate = jax.random.uniform(ks[6], (D,), jnp.float32, -bound, bound)
    W_edge_gate = jax.random.uniform(ks[7], (D, D), jnp.float32, -bound, bound)
    b_edge_gate = jax.random.uniform(ks[8], (D,), jnp.float32, -bound, bound)
    W_self = _xavier(ks[9], (D, D), gain)   # fc_self, no bias
    W_neigh = _xavier(ks[10], (D, D), gain)  # fc_neigh, no bias
    bias = jnp.zeros((D,), dtype=jnp.float32)
    return {
        "node_feats": node_feats,
        "edge_index": edge_index,
        "edge_feats": edge_feats,
        "W_src_gate": W_src_gate, "b_src_gate": b_src_gate,
        "W_dst_gate": W_dst_gate, "b_dst_gate": b_dst_gate,
        "W_edge_gate": W_edge_gate, "b_edge_gate": b_edge_gate,
        "W_self": W_self, "W_neigh": W_neigh, "bias": bias,
    }


def reference(node_feats, edge_index, edge_feats,
              W_src_gate, b_src_gate, W_dst_gate, b_dst_gate,
              W_edge_gate, b_edge_gate, W_self, W_neigh, bias):
    src = edge_index[0]
    dst = edge_index[1]
    n = node_feats.shape[0]
    e = edge_feats.shape[0]

    # edge gating: u_add_v(src_gate(x), dst_gate(x)) + edge_gate(e)
    e_src = node_feats @ W_src_gate.T + b_src_gate
    e_dst = node_feats @ W_dst_gate.T + b_dst_gate
    e_edge = edge_feats @ W_edge_gate.T + b_edge_gate
    m = jnp.take(e_src, src, axis=0) + jnp.take(e_dst, dst, axis=0) + e_edge
    sigma = jax.nn.sigmoid(m)

    # feat_drop is identity (p=0.0); lin_before_mp: 128 > 128 -> False
    feat_src = node_feats
    h_self = node_feats

    # message: u_mul_e(h, sigma); reduce: mean over incoming edges
    msg = jnp.take(feat_src, src, axis=0) * sigma
    summed = jax.ops.segment_sum(msg, dst, num_segments=n)
    deg = jax.ops.segment_sum(jnp.ones((e,), dtype=jnp.float32), dst, num_segments=n)
    h_neigh = summed / jnp.maximum(deg, 1.0)[:, None]  # mean; 0 for isolated dst
    h_neigh = h_neigh @ W_neigh.T

    rst = h_self @ W_self.T + h_neigh
    rst = rst + bias
    # no activation, no norm; residual=True
    rst = node_feats + rst
    return (rst, m)

if __name__ == "__main__":
    import jax
    _d = setup_inputs()
    print(jax.jit(kernel)(*tuple(_d.values())))

</pallas_src>

<mosaic_0001>
#map = affine_map<(d0, d1) -> (0)>
#map1 = affine_map<(d0, d1) -> (0, 0)>
#map2 = affine_map<(d0, d1) -> (0, 0, 0)>
module attributes {stable_mosaic.version = 14 : i64} {
  func.func @_sc_body(%arg0: i32, %arg1: i32, %arg2: memref<320000xi32, #tpu.memory_space<hbm>>, %arg3: memref<320000xi32, #tpu.memory_space<hbm>>, %arg4: memref<10000x128xf32, #tpu.memory_space<hbm>>, %arg5: memref<10000x128xf32, #tpu.memory_space<hbm>>, %arg6: memref<10000x128xf32, #tpu.memory_space<hbm>>, %arg7: memref<320000x128xf32, #tpu.memory_space<hbm>>, %arg8: memref<10240x128xf32, #tpu.memory_space<hbm>>, %arg9: memref<320000x128xf32, #tpu.memory_space<hbm>>, %arg10: memref<2x10240x128xf32, #tpu.memory_space<hbm>>, %arg11: memref<40xi32, #tpu.memory_space<vmem>>, %arg12: memref<40xi32, #tpu.memory_space<vmem>>, %arg13: memref<40xi32, #tpu.memory_space<vmem>>, %arg14: memref<40xi32, #tpu.memory_space<vmem>>, %arg15: memref<40xi32, #tpu.memory_space<vmem>>, %arg16: memref<40xi32, #tpu.memory_space<vmem>>, %arg17: memref<40x128xf32, #tpu.memory_space<vmem>>, %arg18: memref<40x128xf32, #tpu.memory_space<vmem>>, %arg19: memref<40x128xf32, #tpu.memory_space<vmem>>, %arg20: memref<40x128xf32, #tpu.memory_space<vmem>>, %arg21: memref<40x128xf32, #tpu.memory_space<vmem>>, %arg22: memref<40x128xf32, #tpu.memory_space<vmem>>, %arg23: memref<40x128xf32, #tpu.memory_space<vmem>>, %arg24: memref<40x128xf32, #tpu.memory_space<vmem>>, %arg25: memref<10240x128xf32, #tpu.memory_space<vmem_shared>>, %arg26: memref<!tpu.dma_semaphore, #tpu.memory_space<semaphore_mem>>, %arg27: memref<!tpu.dma_semaphore, #tpu.memory_space<semaphore_mem>>, %arg28: memref<!tpu.dma_semaphore, #tpu.memory_space<semaphore_mem>>, %arg29: memref<!tpu.dma_semaphore, #tpu.memory_space<semaphore_mem>>, %arg30: memref<!tpu.dma_semaphore, #tpu.memory_space<semaphore_mem>>, %arg31: memref<!tpu.dma_semaphore, #tpu.memory_space<semaphore_mem>>) attributes {dimension_semantics = [#tpu.dimension_semantics<core_parallel>, #tpu.dimension_semantics<subcore_parallel>], iteration_bounds = array<i64: 2, 16>, scalar_prefetch = 0 : i64, scratch_operands = 21 : i64, tpu.core_type = #tpu.core_type<sc_vector_subcore>, window_params = [{transform_indices = #map}, {transform_indices = #map}, {transform_indices = #map1}, {transform_indices = #map1}, {transform_indices = #map1}, {transform_indices = #map1}, {transform_indices = #map1}, {transform_indices = #map1}, {transform_indices = #map2}]} {
    %mul3A = arith.constant 2 : i32
    %mul3A_0 = arith.muli %arg1, %mul3A : i32
    %add3A = arith.addi %mul3A_0, %arg0 : i32
    %mul3A_1 = arith.constant 10000 : i32
    %mul3A_2 = arith.muli %add3A, %mul3A_1 : i32
    %multiple_of3A = tpu.assume_multiple %mul3A_2, 8 : i32
    %mul3A_3 = arith.constant 640 : i32
    %mul3A_4 = arith.muli %arg1, %mul3A_3 : i32
    %multiple_of3A_5 = tpu.assume_multiple %mul3A_4, 8 : i32
    "tpu.region"() ({
      %run_scoped3A = tpu.sem_alloc : memref<!tpu.dma_semaphore, #tpu.memory_space<semaphore_mem>>
      %dma_start3A_179 = arith.constant 0 : i32
      %dma_start3A_180 = tpu.memref_slice %arg25[%multiple_of3A_5, %dma_start3A_179] : memref<10240x128xf32, #tpu.memory_space<vmem_shared>> -> memref<640x128xf32, #tpu.memory_space<vmem_shared>>
      %dma_start3A_181 = arith.constant 0 : i32
      %dma_start3A_182 = tpu.memref_slice %arg8[%multiple_of3A_5, %dma_start3A_181] : memref<10240x128xf32, #tpu.memory_space<hbm>> -> memref<640x128xf32, #tpu.memory_space<hbm>>
      tpu.enqueue_dma source(%dma_start3A_182 : memref<640x128xf32, #tpu.memory_space<hbm>>) target(%dma_start3A_180 : memref<640x128xf32, #tpu.memory_space<vmem_shared>>) target_semaphore(%run_scoped3A : memref<!tpu.dma_semaphore, #tpu.memory_space<semaphore_mem>>)
      %dma_wait3A_183 = arith.constant 0 : i32
      %dma_wait3A_184 = tpu.memref_slice %arg25[%multiple_of3A_5, %dma_wait3A_183] : memref<10240x128xf32, #tpu.memory_space<vmem_shared>> -> memref<640x128xf32, #tpu.memory_space<vmem_shared>>
      %dma_wait3A_185 = arith.constant 0 : i32
      %dma_wait3A_186 = tpu.memref_slice %arg8[%multiple_of3A_5, %dma_wait3A_185] : memref<10240x128xf32, #tpu.memory_space<hbm>> -> memref<640x128xf32, #tpu.memory_space<hbm>>
      tpu.wait_dma2 semaphore(%run_scoped3A : memref<!tpu.dma_semaphore, #tpu.memory_space<semaphore_mem>>) src(%dma_wait3A_186 : memref<640x128xf32, #tpu.memory_space<hbm>>) dst(%dma_wait3A_184 : memref<640x128xf32, #tpu.memory_space<vmem_shared>>)
      tpu.yield
    }) : () -> ()
    %barrier3A = arith.constant 0 : index
    tpu.barrier barrier_id(%barrier3A)
    %add3A_6 = arith.constant 0 : i32
    %add3A_7 = arith.addi %multiple_of3A, %add3A_6 : i32
    %multiple_of3A_8 = tpu.assume_multiple %add3A_7, 8 : i32
    %dma_start3A = tpu.memref_slice %arg2[%multiple_of3A_8] : memref<320000xi32, #tpu.memory_space<hbm>> -> memref<40xi32, #tpu.memory_space<hbm>>
    %dma_start3A_9 = tpu.memref_slice %arg2[%multiple_of3A_8] : memref<320000xi32, #tpu.memory_space<hbm>> -> memref<40xi32, #tpu.memory_space<hbm>>
    tpu.enqueue_dma source(%dma_start3A_9 : memref<40xi32, #tpu.memory_space<hbm>>) target(%arg11 : memref<40xi32, #tpu.memory_space<vmem>>) target_semaphore(%arg30 : memref<!tpu.dma_semaphore, #tpu.memory_space<semaphore_mem>>)
    %dma_start3A_10 = tpu.memref_slice %arg3[%multiple_of3A_8] : memref<320000xi32, #tpu.memory_space<hbm>> -> memref<40xi32, #tpu.memory_space<hbm>>
    %dma_start3A_11 = tpu.memref_slice %arg3[%multiple_of3A_8] : memref<320000xi32, #tpu.memory_space<hbm>> -> memref<40xi32, #tpu.memory_space<hbm>>
    tpu.enqueue_dma source(%dma_start3A_11 : memref<40xi32, #tpu.memory_space<hbm>>) target(%arg12 : memref<40xi32, #tpu.memory_space<vmem>>) target_semaphore(%arg30 : memref<!tpu.dma_semaphore, #tpu.memory_space<semaphore_mem>>)
    %add3A_12 = arith.constant 40 : i32
    %add3A_13 = arith.addi %multiple_of3A, %add3A_12 : i32
    %multiple_of3A_14 = tpu.assume_multiple %add3A_13, 8 : i32
    %dma_start3A_15 = tpu.memref_slice %arg2[%multiple_of3A_14] : memref<320000xi32, #tpu.memory_space<hbm>> -> memref<40xi32, #tpu.memory_space<hbm>>
    %dma_start3A_16 = tpu.memref_slice %arg2[%multiple_of3A_14] : memref<320000xi32, #tpu.memory_space<hbm>> -> memref<40xi32, #tpu.memory_space<hbm>>
    tpu.enqueue_dma source(%dma_start3A_16 : memref<40xi32, #tpu.memory_space<hbm>>) target(%arg13 : memref<40xi32, #tpu.memory_space<vmem>>) target_semaphore(%arg31 : memref<!tpu.dma_semaphore, #tpu.memory_space<semaphore_mem>>)
    %dma_start3A_17 = tpu.memref_slice %arg3[%multiple_of3A_14] : memref<320000xi32, #tpu.memory_space<hbm>> -> memref<40xi32, #tpu.memory_space<hbm>>
    %dma_start3A_18 = tpu.memref_slice %arg3[%multiple_of3A_14] : memref<320000xi32, #tpu.memory_space<hbm>> -> memref<40xi32, #tpu.memory_space<hbm>>
    tpu.enqueue_dma source(%dma_start3A_18 : memref<40xi32, #tpu.memory_space<hbm>>) target(%arg14 : memref<40xi32, #tpu.memory_space<vmem>>) target_semaphore(%arg31 : memref<!tpu.dma_semaphore, #tpu.memory_space<semaphore_mem>>)
    %add3A_19 = arith.constant 0 : i32
    %add3A_20 = arith.addi %multiple_of3A, %add3A_19 : i32
    %multiple_of3A_21 = tpu.assume_multiple %add3A_20, 8 : i32
    %dma_wait3A = tpu.memref_slice %arg2[%multiple_of3A_21] : memref<320000xi32, #tpu.memory_space<hbm>> -> memref<40xi32, #tpu.memory_space<hbm>>
    %dma_wait3A_22 = tpu.memref_slice %arg2[%multiple_of3A_21] : memref<320000xi32, #tpu.memory_space<hbm>> -> memref<40xi32, #tpu.memory_space<hbm>>
    tpu.wait_dma2 semaphore(%arg30 : memref<!tpu.dma_semaphore, #tpu.memory_space<semaphore_mem>>) src(%dma_wait3A_22 : memref<40xi32, #tpu.memory_space<hbm>>) dst(%arg11 : memref<40xi32, #tpu.memory_space<vmem>>)
    %dma_wait3A_23 = tpu.memref_slice %arg3[%multiple_of3A_21] : memref<320000xi32, #tpu.memory_space<hbm>> -> memref<40xi32, #tpu.memory_space<hbm>>
    %dma_wait3A_24 = tpu.memref_slice %arg3[%multiple_of3A_21] : memref<320000xi32, #tpu.memory_space<hbm>> -> memref<40xi32, #tpu.memory_space<hbm>>
    tpu.wait_dma2 semaphore(%arg30 : memref<!tpu.dma_semaphore, #tpu.memory_space<semaphore_mem>>) src(%dma_wait3A_24 : memref<40xi32, #tpu.memory_space<hbm>>) dst(%arg12 : memref<40xi32, #tpu.memory_space<vmem>>)
    %add3A_25 = arith.constant 0 : i32
    %add3A_26 = arith.addi %multiple_of3A, %add3A_25 : i32
    %multiple_of3A_27 = tpu.assume_multiple %add3A_26, 8 : i32
    %dma_start3A_28 = arith.constant 0 : i32
    %dma_start3A_29 = arith.constant 0 : i32
    %dma_start3A_30 = tpu.memref_slice %arg4[%dma_start3A_28, %dma_start3A_29] : memref<10000x128xf32, #tpu.memory_space<hbm>> -> memref<10000x128xf32, #tpu.memory_space<hbm>>
    tpu.enqueue_indirect_dma source(%dma_start3A_30 : memref<10000x128xf32, #tpu.memory_space<hbm>>) target(%arg17 : memref<40x128xf32, #tpu.memory_space<vmem>>) offsets(%arg11 : memref<40xi32, #tpu.memory_space<vmem>>) semaphore(%arg26 : memref<!tpu.dma_semaphore, #tpu.memory_space<semaphore_mem>>)
    %dma_start3A_31 = arith.constant 0 : i32
    %dma_start3A_32 = arith.constant 0 : i32
    %dma_start3A_33 = tpu.memref_slice %arg5[%dma_start3A_31, %dma_start3A_32] : memref<10000x128xf32, #tpu.memory_space<hbm>> -> memref<10000x128xf32, #tpu.memory_space<hbm>>
    tpu.enqueue_indirect_dma source(%dma_start3A_33 : memref<10000x128xf32, #tpu.memory_space<hbm>>) target(%arg18 : memref<40x128xf32, #tpu.memory_space<vmem>>) offsets(%arg12 : memref<40xi32, #tpu.memory_space<vmem>>) semaphore(%arg26 : memref<!tpu.dma_semaphore, #tpu.memory_space<semaphore_mem>>)
    %dma_start3A_34 = arith.constant 0 : i32
    %dma_start3A_35 = arith.constant 0 : i32
    %dma_start3A_36 = tpu.memref_slice %arg6[%dma_start3A_34, %dma_start3A_35] : memref<10000x128xf32, #tpu.memory_space<hbm>> -> memref<10000x128xf32, #tpu.memory_space<hbm>>
    tpu.enqueue_indirect_dma source(%dma_start3A_36 : memref<10000x128xf32, #tpu.memory_space<hbm>>) target(%arg19 : memref<40x128xf32, #tpu.memory_space<vmem>>) offsets(%arg11 : memref<40xi32, #tpu.memory_space<vmem>>) semaphore(%arg26 : memref<!tpu.dma_semaphore, #tpu.memory_space<semaphore_mem>>)
    %dma_start3A_37 = arith.constant 0 : i32
    %dma_start3A_38 = tpu.memref_slice %arg7[%multiple_of3A_27, %dma_start3A_37] : memref<320000x128xf32, #tpu.memory_space<hbm>> -> memref<40x128xf32, #tpu.memory_space<hbm>>
    %dma_start3A_39 = arith.constant 0 : i32
    %dma_start3A_40 = tpu.memref_slice %arg7[%multiple_of3A_27, %dma_start3A_39] : memref<320000x128xf32, #tpu.memory_space<hbm>> -> memref<40x128xf32, #tpu.memory_space<hbm>>
    tpu.enqueue_dma source(%dma_start3A_40 : memref<40x128xf32, #tpu.memory_space<hbm>>) target(%arg20 : memref<40x128xf32, #tpu.memory_space<vmem>>) target_semaphore(%arg26 : memref<!tpu.dma_semaphore, #tpu.memory_space<semaphore_mem>>)
    %add3A_41 = arith.constant 40 : i32
    %add3A_42 = arith.addi %multiple_of3A, %add3A_41 : i32
    %multiple_of3A_43 = tpu.assume_multiple %add3A_42, 8 : i32
    %dma_wait3A_44 = tpu.memref_slice %arg2[%multiple_of3A_43] : memref<320000xi32, #tpu.memory_space<hbm>> -> memref<40xi32, #tpu.memory_space<hbm>>
    %dma_wait3A_45 = tpu.memref_slice %arg2[%multiple_of3A_43] : memref<320000xi32, #tpu.memory_space<hbm>> -> memref<40xi32, #tpu.memory_space<hbm>>
    tpu.wait_dma2 semaphore(%arg31 : memref<!tpu.dma_semaphore, #tpu.memory_space<semaphore_mem>>) src(%dma_wait3A_45 : memref<40xi32, #tpu.memory_space<hbm>>) dst(%arg13 : memref<40xi32, #tpu.memory_space<vmem>>)
    %dma_wait3A_46 = tpu.memref_slice %arg3[%multiple_of3A_43] : memref<320000xi32, #tpu.memory_space<hbm>> -> memref<40xi32, #tpu.memory_space<hbm>>
    %dma_wait3A_47 = tpu.memref_slice %arg3[%multiple_of3A_43] : memref<320000xi32, #tpu.memory_space<hbm>> -> memref<40xi32, #tpu.memory_space<hbm>>
    tpu.wait_dma2 semaphore(%arg31 : memref<!tpu.dma_semaphore, #tpu.memory_space<semaphore_mem>>) src(%dma_wait3A_47 : memref<40xi32, #tpu.memory_space<hbm>>) dst(%arg14 : memref<40xi32, #tpu.memory_space<vmem>>)
    %add3A_48 = arith.constant 40 : i32
    %add3A_49 = arith.addi %multiple_of3A, %add3A_48 : i32
    %multiple_of3A_50 = tpu.assume_multiple %add3A_49, 8 : i32
    %dma_start3A_51 = arith.constant 0 : i32
    %dma_start3A_52 = arith.constant 0 : i32
    %dma_start3A_53 = tpu.memref_slice %arg4[%dma_start3A_51, %dma_start3A_52] : memref<10000x128xf32, #tpu.memory_space<hbm>> -> memref<10000x128xf32, #tpu.memory_space<hbm>>
    tpu.enqueue_indirect_dma source(%dma_start3A_53 : memref<10000x128xf32, #tpu.memory_space<hbm>>) target(%arg21 : memref<40x128xf32, #tpu.memory_space<vmem>>) offsets(%arg13 : memref<40xi32, #tpu.memory_space<vmem>>) semaphore(%arg27 : memref<!tpu.dma_semaphore, #tpu.memory_space<semaphore_mem>>)
    %dma_start3A_54 = arith.constant 0 : i32
    %dma_start3A_55 = arith.constant 0 : i32
    %dma_start3A_56 = tpu.memref_slice %arg5[%dma_start3A_54, %dma_start3A_55] : memref<10000x128xf32, #tpu.memory_space<hbm>> -> memref<10000x128xf32, #tpu.memory_space<hbm>>
    tpu.enqueue_indirect_dma source(%dma_start3A_56 : memref<10000x128xf32, #tpu.memory_space<hbm>>) target(%arg22 : memref<40x128xf32, #tpu.memory_space<vmem>>) offsets(%arg14 : memref<40xi32, #tpu.memory_space<vmem>>) semaphore(%arg27 : memref<!tpu.dma_semaphore, #tpu.memory_space<semaphore_mem>>)
    %dma_start3A_57 = arith.constant 0 : i32
    %dma_start3A_58 = arith.constant 0 : i32
    %dma_start3A_59 = tpu.memref_slice %arg6[%dma_start3A_57, %dma_start3A_58] : memref<10000x128xf32, #tpu.memory_space<hbm>> -> memref<10000x128xf32, #tpu.memory_space<hbm>>
    tpu.enqueue_indirect_dma source(%dma_start3A_59 : memref<10000x128xf32, #tpu.memory_space<hbm>>) target(%arg23 : memref<40x128xf32, #tpu.memory_space<vmem>>) offsets(%arg13 : memref<40xi32, #tpu.memory_space<vmem>>) semaphore(%arg27 : memref<!tpu.dma_semaphore, #tpu.memory_space<semaphore_mem>>)
    %dma_start3A_60 = arith.constant 0 : i32
    %dma_start3A_61 = tpu.memref_slice %arg7[%multiple_of3A_50, %dma_start3A_60] : memref<320000x128xf32, #tpu.memory_space<hbm>> -> memref<40x128xf32, #tpu.memory_space<hbm>>
    %dma_start3A_62 = arith.constant 0 : i32
    %dma_start3A_63 = tpu.memref_slice %arg7[%multiple_of3A_50, %dma_start3A_62] : memref<320000x128xf32, #tpu.memory_space<hbm>> -> memref<40x128xf32, #tpu.memory_space<hbm>>
    tpu.enqueue_dma source(%dma_start3A_63 : memref<40x128xf32, #tpu.memory_space<hbm>>) target(%arg24 : memref<40x128xf32, #tpu.memory_space<vmem>>) target_semaphore(%arg27 : memref<!tpu.dma_semaphore, #tpu.memory_space<semaphore_mem>>)
    %scan3A = arith.constant 0 : i32
    %scan3A_64 = arith.constant 124 : i32
    %scan3A_65 = arith.addi %scan3A, %scan3A_64 : i32
    %scan3A_66 = arith.constant 1 : i32
    scf.for %scan3A_179 = %scan3A to %scan3A_65 step %scan3A_66  : i32 {
      %mul3A_180 = arith.constant 1 : i32
      %mul3A_181 = arith.muli %scan3A_179, %mul3A_180 : i32
      %add3A_182 = arith.constant 0 : i32
      %add3A_183 = arith.addi %add3A_182, %mul3A_181 : i32
      %mul3A_184 = arith.constant 2 : i32
      %mul3A_185 = arith.muli %mul3A_184, %add3A_183 : i32
      %mul3A_186 = arith.constant 40 : i32
      %mul3A_187 = arith.muli %mul3A_185, %mul3A_186 : i32
      %add3A_188 = arith.addi %multiple_of3A, %mul3A_187 : i32
      %multiple_of3A_189 = tpu.assume_multiple %add3A_188, 8 : i32
      %dma_wait3A_190 = arith.constant 0 : i32
      %dma_wait3A_191 = arith.constant 0 : i32
      %dma_wait3A_192 = tpu.memref_slice %arg4[%dma_wait3A_190, %dma_wait3A_191] : memref<10000x128xf32, #tpu.memory_space<hbm>> -> memref<10000x128xf32, #tpu.memory_space<hbm>>
      tpu.wait_indirect_dma semaphore(%arg26 : memref<!tpu.dma_semaphore, #tpu.memory_space<semaphore_mem>>) src(%dma_wait3A_192 : memref<10000x128xf32, #tpu.memory_space<hbm>>) dst(%arg17 : memref<40x128xf32, #tpu.memory_space<vmem>>)
      %dma_wait3A_193 = arith.constant 0 : i32
      %dma_wait3A_194 = arith.constant 0 : i32
      %dma_wait3A_195 = tpu.memref_slice %arg5[%dma_wait3A_193, %dma_wait3A_194] : memref<10000x128xf32, #tpu.memory_space<hbm>> -> memref<10000x128xf32, #tpu.memory_space<hbm>>
      tpu.wait_indirect_dma semaphore(%arg26 : memref<!tpu.dma_semaphore, #tpu.memory_space<semaphore_mem>>) src(%dma_wait3A_195 : memref<10000x128xf32, #tpu.memory_space<hbm>>) dst(%arg18 : memref<40x128xf32, #tpu.memory_space<vmem>>)
      %dma_wait3A_196 = arith.constant 0 : i32
      %dma_wait3A_197 = arith.constant 0 : i32
      %dma_wait3A_198 = tpu.memref_slice %arg6[%dma_wait3A_196, %dma_wait3A_197] : memref<10000x128xf32, #tpu.memory_space<hbm>> -> memref<10000x128xf32, #tpu.memory_space<hbm>>
      tpu.wait_indirect_dma semaphore(%arg26 : memref<!tpu.dma_semaphore, #tpu.memory_space<semaphore_mem>>) src(%dma_wait3A_198 : memref<10000x128xf32, #tpu.memory_space<hbm>>) dst(%arg19 : memref<40x128xf32, #tpu.memory_space<vmem>>)
      %dma_wait3A_199 = arith.constant 0 : i32
      %dma_wait3A_200 = tpu.memref_slice %arg7[%multiple_of3A_189, %dma_wait3A_199] : memref<320000x128xf32, #tpu.memory_space<hbm>> -> memref<40x128xf32, #tpu.memory_space<hbm>>
      %dma_wait3A_201 = arith.constant 0 : i32
      %dma_wait3A_202 = tpu.memref_slice %arg7[%multiple_of3A_189, %dma_wait3A_201] : memref<320000x128xf32, #tpu.memory_space<hbm>> -> memref<40x128xf32, #tpu.memory_space<hbm>>
      tpu.wait_dma2 semaphore(%arg26 : memref<!tpu.dma_semaphore, #tpu.memory_space<semaphore_mem>>) src(%dma_wait3A_202 : memref<40x128xf32, #tpu.memory_space<hbm>>) dst(%arg20 : memref<40x128xf32, #tpu.memory_space<vmem>>)
      %get3A_203 = arith.constant 0 : index
      %get3A_204 = tpu.vector_load %arg12[%get3A_203] {strides = array<i32>} : memref<40xi32, #tpu.memory_space<vmem>>, vector<16xi32>,
      %get3A_205 = vector.shape_cast %get3A_204 : vector<16xi32> to vector<16xi32>
      %swap3A_206 = arith.constant 0 : index
      %swap3A_207 = tpu.vector_load %arg15[%swap3A_206] {strides = array<i32>} : memref<40xi32, #tpu.memory_space<vmem>>, vector<16xi32>,
      %swap3A_208 = vector.shape_cast %swap3A_207 : vector<16xi32> to vector<16xi32>
      %swap3A_209 = vector.shape_cast %get3A_205 : vector<16xi32> to vector<16xi32>
      tpu.vector_store %arg15[%swap3A_206], %swap3A_209 {strides = array<i32>} : memref<40xi32, #tpu.memory_space<vmem>>, vector<16xi32>,
      %get3A_210 = arith.constant 16 : index
      %get3A_211 = tpu.vector_load %arg12[%get3A_210] {strides = array<i32>} : memref<40xi32, #tpu.memory_space<vmem>>, vector<16xi32>,
      %get3A_212 = vector.shape_cast %get3A_211 : vector<16xi32> to vector<16xi32>
      %swap3A_213 = arith.constant 16 : index
      %swap3A_214 = tpu.vector_load %arg15[%swap3A_213] {strides = array<i32>} : memref<40xi32, #tpu.memory_space<vmem>>, vector<16xi32>,
      %swap3A_215 = vector.shape_cast %swap3A_214 : vector<16xi32> to vector<16xi32>
      %swap3A_216 = vector.shape_cast %get3A_212 : vector<16xi32> to vector<16xi32>
      tpu.vector_store %arg15[%swap3A_213], %swap3A_216 {strides = array<i32>} : memref<40xi32, #tpu.memory_space<vmem>>, vector<16xi32>,
      %get3A_217 = arith.constant 24 : index
      %get3A_218 = tpu.vector_load %arg12[%get3A_217] {strides = array<i32>} : memref<40xi32, #tpu.memory_space<vmem>>, vector<16xi32>,
      %get3A_219 = vector.shape_cast %get3A_218 : vector<16xi32> to vector<16xi32>
      %swap3A_220 = arith.constant 24 : index
      %swap3A_221 = tpu.vector_load %arg15[%swap3A_220] {strides = array<i32>} : memref<40xi32, #tpu.memory_space<vmem>>, vector<16xi32>,
      %swap3A_222 = vector.shape_cast %swap3A_221 : vector<16xi32> to vector<16xi32>
      %swap3A_223 = vector.shape_cast %get3A_219 : vector<16xi32> to vector<16xi32>
      tpu.vector_store %arg15[%swap3A_220], %swap3A_223 {strides = array<i32>} : memref<40xi32, #tpu.memory_space<vmem>>, vector<16xi32>,
      %add3A_224 = arith.constant 2 : i32
      %add3A_225 = arith.addi %mul3A_185, %add3A_224 : i32
      %mul3A_226 = arith.constant 40 : i32
      %mul3A_227 = arith.muli %add3A_225, %mul3A_226 : i32
      %add3A_228 = arith.addi %multiple_of3A, %mul3A_227 : i32
      %multiple_of3A_229 = tpu.assume_multiple %add3A_228, 8 : i32
      %dma_start3A_230 = tpu.memref_slice %arg2[%multiple_of3A_229] : memref<320000xi32, #tpu.memory_space<hbm>> -> memref<40xi32, #tpu.memory_space<hbm>>
      %dma_start3A_231 = tpu.memref_slice %arg2[%multiple_of3A_229] : memref<320000xi32, #tpu.memory_space<hbm>> -> memref<40xi32, #tpu.memory_space<hbm>>
      tpu.enqueue_dma source(%dma_start3A_231 : memref<40xi32, #tpu.memory_space<hbm>>) target(%arg11 : memref<40xi32, #tpu.memory_space<vmem>>) target_semaphore(%arg30 : memref<!tpu.dma_semaphore, #tpu.memory_space<semaphore_mem>>)
      %dma_start3A_232 = tpu.memref_slice %arg3[%multiple_of3A_229] : memref<320000xi32, #tpu.memory_space<hbm>> -> memref<40xi32, #tpu.memory_space<hbm>>
      %dma_start3A_233 = tpu.memref_slice %arg3[%multiple_of3A_229] : memref<320000xi32, #tpu.memory_space<hbm>> -> memref<40xi32, #tpu.memory_space<hbm>>
      tpu.enqueue_dma source(%dma_start3A_233 : memref<40xi32, #tpu.memory_space<hbm>>) target(%arg12 : memref<40xi32, #tpu.memory_space<vmem>>) target_semaphore(%arg30 : memref<!tpu.dma_semaphore, #tpu.memory_space<semaphore_mem>>)
      %scan3A_234 = arith.constant 0 : i32
      %scan3A_235 = arith.constant 40 : i32
      %scan3A_236 = arith.addi %scan3A_234, %scan3A_235 : i32
      %scan3A_237 = arith.constant 1 : i32
      scf.for %scan3A_386 = %scan3A_234 to %scan3A_236 step %scan3A_237  : i32 {
        %mul3A_387 = arith.constant 1 : i32
        %mul3A_388 = arith.muli %scan3A_386, %mul3A_387 : i32
        %add3A_389 = arith.constant 0 : i32
        %add3A_390 = arith.addi %add3A_389, %mul3A_388 : i32
        %get3A_391 = arith.index_cast %add3A_390 : i32 to index
        %get3A_392 = arith.constant 0 : index
        %get3A_393 = tpu.vector_load %arg17[%get3A_391, %get3A_392] {strides = array<i32>} : memref<40x128xf32, #tpu.memory_space<vmem>>, vector<1x16xf32>,
        %get3A_394 = vector.shape_cast %get3A_393 : vector<1x16xf32> to vector<16xf32>
        %get3A_395 = arith.index_cast %add3A_390 : i32 to index
        %get3A_396 = arith.constant 0 : index
        %get3A_397 = tpu.vector_load %arg18[%get3A_395, %get3A_396] {strides = array<i32>} : memref<40x128xf32, #tpu.memory_space<vmem>>, vector<1x16xf32>,
        %get3A_398 = vector.shape_cast %get3A_397 : vector<1x16xf32> to vector<16xf32>
        %add3A_399 = arith.addf %get3A_394, %get3A_398 : vector<16xf32>
        %get3A_400 = arith.index_cast %add3A_390 : i32 to index
        %get3A_401 = arith.constant 0 : index
        %get3A_402 = tpu.vector_load %arg20[%get3A_400, %get3A_401] {strides = array<i32>} : memref<40x128xf32, #tpu.memory_space<vmem>>, vector<1x16xf32>,
        %get3A_403 = vector.shape_cast %get3A_402 : vector<1x16xf32> to vector<16xf32>
        %add3A_404 = arith.addf %add3A_399, %get3A_403 : vector<16xf32>
        %swap3A_405 = arith.index_cast %add3A_390 : i32 to index
        %swap3A_406 = arith.constant 0 : index
        %swap3A_407 = tpu.vector_load %arg20[%swap3A_405, %swap3A_406] {strides = array<i32>} : memref<40x128xf32, #tpu.memory_space<vmem>>, vector<1x16xf32>,
        %swap3A_408 = vector.shape_cast %swap3A_407 : vector<1x16xf32> to vector<16xf32>
        %swap3A_409 = vector.shape_cast %add3A_404 : vector<16xf32> to vector<1x16xf32>
        tpu.vector_store %arg20[%swap3A_405, %swap3A_406], %swap3A_409 {strides = array<i32>} : memref<40x128xf32, #tpu.memory_space<vmem>>, vector<1x16xf32>,
        %neg3A = arith.constant 0.000000e+00 : f32
        %neg3A_410 = vector.broadcast %neg3A : f32 to vector<16xf32>
        %neg3A_411 = arith.subf %neg3A_410, %add3A_404 : vector<16xf32>
        %exp3A = math.exp %neg3A_411 : vector<16xf32>
        %add3A_412 = arith.constant 1.000000e+00 : f32
        %add3A_413 = vector.broadcast %add3A_412 : f32 to vector<16xf32>
        %add3A_414 = arith.addf %add3A_413, %exp3A : vector<16xf32>
        %div3A = arith.constant 1.000000e+00 : f32
        %div3A_415 = vector.broadcast %div3A : f32 to vector<16xf32>
        %div3A_416 = arith.divf %div3A_415, %add3A_414 : vector<16xf32>
        %get3A_417 = arith.index_cast %add3A_390 : i32 to index
        %get3A_418 = arith.constant 0 : index
        %get3A_419 = tpu.vector_load %arg19[%get3A_417, %get3A_418] {strides = array<i32>} : memref<40x128xf32, #tpu.memory_space<vmem>>, vector<1x16xf32>,
        %get3A_420 = vector.shape_cast %get3A_419 : vector<1x16xf32> to vector<16xf32>
        %mul3A_421 = arith.mulf %get3A_420, %div3A_416 : vector<16xf32>
        %swap3A_422 = arith.index_cast %add3A_390 : i32 to index
        %swap3A_423 = arith.constant 0 : index
        %swap3A_424 = tpu.vector_load %arg19[%swap3A_422, %swap3A_423] {strides = array<i32>} : memref<40x128xf32, #tpu.memory_space<vmem>>, vector<1x16xf32>,
        %swap3A_425 = vector.shape_cast %swap3A_424 : vector<1x16xf32> to vector<16xf32>
        %swap3A_426 = vector.shape_cast %mul3A_421 : vector<16xf32> to vector<1x16xf32>
        tpu.vector_store %arg19[%swap3A_422, %swap3A_423], %swap3A_426 {strides = array<i32>} : memref<40x128xf32, #tpu.memory_space<vmem>>, vector<1x16xf32>,
        %get3A_427 = arith.index_cast %add3A_390 : i32 to index
        %get3A_428 = arith.constant 16 : index
        %get3A_429 = tpu.vector_load %arg17[%get3A_427, %get3A_428] {strides = array<i32>} : memref<40x128xf32, #tpu.memory_space<vmem>>, vector<1x16xf32>,
        %get3A_430 = vector.shape_cast %get3A_429 : vector<1x16xf32> to vector<16xf32>
        %get3A_431 = arith.index_cast %add3A_390 : i32 to index
        %get3A_432 = arith.constant 16 : index
        %get3A_433 = tpu.vector_load %arg18[%get3A_431, %get3A_432] {strides = array<i32>} : memref<40x128xf32, #tpu.memory_space<vmem>>, vector<1x16xf32>,
        %get3A_434 = vector.shape_cast %get3A_433 : vector<1x16xf32> to vector<16xf32>
        %add3A_435 = arith.addf %get3A_430, %get3A_434 : vector<16xf32>
        %get3A_436 = arith.index_cast %add3A_390 : i32 to index
        %get3A_437 = arith.constant 16 : index
        %get3A_438 = tpu.vector_load %arg20[%get3A_436, %get3A_437] {strides = array<i32>} : memref<40x128xf32, #tpu.memory_space<vmem>>, vector<1x16xf32>,
        %get3A_439 = vector.shape_cast %get3A_438 : vector<1x16xf32> to vector<16xf32>
        %add3A_440 = arith.addf %add3A_435, %get3A_439 : vector<16xf32>
        %swap3A_441 = arith.index_cast %add3A_390 : i32 to index
        %swap3A_442 = arith.constant 16 : index
        %swap3A_443 = tpu.vector_load %arg20[%swap3A_441, %swap3A_442] {strides = array<i32>} : memref<40x128xf32, #tpu.memory_space<vmem>>, vector<1x16xf32>,
        %swap3A_444 = vector.shape_cast %swap3A_443 : vector<1x16xf32> to vector<16xf32>
        %swap3A_445 = vector.shape_cast %add3A_440 : vector<16xf32> to vector<1x16xf32>
        tpu.vector_store %arg20[%swap3A_441, %swap3A_442], %swap3A_445 {strides = array<i32>} : memref<40x128xf32, #tpu.memory_space<vmem>>, vector<1x16xf32>,
        %neg3A_446 = arith.constant 0.000000e+00 : f32
        %neg3A_447 = vector.broadcast %neg3A_446 : f32 to vector<16xf32>
        %neg3A_448 = arith.subf %neg3A_447, %add3A_440 : vector<16xf32>
        %exp3A_449 = math.exp %neg3A_448 : vector<16xf32>
        %add3A_450 = arith.constant 1.000000e+00 : f32
        %add3A_451 = vector.broadcast %add3A_450 : f32 to vector<16xf32>
        %add3A_452 = arith.addf %add3A_451, %exp3A_449 : vector<16xf32>
        %div3A_453 = arith.constant 1.000000e+00 : f32
        %div3A_454 = vector.broadcast %div3A_453 : f32 to vector<16xf32>
        %div3A_455 = arith.divf %div3A_454, %add3A_452 : vector<16xf32>
        %get3A_456 = arith.index_cast %add3A_390 : i32 to index
        %get3A_457 = arith.constant 16 : index
        %get3A_458 = tpu.vector_load %arg19[%get3A_456, %get3A_457] {strides = array<i32>} : memref<40x128xf32, #tpu.memory_space<vmem>>, vector<1x16xf32>,
        %get3A_459 = vector.shape_cast %get3A_458 : vector<1x16xf32> to vector<16xf32>
        %mul3A_460 = arith.mulf %get3A_459, %div3A_455 : vector<16xf32>
        %swap3A_461 = arith.index_cast %add3A_390 : i32 to index
        %swap3A_462 = arith.constant 16 : index
        %swap3A_463 = tpu.vector_load %arg19[%swap3A_461, %swap3A_462] {strides = array<i32>} : memref<40x128xf32, #tpu.memory_space<vmem>>, vector<1x16xf32>,
        %swap3A_464 = vector.shape_cast %swap3A_463 : vector<1x16xf32> to vector<16xf32>
        %swap3A_465 = vector.shape_cast %mul3A_460 : vector<16xf32> to vector<1x16xf32>
        tpu.vector_store %arg19[%swap3A_461, %swap3A_462], %swap3A_465 {strides = array<i32>} : memref<40x128xf32, #tpu.memory_space<vmem>>, vector<1x16xf32>,
        %get3A_466 = arith.index_cast %add3A_390 : i32 to index
        %get3A_467 = arith.constant 32 : index
        %get3A_468 = tpu.vector_load %arg17[%get3A_466, %get3A_467] {strides = array<i32>} : memref<40x128xf32, #tpu.memory_space<vmem>>, vector<1x16xf32>,
        %get3A_469 = vector.shape_cast %get3A_468 : vector<1x16xf32> to vector<16xf32>
        %get3A_470 = arith.index_cast %add3A_390 : i32 to index
        %get3A_471 = arith.constant 32 : index
        %get3A_472 = tpu.vector_load %arg18[%get3A_470, %get3A_471] {strides = array<i32>} : memref<40x128xf32, #tpu.memory_space<vmem>>, vector<1x16xf32>,
        %get3A_473 = vector.shape_cast %get3A_472 : vector<1x16xf32> to vector<16xf32>
        %add3A_474 = arith.addf %get3A_469, %get3A_473 : vector<16xf32>
        %get3A_475 = arith.index_cast %add3A_390 : i32 to index
        %get3A_476 = arith.constant 32 : index
        %get3A_477 = tpu.vector_load %arg20[%get3A_475, %get3A_476] {strides = array<i32>} : memref<40x128xf32, #tpu.memory_space<vmem>>, vector<1x16xf32>,
        %get3A_478 = vector.shape_cast %get3A_477 : vector<1x16xf32> to vector<16xf32>
        %add3A_479 = arith.addf %add3A_474, %get3A_478 : vector<16xf32>
        %swap3A_480 = arith.index_cast %add3A_390 : i32 to index
        %swap3A_481 = arith.constant 32 : index
        %swap3A_482 = tpu.vector_load %arg20[%swap3A_480, %swap3A_481] {strides = array<i32>} : memref<40x128xf32, #tpu.memory_space<vmem>>, vector<1x16xf32>,
        %swap3A_483 = vector.shape_cast %swap3A_482 : vector<1x16xf32> to vector<16xf32>
        %swap3A_484 = vector.shape_cast %add3A_479 : vector<16xf32> to vector<1x16xf32>
        tpu.vector_store %arg20[%swap3A_480, %swap3A_481], %swap3A_484 {strides = array<i32>} : memref<40x128xf32, #tpu.memory_space<vmem>>, vector<1x16xf32>,
        %neg3A_485 = arith.constant 0.000000e+00 : f32
        %neg3A_486 = vector.broadcast %neg3A_485 : f32 to vector<16xf32>
        %neg3A_487 = arith.subf %neg3A_486, %add3A_479 : vector<16xf32>
        %exp3A_488 = math.exp %neg3A_487 : vector<16xf32>
        %add3A_489 = arith.constant 1.000000e+00 : f32
        %add3A_490 = vector.broadcast %add3A_489 : f32 to vector<16xf32>
        %add3A_491 = arith.addf %add3A_490, %exp3A_488 : vector<16xf32>
        %div3A_492 = arith.constant 1.000000e+00 : f32
        %div3A_493 = vector.broadcast %div3A_492 : f32 to vector<16xf32>
        %div3A_494 = arith.divf %div3A_493, %add3A_491 : vector<16xf32>
        %get3A_495 = arith.index_cast %add3A_390 : i32 to index
        %get3A_496 = arith.constant 32 : index
        %get3A_497 = tpu.vector_load %arg19[%get3A_495, %get3A_496] {strides = array<i32>} : memref<40x128xf32, #tpu.memory_space<vmem>>, vector<1x16xf32>,
        %get3A_498 = vector.shape_cast %get3A_497 : vector<1x16xf32> to vector<16xf32>
        %mul3A_499 = arith.mulf %get3A_498, %div3A_494 : vector<16xf32>
        %swap3A_500 = arith.index_cast %add3A_390 : i32 to index
        %swap3A_501 = arith.constant 32 : index
        %swap3A_502 = tpu.vector_load %arg19[%swap3A_500, %swap3A_501] {strides = array<i32>} : memref<40x128xf32, #tpu.memory_space<vmem>>, vector<1x16xf32>,
        %swap3A_503 = vector.shape_cast %swap3A_502 : vector<1x16xf32> to vector<16xf32>
        %swap3A_504 = vector.shape_cast %mul3A_499 : vector<16xf32> to vector<1x16xf32>
        tpu.vector_store %arg19[%swap3A_500, %swap3A_501], %swap3A_504 {strides = array<i32>} : memref<40x128xf32, #tpu.memory_space<vmem>>, vector<1x16xf32>,
        %get3A_505 = arith.index_cast %add3A_390 : i32 to index
        %get3A_506 = arith.constant 48 : index
        %get3A_507 = tpu.vector_load %arg17[%get3A_505, %get3A_506] {strides = array<i32>} : memref<40x128xf32, #tpu.memory_space<vmem>>, vector<1x16xf32>,
        %get3A_508 = vector.shape_cast %get3A_507 : vector<1x16xf32> to vector<16xf32>
        %get3A_509 = arith.index_cast %add3A_390 : i32 to index
        %get3A_510 = arith.constant 48 : index
        %get3A_511 = tpu.vector_load %arg18[%get3A_509, %get3A_510] {strides = array<i32>} : memref<40x128xf32, #tpu.memory_space<vmem>>, vector<1x16xf32>,
        %get3A_512 = vector.shape_cast %get3A_511 : vector<1x16xf32> to vector<16xf32>
        %add3A_513 = arith.addf %get3A_508, %get3A_512 : vector<16xf32>
        %get3A_514 = arith.index_cast %add3A_390 : i32 to index
        %get3A_515 = arith.constant 48 : index
        %get3A_516 = tpu.vector_load %arg20[%get3A_514, %get3A_515] {strides = array<i32>} : memref<40x128xf32, #tpu.memory_space<vmem>>, vector<1x16xf32>,
        %get3A_517 = vector.shape_cast %get3A_516 : vector<1x16xf32> to vector<16xf32>
        %add3A_518 = arith.addf %add3A_513, %get3A_517 : vector<16xf32>
        %swap3A_519 = arith.index_cast %add3A_390 : i32 to index
        %swap3A_520 = arith.constant 48 : index
        %swap3A_521 = tpu.vector_load %arg20[%swap3A_519, %swap3A_520] {strides = array<i32>} : memref<40x128xf32, #tpu.memory_space<vmem>>, vector<1x16xf32>,
        %swap3A_522 = vector.shape_cast %swap3A_521 : vector<1x16xf32> to vector<16xf32>
        %swap3A_523 = vector.shape_cast %add3A_518 : vector<16xf32> to vector<1x16xf32>
        tpu.vector_store %arg20[%swap3A_519, %swap3A_520], %swap3A_523 {strides = array<i32>} : memref<40x128xf32, #tpu.memory_space<vmem>>, vector<1x16xf32>,
        %neg3A_524 = arith.constant 0.000000e+00 : f32
        %neg3A_525 = vector.broadcast %neg3A_524 : f32 to vector<16xf32>
        %neg3A_526 = arith.subf %neg3A_525, %add3A_518 : vector<16xf32>
        %exp3A_527 = math.exp %neg3A_526 : vector<16xf32>
        %add3A_528 = arith.constant 1.000000e+00 : f32
        %add3A_529 = vector.broadcast %add3A_528 : f32 to vector<16xf32>
        %add3A_530 = arith.addf %add3A_529, %exp3A_527 : vector<16xf32>
        %div3A_531 = arith.constant 1.000000e+00 : f32
        %div3A_532 = vector.broadcast %div3A_531 : f32 to vector<16xf32>
        %div3A_533 = arith.divf %div3A_532, %add3A_530 : vector<16xf32>
        %get3A_534 = arith.index_cast %add3A_390 : i32 to index
        %get3A_535 = arith.constant 48 : index
        %get3A_536 = tpu.vector_load %arg19[%get3A_534, %get3A_535] {strides = array<i32>} : memref<40x128xf32, #tpu.memory_space<vmem>>, vector<1x16xf32>,
        %get3A_537 = vector.shape_cast %get3A_536 : vector<1x16xf32> to vector<16xf32>
        %mul3A_538 = arith.mulf %get3A_537, %div3A_533 : vector<16xf32>
        %swap3A_539 = arith.index_cast %add3A_390 : i32 to index
        %swap3A_540 = arith.constant 48 : index
        %swap3A_541 = tpu.vector_load %arg19[%swap3A_539, %swap3A_540] {strides = array<i32>} : memref<40x128xf32, #tpu.memory_space<vmem>>, vector<1x16xf32>,
        %swap3A_542 = vector.shape_cast %swap3A_541 : vector<1x16xf32> to vector<16xf32>
        %swap3A_543 = vector.shape_cast %mul3A_538 : vector<16xf32> to vector<1x16xf32>
        tpu.vector_store %arg19[%swap3A_539, %swap3A_540], %swap3A_543 {strides = array<i32>} : memref<40x128xf32, #tpu.memory_space<vmem>>, vector<1x16xf32>,
        %get3A_544 = arith.index_cast %add3A_390 : i32 to index
        %get3A_545 = arith.constant 64 : index
        %get3A_546 = tpu.vector_load %arg17[%get3A_544, %get3A_545] {strides = array<i32>} : memref<40x128xf32, #tpu.memory_space<vmem>>, vector<1x16xf32>,
        %get3A_547 = vector.shape_cast %get3A_546 : vector<1x16xf32> to vector<16xf32>
        %get3A_548 = arith.index_cast %add3A_390 : i32 to index
        %get3A_549 = arith.constant 64 : index
        %get3A_550 = tpu.vector_load %arg18[%get3A_548, %get3A_549] {strides = array<i32>} : memref<40x128xf32, #tpu.memory_space<vmem>>, vector<1x16xf32>,
        %get3A_551 = vector.shape_cast %get3A_550 : vector<1x16xf32> to vector<16xf32>
        %add3A_552 = arith.addf %get3A_547, %get3A_551 : vector<16xf32>
        %get3A_553 = arith.index_cast %add3A_390 : i32 to index
        %get3A_554 = arith.constant 64 : index
        %get3A_555 = tpu.vector_load %arg20[%get3A_553, %get3A_554] {strides = array<i32>} : memref<40x128xf32, #tpu.memory_space<vmem>>, vector<1x16xf32>,
        %get3A_556 = vector.shape_cast %get3A_555 : vector<1x16xf32> to vector<16xf32>
        %add3A_557 = arith.addf %add3A_552, %get3A_556 : vector<16xf32>
        %swap3A_558 = arith.index_cast %add3A_390 : i32 to index
        %swap3A_559 = arith.constant 64 : index
        %swap3A_560 = tpu.vector_load %arg20[%swap3A_558, %swap3A_559] {strides = array<i32>} : memref<40x128xf32, #tpu.memory_space<vmem>>, vector<1x16xf32>,
        %swap3A_561 = vector.shape_cast %swap3A_560 : vector<1x16xf32> to vector<16xf32>
        %swap3A_562 = vector.shape_cast %add3A_557 : vector<16xf32> to vector<1x16xf32>
        tpu.vector_store %arg20[%swap3A_558, %swap3A_559], %swap3A_562 {strides = array<i32>} : memref<40x128xf32, #tpu.memory_space<vmem>>, vector<1x16xf32>,
        %neg3A_563 = arith.constant 0.000000e+00 : f32
        %neg3A_564 = vector.broadcast %neg3A_563 : f32 to vector<16xf32>
        %neg3A_565 = arith.subf %neg3A_564, %add3A_557 : vector<16xf32>
        %exp3A_566 = math.exp %neg3A_565 : vector<16xf32>
        %add3A_567 = arith.constant 1.000000e+00 : f32
        %add3A_568 = vector.broadcast %add3A_567 : f32 to vector<16xf32>
        %add3A_569 = arith.addf %add3A_568, %exp3A_566 : vector<16xf32>
        %div3A_570 = arith.constant 1.000000e+00 : f32
        %div3A_571 = vector.broadcast %div3A_570 : f32 to vector<16xf32>
        %div3A_572 = arith.divf %div3A_571, %add3A_569 : vector<16xf32>
        %get3A_573 = arith.index_cast %add3A_390 : i32 to index
        %get3A_574 = arith.constant 64 : index
        %get3A_575 = tpu.vector_load %arg19[%get3A_573, %get3A_574] {strides = array<i32>} : memref<40x128xf32, #tpu.memory_space<vmem>>, vector<1x16xf32>,
        %get3A_576 = vector.shape_cast %get3A_575 : vector<1x16xf32> to vector<16xf32>
        %mul3A_577 = arith.mulf %get3A_576, %div3A_572 : vector<16xf32>
        %swap3A_578 = arith.index_cast %add3A_390 : i32 to index
        %swap3A_579 = arith.constant 64 : index
        %swap3A_580 = tpu.vector_load %arg19[%swap3A_578, %swap3A_579] {strides = array<i32>} : memref<40x128xf32, #tpu.memory_space<vmem>>, vector<1x16xf32>,
        %swap3A_581 = vector.shape_cast %swap3A_580 : vector<1x16xf32> to vector<16xf32>
        %swap3A_582 = vector.shape_cast %mul3A_577 : vector<16xf32> to vector<1x16xf32>
        tpu.vector_store %arg19[%swap3A_578, %swap3A_579], %swap3A_582 {strides = array<i32>} : memref<40x128xf32, #tpu.memory_space<vmem>>, vector<1x16xf32>,
        %get3A_583 = arith.index_cast %add3A_390 : i32 to index
        %get3A_584 = arith.constant 80 : index
        %get3A_585 = tpu.vector_load %arg17[%get3A_583, %get3A_584] {strides = array<i32>} : memref<40x128xf32, #tpu.memory_space<vmem>>, vector<1x16xf32>,
        %get3A_586 = vector.shape_cast %get3A_585 : vector<1x16xf32> to vector<16xf32>
        %get3A_587 = arith.index_cast %add3A_390 : i32 to index
        %get3A_588 = arith.constant 80 : index
        %get3A_589 = tpu.vector_load %arg18[%get3A_587, %get3A_588] {strides = array<i32>} : memref<40x128xf32, #tpu.memory_space<vmem>>, vector<1x16xf32>,
        %get3A_590 = vector.shape_cast %get3A_589 : vector<1x16xf32> to vector<16xf32>
        %add3A_591 = arith.addf %get3A_586, %get3A_590 : vector<16xf32>
        %get3A_592 = arith.index_cast %add3A_390 : i32 to index
        %get3A_593 = arith.constant 80 : index
        %get3A_594 = tpu.vector_load %arg20[%get3A_592, %get3A_593] {strides = array<i32>} : memref<40x128xf32, #tpu.memory_space<vmem>>, vector<1x16xf32>,
        %get3A_595 = vector.shape_cast %get3A_594 : vector<1x16xf32> to vector<16xf32>
        %add3A_596 = arith.addf %add3A_591, %get3A_595 : vector<16xf32>
        %swap3A_597 = arith.index_cast %add3A_390 : i32 to index
        %swap3A_598 = arith.constant 80 : index
        %swap3A_599 = tpu.vector_load %arg20[%swap3A_597, %swap3A_598] {strides = array<i32>} : memref<40x128xf32, #tpu.memory_space<vmem>>, vector<1x16xf32>,
        %swap3A_600 = vector.shape_cast %swap3A_599 : vector<1x16xf32> to vector<16xf32>
        %swap3A_601 = vector.shape_cast %add3A_596 : vector<16xf32> to vector<1x16xf32>
        tpu.vector_store %arg20[%swap3A_597, %swap3A_598], %swap3A_601 {strides = array<i32>} : memref<40x128xf32, #tpu.memory_space<vmem>>, vector<1x16xf32>,
        %neg3A_602 = arith.constant 0.000000e+00 : f32
        %neg3A_603 = vector.broadcast %neg3A_602 : f32 to vector<16xf32>
        %neg3A_604 = arith.subf %neg3A_603, %add3A_596 : vector<16xf32>
        %exp3A_605 = math.exp %neg3A_604 : vector<16xf32>
        %add3A_606 = arith.constant 1.000000e+00 : f32
        %add3A_607 = vector.broadcast %add3A_606 : f32 to vector<16xf32>
        %add3A_608 = arith.addf %add3A_607, %exp3A_605 : vector<16xf32>
        %div3A_609 = arith.constant 1.000000e+00 : f32
        %div3A_610 = vector.broadcast %div3A_609 : f32 to vector<16xf32>
        %div3A_611 = arith.divf %div3A_610, %add3A_608 : vector<16xf32>
        %get3A_612 = arith.index_cast %add3A_390 : i32 to index
        %get3A_613 = arith.constant 80 : index
        %get3A_614 = tpu.vector_load %arg19[%get3A_612, %get3A_613] {strides = array<i32>} : memref<40x128xf32, #tpu.memory_space<vmem>>, vector<1x16xf32>,
        %get3A_615 = vector.shape_cast %get3A_614 : vector<1x16xf32> to vector<16xf32>
        %mul3A_616 = arith.mulf %get3A_615, %div3A_611 : vector<16xf32>
        %swap3A_617 = arith.index_cast %add3A_390 : i32 to index
        %swap3A_618 = arith.constant 80 : index
        %swap3A_619 = tpu.vector_load %arg19[%swap3A_617, %swap3A_618] {strides = array<i32>} : memref<40x128xf32, #tpu.memory_space<vmem>>, vector<1x16xf32>,
        %swap3A_620 = vector.shape_cast %swap3A_619 : vector<1x16xf32> to vector<16xf32>
        %swap3A_621 = vector.shape_cast %mul3A_616 : vector<16xf32> to vector<1x16xf32>
        tpu.vector_store %arg19[%swap3A_617, %swap3A_618], %swap3A_621 {strides = array<i32>} : memref<40x128xf32, #tpu.memory_space<vmem>>, vector<1x16xf32>,
        %get3A_622 = arith.index_cast %add3A_390 : i32 to index
        %get3A_623 = arith.constant 96 : index
        %get3A_624 = tpu.vector_load %arg17[%get3A_622, %get3A_623] {strides = array<i32>} : memref<40x128xf32, #tpu.memory_space<vmem>>, vector<1x16xf32>,
        %get3A_625 = vector.shape_cast %get3A_624 : vector<1x16xf32> to vector<16xf32>
        %get3A_626 = arith.index_cast %add3A_390 : i32 to index
        %get3A_627 = arith.constant 96 : index
        %get3A_628 = tpu.vector_load %arg18[%get3A_626, %get3A_627] {strides = array<i32>} : memref<40x128xf32, #tpu.memory_space<vmem>>, vector<1x16xf32>,
        %get3A_629 = vector.shape_cast %get3A_628 : vector<1x16xf32> to vector<16xf32>
        %add3A_630 = arith.addf %get3A_625, %get3A_629 : vector<16xf32>
        %get3A_631 = arith.index_cast %add3A_390 : i32 to index
        %get3A_632 = arith.constant 96 : index
        %get3A_633 = tpu.vector_load %arg20[%get3A_631, %get3A_632] {strides = array<i32>} : memref<40x128xf32, #tpu.memory_space<vmem>>, vector<1x16xf32>,
        %get3A_634 = vector.shape_cast %get3A_633 : vector<1x16xf32> to vector<16xf32>
        %add3A_635 = arith.addf %add3A_630, %get3A_634 : vector<16xf32>
        %swap3A_636 = arith.index_cast %add3A_390 : i32 to index
        %swap3A_637 = arith.constant 96 : index
        %swap3A_638 = tpu.vector_load %arg20[%swap3A_636, %swap3A_637] {strides = array<i32>} : memref<40x128xf32, #tpu.memory_space<vmem>>, vector<1x16xf32>,
        %swap3A_639 = vector.shape_cast %swap3A_638 : vector<1x16xf32> to vector<16xf32>
        %swap3A_640 = vector.shape_cast %add3A_635 : vector<16xf32> to vector<1x16xf32>
        tpu.vector_store %arg20[%swap3A_636, %swap3A_637], %swap3A_640 {strides = array<i32>} : memref<40x128xf32, #tpu.memory_space<vmem>>, vector<1x16xf32>,
        %neg3A_641 = arith.constant 0.000000e+00 : f32
        %neg3A_642 = vector.broadcast %neg3A_641 : f32 to vector<16xf32>
        %neg3A_643 = arith.subf %neg3A_642, %add3A_635 : vector<16xf32>
        %exp3A_644 = math.exp %neg3A_643 : vector<16xf32>
        %add3A_645 = arith.constant 1.000000e+00 : f32
        %add3A_646 = vector.broadcast %add3A_645 : f32 to vector<16xf32>
        %add3A_647 = arith.addf %add3A_646, %exp3A_644 : vector<16xf32>
        %div3A_648 = arith.constant 1.000000e+00 : f32
        %div3A_649 = vector.broadcast %div3A_648 : f32 to vector<16xf32>
        %div3A_650 = arith.divf %div3A_649, %add3A_647 : vector<16xf32>
        %get3A_651 = arith.index_cast %add3A_390 : i32 to index
        %get3A_652 = arith.constant 96 : index
        %get3A_653 = tpu.vector_load %arg19[%get3A_651, %get3A_652] {strides = array<i32>} : memref<40x128xf32, #tpu.memory_space<vmem>>, vector<1x16xf32>,
        %get3A_654 = vector.shape_cast %get3A_653 : vector<1x16xf32> to vector<16xf32>
        %mul3A_655 = arith.mulf %get3A_654, %div3A_650 : vector<16xf32>
        %swap3A_656 = arith.index_cast %add3A_390 : i32 to index
        %swap3A_657 = arith.constant 96 : index
        %swap3A_658 = tpu.vector_load %arg19[%swap3A_656, %swap3A_657] {strides = array<i32>} : memref<40x128xf32, #tpu.memory_space<vmem>>, vector<1x16xf32>,
        %swap3A_659 = vector.shape_cast %swap3A_658 : vector<1x16xf32> to vector<16xf32>
        %swap3A_660 = vector.shape_cast %mul3A_655 : vector<16xf32> to vector<1x16xf32>
        tpu.vector_store %arg19[%swap3A_656, %swap3A_657], %swap3A_660 {strides = array<i32>} : memref<40x128xf32, #tpu.memory_space<vmem>>, vector<1x16xf32>,
        %get3A_661 = arith.index_cast %add3A_390 : i32 to index
        %get3A_662 = arith.constant 112 : index
        %get3A_663 = tpu.vector_load %arg17[%get3A_661, %get3A_662] {strides = array<i32>} : memref<40x128xf32, #tpu.memory_space<vmem>>, vector<1x16xf32>,
        %get3A_664 = vector.shape_cast %get3A_663 : vector<1x16xf32> to vector<16xf32>
        %get3A_665 = arith.index_cast %add3A_390 : i32 to index
        %get3A_666 = arith.constant 112 : index
        %get3A_667 = tpu.vector_load %arg18[%get3A_665, %get3A_666] {strides = array<i32>} : memref<40x128xf32, #tpu.memory_space<vmem>>, vector<1x16xf32>,
        %get3A_668 = vector.shape_cast %get3A_667 : vector<1x16xf32> to vector<16xf32>
        %add3A_669 = arith.addf %get3A_664, %get3A_668 : vector<16xf32>
        %get3A_670 = arith.index_cast %add3A_390 : i32 to index
        %get3A_671 = arith.constant 112 : index
        %get3A_672 = tpu.vector_load %arg20[%get3A_670, %get3A_671] {strides = array<i32>} : memref<40x128xf32, #tpu.memory_space<vmem>>, vector<1x16xf32>,
        %get3A_673 = vector.shape_cast %get3A_672 : vector<1x16xf32> to vector<16xf32>
        %add3A_674 = arith.addf %add3A_669, %get3A_673 : vector<16xf32>
        %swap3A_675 = arith.index_cast %add3A_390 : i32 to index
        %swap3A_676 = arith.constant 112 : index
        %swap3A_677 = tpu.vector_load %arg20[%swap3A_675, %swap3A_676] {strides = array<i32>} : memref<40x128xf32, #tpu.memory_space<vmem>>, vector<1x16xf32>,
        %swap3A_678 = vector.shape_cast %swap3A_677 : vector<1x16xf32> to vector<16xf32>
        %swap3A_679 = vector.shape_cast %add3A_674 : vector<16xf32> to vector<1x16xf32>
        tpu.vector_store %arg20[%swap3A_675, %swap3A_676], %swap3A_679 {strides = array<i32>} : memref<40x128xf32, #tpu.memory_space<vmem>>, vector<1x16xf32>,
        %neg3A_680 = arith.constant 0.000000e+00 : f32
        %neg3A_681 = vector.broadcast %neg3A_680 : f32 to vector<16xf32>
        %neg3A_682 = arith.subf %neg3A_681, %add3A_674 : vector<16xf32>
        %exp3A_683 = math.exp %neg3A_682 : vector<16xf32>
        %add3A_684 = arith.constant 1.000000e+00 : f32
        %add3A_685 = vector.broadcast %add3A_684 : f32 to vector<16xf32>
        %add3A_686 = arith.addf %add3A_685, %exp3A_683 : vector<16xf32>
        %div3A_687 = arith.constant 1.000000e+00 : f32
        %div3A_688 = vector.broadcast %div3A_687 : f32 to vector<16xf32>
        %div3A_689 = arith.divf %div3A_688, %add3A_686 : vector<16xf32>
        %get3A_690 = arith.index_cast %add3A_390 : i32 to index
        %get3A_691 = arith.constant 112 : index
        %get3A_692 = tpu.vector_load %arg19[%get3A_690, %get3A_691] {strides = array<i32>} : memref<40x128xf32, #tpu.memory_space<vmem>>, vector<1x16xf32>,
        %get3A_693 = vector.shape_cast %get3A_692 : vector<1x16xf32> to vector<16xf32>
        %mul3A_694 = arith.mulf %get3A_693, %div3A_689 : vector<16xf32>
        %swap3A_695 = arith.index_cast %add3A_390 : i32 to index
        %swap3A_696 = arith.constant 112 : index
        %swap3A_697 = tpu.vector_load %arg19[%swap3A_695, %swap3A_696] {strides = array<i32>} : memref<40x128xf32, #tpu.memory_space<vmem>>, vector<1x16xf32>,
        %swap3A_698 = vector.shape_cast %swap3A_697 : vector<1x16xf32> to vector<16xf32>
        %swap3A_699 = vector.shape_cast %mul3A_694 : vector<16xf32> to vector<1x16xf32>
        tpu.vector_store %arg19[%swap3A_695, %swap3A_696], %swap3A_699 {strides = array<i32>} : memref<40x128xf32, #tpu.memory_space<vmem>>, vector<1x16xf32>,
      }
      %scan3A_238 = arith.constant 40 : i32
      %mul3A_239 = arith.constant 40 : i32
      %mul3A_240 = arith.muli %mul3A_185, %mul3A_239 : i32
      %add3A_241 = arith.addi %multiple_of3A, %mul3A_240 : i32
      %multiple_of3A_242 = tpu.assume_multiple %add3A_241, 8 : i32
      %dma_start3A_243 = arith.constant 0 : i32
      %dma_start3A_244 = tpu.memref_slice %arg9[%multiple_of3A_242, %dma_start3A_243] : memref<320000x128xf32, #tpu.memory_space<hbm>> -> memref<40x128xf32, #tpu.memory_space<hbm>>
      %dma_start3A_245 = arith.constant 0 : i32
      %dma_start3A_246 = tpu.memref_slice %arg9[%multiple_of3A_242, %dma_start3A_245] : memref<320000x128xf32, #tpu.memory_space<hbm>> -> memref<40x128xf32, #tpu.memory_space<hbm>>
      tpu.enqueue_dma source(%arg20 : memref<40x128xf32, #tpu.memory_space<vmem>>) target(%dma_start3A_246 : memref<40x128xf32, #tpu.memory_space<hbm>>) target_semaphore(%arg28 : memref<!tpu.dma_semaphore, #tpu.memory_space<semaphore_mem>>)
      "tpu.region"() ({
        %run_scoped3A = tpu.sem_alloc : memref<!tpu.dma_semaphore, #tpu.memory_space<semaphore_mem>>
        %dma_start3A_386 = arith.constant 0 : i32
        %dma_start3A_387 = arith.constant 0 : i32
        %dma_start3A_388 = tpu.memref_slice %arg25[%dma_start3A_386, %dma_start3A_387] : memref<10240x128xf32, #tpu.memory_space<vmem_shared>> -> memref<10240x128xf32, #tpu.memory_space<vmem_shared>>
        tpu.enqueue_indirect_dma source(%arg19 : memref<40x128xf32, #tpu.memory_space<vmem>>) target(%dma_start3A_388 : memref<10240x128xf32, #tpu.memory_space<vmem_shared>>) offsets(%arg15 : memref<40xi32, #tpu.memory_space<vmem>>) semaphore(%run_scoped3A : memref<!tpu.dma_semaphore, #tpu.memory_space<semaphore_mem>>) {add = true}
        %dma_wait3A_389 = arith.constant 0 : i32
        %dma_wait3A_390 = arith.constant 0 : i32
        %dma_wait3A_391 = tpu.memref_slice %arg25[%dma_wait3A_389, %dma_wait3A_390] : memref<10240x128xf32, #tpu.memory_space<vmem_shared>> -> memref<10240x128xf32, #tpu.memory_space<vmem_shared>>
        tpu.wait_indirect_dma semaphore(%run_scoped3A : memref<!tpu.dma_semaphore, #tpu.memory_space<semaphore_mem>>) src(%arg19 : memref<40x128xf32, #tpu.memory_space<vmem>>) dst(%dma_wait3A_391 : memref<10240x128xf32, #tpu.memory_space<vmem_shared>>)
        tpu.yield
      }) : () -> ()
      %mul3A_247 = arith.constant 40 : i32
      %mul3A_248 = arith.muli %mul3A_185, %mul3A_247 : i32
      %add3A_249 = arith.addi %multiple_of3A, %mul3A_248 : i32
      %multiple_of3A_250 = tpu.assume_multiple %add3A_249, 8 : i32
      %dma_wait3A_251 = arith.constant 0 : i32
      %dma_wait3A_252 = tpu.memref_slice %arg9[%multiple_of3A_250, %dma_wait3A_251] : memref<320000x128xf32, #tpu.memory_space<hbm>> -> memref<40x128xf32, #tpu.memory_space<hbm>>
      %dma_wait3A_253 = arith.constant 0 : i32
      %dma_wait3A_254 = tpu.memref_slice %arg9[%multiple_of3A_250, %dma_wait3A_253] : memref<320000x128xf32, #tpu.memory_space<hbm>> -> memref<40x128xf32, #tpu.memory_space<hbm>>
      tpu.wait_dma2 semaphore(%arg28 : memref<!tpu.dma_semaphore, #tpu.memory_space<semaphore_mem>>) src(%arg20 : memref<40x128xf32, #tpu.memory_space<vmem>>) dst(%dma_wait3A_254 : memref<40x128xf32, #tpu.memory_space<hbm>>)
      %add3A_255 = arith.constant 2 : i32
      %add3A_256 = arith.addi %mul3A_185, %add3A_255 : i32
      %mul3A_257 = arith.constant 40 : i32
      %mul3A_258 = arith.muli %add3A_256, %mul3A_257 : i32
      %add3A_259 = arith.addi %multiple_of3A, %mul3A_258 : i32
      %multiple_of3A_260 = tpu.assume_multiple %add3A_259, 8 : i32
      %dma_wait3A_261 = tpu.memref_slice %arg2[%multiple_of3A_260] : memref<320000xi32, #tpu.memory_space<hbm>> -> memref<40xi32, #tpu.memory_space<hbm>>
      %dma_wait3A_262 = tpu.memref_slice %arg2[%multiple_of3A_260] : memref<320000xi32, #tpu.memory_space<hbm>> -> memref<40xi32, #tpu.memory_space<hbm>>
      tpu.wait_dma2 semaphore(%arg30 : memref<!tpu.dma_semaphore, #tpu.memory_space<semaphore_mem>>) src(%dma_wait3A_262 : memref<40xi32, #tpu.memory_space<hbm>>) dst(%arg11 : memref<40xi32, #tpu.memory_space<vmem>>)
      %dma_wait3A_263 = tpu.memref_slice %arg3[%multiple_of3A_260] : memref<320000xi32, #tpu.memory_space<hbm>> -> memref<40xi32, #tpu.memory_space<hbm>>
      %dma_wait3A_264 = tpu.memref_slice %arg3[%multiple_of3A_260] : memref<320000xi32, #tpu.memory_space<hbm>> -> memref<40xi32, #tpu.memory_space<hbm>>
      tpu.wait_dma2 semaphore(%arg30 : memref<!tpu.dma_semaphore, #tpu.memory_space<semaphore_mem>>) src(%dma_wait3A_264 : memref<40xi32, #tpu.memory_space<hbm>>) dst(%arg12 : memref<40xi32, #tpu.memory_space<vmem>>)
      %add3A_265 = arith.constant 2 : i32
      %add3A_266 = arith.addi %mul3A_185, %add3A_265 : i32
      %mul3A_267 = arith.constant 40 : i32
      %mul3A_268 = arith.muli %add3A_266, %mul3A_267 : i32
      %add3A_269 = arith.addi %multiple_of3A, %mul3A_268 : i32
      %multiple_of3A_270 = tpu.assume_multiple %add3A_269, 8 : i32
      %dma_start3A_271 = arith.constant 0 : i32
      %dma_start3A_272 = arith.constant 0 : i32
      %dma_start3A_273 = tpu.memref_slice %arg4[%dma_start3A_271, %dma_start3A_272] : memref<10000x128xf32, #tpu.memory_space<hbm>> -> memref<10000x128xf32, #tpu.memory_space<hbm>>
      tpu.enqueue_indirect_dma source(%dma_start3A_273 : memref<10000x128xf32, #tpu.memory_space<hbm>>) target(%arg17 : memref<40x128xf32, #tpu.memory_space<vmem>>) offsets(%arg11 : memref<40xi32, #tpu.memory_space<vmem>>) semaphore(%arg26 : memref<!tpu.dma_semaphore, #tpu.memory_space<semaphore_mem>>)
      %dma_start3A_274 = arith.constant 0 : i32
      %dma_start3A_275 = arith.constant 0 : i32
      %dma_start3A_276 = tpu.memref_slice %arg5[%dma_start3A_274, %dma_start3A_275] : memref<10000x128xf32, #tpu.memory_space<hbm>> -> memref<10000x128xf32, #tpu.memory_space<hbm>>
      tpu.enqueue_indirect_dma source(%dma_start3A_276 : memref<10000x128xf32, #tpu.memory_space<hbm>>) target(%arg18 : memref<40x128xf32, #tpu.memory_space<vmem>>) offsets(%arg12 : memref<40xi32, #tpu.memory_space<vmem>>) semaphore(%arg26 : memref<!tpu.dma_semaphore, #tpu.memory_space<semaphore_mem>>)
      %dma_start3A_277 = arith.constant 0 : i32
      %dma_start3A_278 = arith.constant 0 : i32
      %dma_start3A_279 = tpu.memref_slice %arg6[%dma_start3A_277, %dma_start3A_278] : memref<10000x128xf32, #tpu.memory_space<hbm>> -> memref<10000x128xf32, #tpu.memory_space<hbm>>
      tpu.enqueue_indirect_dma source(%dma_start3A_279 : memref<10000x128xf32, #tpu.memory_space<hbm>>) target(%arg19 : memref<40x128xf32, #tpu.memory_space<vmem>>) offsets(%arg11 : memref<40xi32, #tpu.memory_space<vmem>>) semaphore(%arg26 : memref<!tpu.dma_semaphore, #tpu.memory_space<semaphore_mem>>)
      %dma_start3A_280 = arith.constant 0 : i32
      %dma_start3A_281 = tpu.memref_slice %arg7[%multiple_of3A_270, %dma_start3A_280] : memref<320000x128xf32, #tpu.memory_space<hbm>> -> memref<40x128xf32, #tpu.memory_space<hbm>>
      %dma_start3A_282 = arith.constant 0 : i32
      %dma_start3A_283 = tpu.memref_slice %arg7[%multiple_of3A_270, %dma_start3A_282] : memref<320000x128xf32, #tpu.memory_space<hbm>> -> memref<40x128xf32, #tpu.memory_space<hbm>>
      tpu.enqueue_dma source(%dma_start3A_283 : memref<40x128xf32, #tpu.memory_space<hbm>>) target(%arg20 : memref<40x128xf32, #tpu.memory_space<vmem>>) target_semaphore(%arg26 : memref<!tpu.dma_semaphore, #tpu.memory_space<semaphore_mem>>)
      %mul3A_284 = arith.constant 2 : i32
      %mul3A_285 = arith.muli %mul3A_284, %add3A_183 : i32
      %add3A_286 = arith.constant 1 : i32
      %add3A_287 = arith.addi %mul3A_285, %add3A_286 : i32
      %mul3A_288 = arith.constant 40 : i32
      %mul3A_289 = arith.muli %add3A_287, %mul3A_288 : i32
      %add3A_290 = arith.addi %multiple_of3A, %mul3A_289 : i32
      %multiple_of3A_291 = tpu.assume_multiple %add3A_290, 8 : i32
      %dma_wait3A_292 = arith.constant 0 : i32
      %dma_wait3A_293 = arith.constant 0 : i32
      %dma_wait3A_294 = tpu.memref_slice %arg4[%dma_wait3A_292, %dma_wait3A_293] : memref<10000x128xf32, #tpu.memory_space<hbm>> -> memref<10000x128xf32, #tpu.memory_space<hbm>>
      tpu.wait_indirect_dma semaphore(%arg27 : memref<!tpu.dma_semaphore, #tpu.memory_space<semaphore_mem>>) src(%dma_wait3A_294 : memref<10000x128xf32, #tpu.memory_space<hbm>>) dst(%arg21 : memref<40x128xf32, #tpu.memory_space<vmem>>)
      %dma_wait3A_295 = arith.constant 0 : i32
      %dma_wait3A_296 = arith.constant 0 : i32
      %dma_wait3A_297 = tpu.memref_slice %arg5[%dma_wait3A_295, %dma_wait3A_296] : memref<10000x128xf32, #tpu.memory_space<hbm>> -> memref<10000x128xf32, #tpu.memory_space<hbm>>
      tpu.wait_indirect_dma semaphore(%arg27 : memref<!tpu.dma_semaphore, #tpu.memory_space<semaphore_mem>>) src(%dma_wait3A_297 : memref<10000x128xf32, #tpu.memory_space<hbm>>) dst(%arg22 : memref<40x128xf32, #tpu.memory_space<vmem>>)
      %dma_wait3A_298 = arith.constant 0 : i32
      %dma_wait3A_299 = arith.constant 0 : i32
      %dma_wait3A_300 = tpu.memref_slice %arg6[%dma_wait3A_298, %dma_wait3A_299] : memref<10000x128xf32, #tpu.memory_space<hbm>> -> memref<10000x128xf32, #tpu.memory_space<hbm>>
      tpu.wait_indirect_dma semaphore(%arg27 : memref<!tpu.dma_semaphore, #tpu.memory_space<semaphore_mem>>) src(%dma_wait3A_300 : memref<10000x128xf32, #tpu.memory_space<hbm>>) dst(%arg23 : memref<40x128xf32, #tpu.memory_space<vmem>>)
      %dma_wait3A_301 = arith.constant 0 : i32
      %dma_wait3A_302 = tpu.memref_slice %arg7[%multiple_of3A_291, %dma_wait3A_301] : memref<320000x128xf32, #tpu.memory_space<hbm>> -> memref<40x128xf32, #tpu.memory_space<hbm>>
      %dma_wait3A_303 = arith.constant 0 : i32
      %dma_wait3A_304 = tpu.memref_slice %arg7[%multiple_of3A_291, %dma_wait3A_303] : memref<320000x128xf32, #tpu.memory_space<hbm>> -> memref<40x128xf32, #tpu.memory_space<hbm>>
      tpu.wait_dma2 semaphore(%arg27 : memref<!tpu.dma_semaphore, #tpu.memory_space<semaphore_mem>>) src(%dma_wait3A_304 : memref<40x128xf32, #tpu.memory_space<hbm>>) dst(%arg24 : memref<40x128xf32, #tpu.memory_space<vmem>>)
      %get3A_305 = arith.constant 0 : index
      %get3A_306 = tpu.vector_load %arg14[%get3A_305] {strides = array<i32>} : memref<40xi32, #tpu.memory_space<vmem>>, vector<16xi32>,
      %get3A_307 = vector.shape_cast %get3A_306 : vector<16xi32> to vector<16xi32>
      %swap3A_308 = arith.constant 0 : index
      %swap3A_309 = tpu.vector_load %arg16[%swap3A_308] {strides = array<i32>} : memref<40xi32, #tpu.memory_space<vmem>>, vector<16xi32>,
      %swap3A_310 = vector.shape_cast %swap3A_309 : vector<16xi32> to vector<16xi32>
      %swap3A_311 = vector.shape_cast %get3A_307 : vector<16xi32> to vector<16xi32>
      tpu.vector_store %arg16[%swap3A_308], %swap3A_311 {strides = array<i32>} : memref<40xi32, #tpu.memory_space<vmem>>, vector<16xi32>,
      %get3A_312 = arith.constant 16 : index
      %get3A_313 = tpu.vector_load %arg14[%get3A_312] {strides = array<i32>} : memref<40xi32, #tpu.memory_space<vmem>>, vector<16xi32>,
      %get3A_314 = vector.shape_cast %get3A_313 : vector<16xi32> to vector<16xi32>
      %swap3A_315 = arith.constant 16 : index
      %swap3A_316 = tpu.vector_load %arg16[%swap3A_315] {strides = array<i32>} : memref<40xi32, #tpu.memory_space<vmem>>, vector<16xi32>,
      %swap3A_317 = vector.shape_cast %swap3A_316 : vector<16xi32> to vector<16xi32>
      %swap3A_318 = vector.shape_cast %get3A_314 : vector<16xi32> to vector<16xi32>
      tpu.vector_store %arg16[%swap3A_315], %swap3A_318 {strides = array<i32>} : memref<40xi32, #tpu.memory_space<vmem>>, vector<16xi32>,
      %get3A_319 = arith.constant 24 : index
      %get3A_320 = tpu.vector_load %arg14[%get3A_319] {strides = array<i32>} : memref<40xi32, #tpu.memory_space<vmem>>, vector<16xi32>,
      %get3A_321 = vector.shape_cast %get3A_320 : vector<16xi32> to vector<16xi32>
      %swap3A_322 = arith.constant 24 : index
      %swap3A_323 = tpu.vector_load %arg16[%swap3A_322] {strides = array<i32>} : memref<40xi32, #tpu.memory_space<vmem>>, vector<16xi32>,
      %swap3A_324 = vector.shape_cast %swap3A_323 : vector<16xi32> to vector<16xi32>
      %swap3A_325 = vector.shape_cast %get3A_321 : vector<16xi32> to vector<16xi32>
      tpu.vector_store %arg16[%swap3A_322], %swap3A_325 {strides = array<i32>} : memref<40xi32, #tpu.memory_space<vmem>>, vector<16xi32>,
      %add3A_326 = arith.constant 2 : i32
      %add3A_327 = arith.addi %add3A_287, %add3A_326 : i32
      %mul3A_328 = arith.constant 40 : i32
      %mul3A_329 = arith.muli %add3A_327, %mul3A_328 : i32
      %add3A_330 = arith.addi %multiple_of3A, %mul3A_329 : i32
      %multiple_of3A_331 = tpu.assume_multiple %add3A_330, 8 : i32
      %dma_start3A_332 = tpu.memref_slice %arg2[%multiple_of3A_331] : memref<320000xi32, #tpu.memory_space<hbm>> -> memref<40xi32, #tpu.memory_space<hbm>>
      %dma_start3A_333 = tpu.memref_slice %arg2[%multiple_of3A_331] : memref<320000xi32, #tpu.memory_space<hbm>> -> memref<40xi32, #tpu.memory_space<hbm>>
      tpu.enqueue_dma source(%dma_start3A_333 : memref<40xi32, #tpu.memory_space<hbm>>) target(%arg13 : memref<40xi32, #tpu.memory_space<vmem>>) target_semaphore(%arg31 : memref<!tpu.dma_semaphore, #tpu.memory_space<semaphore_mem>>)
      %dma_start3A_334 = tpu.memref_slice %arg3[%multiple_of3A_331] : memref<320000xi32, #tpu.memory_space<hbm>> -> memref<40xi32, #tpu.memory_space<hbm>>
      %dma_start3A_335 = tpu.memref_slice %arg3[%multiple_of3A_331] : memref<320000xi32, #tpu.memory_space<hbm>> -> memref<40xi32, #tpu.memory_space<hbm>>
      tpu.enqueue_dma source(%dma_start3A_335 : memref<40xi32, #tpu.memory_space<hbm>>) target(%arg14 : memref<40xi32, #tpu.memory_space<vmem>>) target_semaphore(%arg31 : memref<!tpu.dma_semaphore, #tpu.memory_space<semaphore_mem>>)
      %scan3A_336 = arith.constant 0 : i32
      %scan3A_337 = arith.constant 40 : i32
      %scan3A_338 = arith.addi %scan3A_336, %scan3A_337 : i32
      %scan3A_339 = arith.constant 1 : i32
      scf.for %scan3A_386 = %scan3A_336 to %scan3A_338 step %scan3A_339  : i32 {
        %mul3A_387 = arith.constant 1 : i32
        %mul3A_388 = arith.muli %scan3A_386, %mul3A_387 : i32
        %add3A_389 = arith.constant 0 : i32
        %add3A_390 = arith.addi %add3A_389, %mul3A_388 : i32
        %get3A_391 = arith.index_cast %add3A_390 : i32 to index
        %get3A_392 = arith.constant 0 : index
        %get3A_393 = tpu.vector_load %arg21[%get3A_391, %get3A_392] {strides = array<i32>} : memref<40x128xf32, #tpu.memory_space<vmem>>, vector<1x16xf32>,
        %get3A_394 = vector.shape_cast %get3A_393 : vector<1x16xf32> to vector<16xf32>
        %get3A_395 = arith.index_cast %add3A_390 : i32 to index
        %get3A_396 = arith.constant 0 : index
        %get3A_397 = tpu.vector_load %arg22[%get3A_395, %get3A_396] {strides = array<i32>} : memref<40x128xf32, #tpu.memory_space<vmem>>, vector<1x16xf32>,
        %get3A_398 = vector.shape_cast %get3A_397 : vector<1x16xf32> to vector<16xf32>
        %add3A_399 = arith.addf %get3A_394, %get3A_398 : vector<16xf32>
        %get3A_400 = arith.index_cast %add3A_390 : i32 to index
        %get3A_401 = arith.constant 0 : index
        %get3A_402 = tpu.vector_load %arg24[%get3A_400, %get3A_401] {strides = array<i32>} : memref<40x128xf32, #tpu.memory_space<vmem>>, vector<1x16xf32>,
        %get3A_403 = vector.shape_cast %get3A_402 : vector<1x16xf32> to vector<16xf32>
        %add3A_404 = arith.addf %add3A_399, %get3A_403 : vector<16xf32>
        %swap3A_405 = arith.index_cast %add3A_390 : i32 to index
        %swap3A_406 = arith.constant 0 : index
        %swap3A_407 = tpu.vector_load %arg24[%swap3A_405, %swap3A_406] {strides = array<i32>} : memref<40x128xf32, #tpu.memory_space<vmem>>, vector<1x16xf32>,
        %swap3A_408 = vector.shape_cast %swap3A_407 : vector<1x16xf32> to vector<16xf32>
        %swap3A_409 = vector.shape_cast %add3A_404 : vector<16xf32> to vector<1x16xf32>
        tpu.vector_store %arg24[%swap3A_405, %swap3A_406], %swap3A_409 {strides = array<i32>} : memref<40x128xf32, #tpu.memory_space<vmem>>, vector<1x16xf32>,
        %neg3A = arith.constant 0.000000e+00 : f32
        %neg3A_410 = vector.broadcast %neg3A : f32 to vector<16xf32>
        %neg3A_411 = arith.subf %neg3A_410, %add3A_404 : vector<16xf32>
        %exp3A = math.exp %neg3A_411 : vector<16xf32>
        %add3A_412 = arith.constant 1.000000e+00 : f32
        %add3A_413 = vector.broadcast %add3A_412 : f32 to vector<16xf32>
        %add3A_414 = arith.addf %add3A_413, %exp3A : vector<16xf32>
        %div3A = arith.constant 1.000000e+00 : f32
        %div3A_415 = vector.broadcast %div3A : f32 to vector<16xf32>
        %div3A_416 = arith.divf %div3A_415, %add3A_414 : vector<16xf32>
        %get3A_417 = arith.index_cast %add3A_390 : i32 to index
        %get3A_418 = arith.constant 0 : index
        %get3A_419 = tpu.vector_load %arg23[%get3A_417, %get3A_418] {strides = array<i32>} : memref<40x128xf32, #tpu.memory_space<vmem>>, vector<1x16xf32>,
        %get3A_420 = vector.shape_cast %get3A_419 : vector<1x16xf32> to vector<16xf32>
        %mul3A_421 = arith.mulf %get3A_420, %div3A_416 : vector<16xf32>
        %swap3A_422 = arith.index_cast %add3A_390 : i32 to index
        %swap3A_423 = arith.constant 0 : index
        %swap3A_424 = tpu.vector_load %arg23[%swap3A_422, %swap3A_423] {strides = array<i32>} : memref<40x128xf32, #tpu.memory_space<vmem>>, vector<1x16xf32>,
        %swap3A_425 = vector.shape_cast %swap3A_424 : vector<1x16xf32> to vector<16xf32>
        %swap3A_426 = vector.shape_cast %mul3A_421 : vector<16xf32> to vector<1x16xf32>
        tpu.vector_store %arg23[%swap3A_422, %swap3A_423], %swap3A_426 {strides = array<i32>} : memref<40x128xf32, #tpu.memory_space<vmem>>, vector<1x16xf32>,
        %get3A_427 = arith.index_cast %add3A_390 : i32 to index
        %get3A_428 = arith.constant 16 : index
        %get3A_429 = tpu.vector_load %arg21[%get3A_427, %get3A_428] {strides = array<i32>} : memref<40x128xf32, #tpu.memory_space<vmem>>, vector<1x16xf32>,
        %get3A_430 = vector.shape_cast %get3A_429 : vector<1x16xf32> to vector<16xf32>
        %get3A_431 = arith.index_cast %add3A_390 : i32 to index
        %get3A_432 = arith.constant 16 : index
        %get3A_433 = tpu.vector_load %arg22[%get3A_431, %get3A_432] {strides = array<i32>} : memref<40x128xf32, #tpu.memory_space<vmem>>, vector<1x16xf32>,
        %get3A_434 = vector.shape_cast %get3A_433 : vector<1x16xf32> to vector<16xf32>
        %add3A_435 = arith.addf %get3A_430, %get3A_434 : vector<16xf32>
        %get3A_436 = arith.index_cast %add3A_390 : i32 to index
        %get3A_437 = arith.constant 16 : index
        %get3A_438 = tpu.vector_load %arg24[%get3A_436, %get3A_437] {strides = array<i32>} : memref<40x128xf32, #tpu.memory_space<vmem>>, vector<1x16xf32>,
        %get3A_439 = vector.shape_cast %get3A_438 : vector<1x16xf32> to vector<16xf32>
        %add3A_440 = arith.addf %add3A_435, %get3A_439 : vector<16xf32>
        %swap3A_441 = arith.index_cast %add3A_390 : i32 to index
        %swap3A_442 = arith.constant 16 : index
        %swap3A_443 = tpu.vector_load %arg24[%swap3A_441, %swap3A_442] {strides = array<i32>} : memref<40x128xf32, #tpu.memory_space<vmem>>, vector<1x16xf32>,
        %swap3A_444 = vector.shape_cast %swap3A_443 : vector<1x16xf32> to vector<16xf32>
        %swap3A_445 = vector.shape_cast %add3A_440 : vector<16xf32> to vector<1x16xf32>
        tpu.vector_store %arg24[%swap3A_441, %swap3A_442], %swap3A_445 {strides = array<i32>} : memref<40x128xf32, #tpu.memory_space<vmem>>, vector<1x16xf32>,
        %neg3A_446 = arith.constant 0.000000e+00 : f32
        %neg3A_447 = vector.broadcast %neg3A_446 : f32 to vector<16xf32>
        %neg3A_448 = arith.subf %neg3A_447, %add3A_440 : vector<16xf32>
        %exp3A_449 = math.exp %neg3A_448 : vector<16xf32>
        %add3A_450 = arith.constant 1.000000e+00 : f32
        %add3A_451 = vector.broadcast %add3A_450 : f32 to vector<16xf32>
        %add3A_452 = arith.addf %add3A_451, %exp3A_449 : vector<16xf32>
        %div3A_453 = arith.constant 1.000000e+00 : f32
        %div3A_454 = vector.broadcast %div3A_453 : f32 to vector<16xf32>
        %div3A_455 = arith.divf %div3A_454, %add3A_452 : vector<16xf32>
        %get3A_456 = arith.index_cast %add3A_390 : i32 to index
        %get3A_457 = arith.constant 16 : index
        %get3A_458 = tpu.vector_load %arg23[%get3A_456, %get3A_457] {strides = array<i32>} : memref<40x128xf32, #tpu.memory_space<vmem>>, vector<1x16xf32>,
        %get3A_459 = vector.shape_cast %get3A_458 : vector<1x16xf32> to vector<16xf32>
        %mul3A_460 = arith.mulf %get3A_459, %div3A_455 : vector<16xf32>
        %swap3A_461 = arith.index_cast %add3A_390 : i32 to index
        %swap3A_462 = arith.constant 16 : index
        %swap3A_463 = tpu.vector_load %arg23[%swap3A_461, %swap3A_462] {strides = array<i32>} : memref<40x128xf32, #tpu.memory_space<vmem>>, vector<1x16xf32>,
        %swap3A_464 = vector.shape_cast %swap3A_463 : vector<1x16xf32> to vector<16xf32>
        %swap3A_465 = vector.shape_cast %mul3A_460 : vector<16xf32> to vector<1x16xf32>
        tpu.vector_store %arg23[%swap3A_461, %swap3A_462], %swap3A_465 {strides = array<i32>} : memref<40x128xf32, #tpu.memory_space<vmem>>, vector<1x16xf32>,
        %get3A_466 = arith.index_cast %add3A_390 : i32 to index
        %get3A_467 = arith.constant 32 : index
        %get3A_468 = tpu.vector_load %arg21[%get3A_466, %get3A_467] {strides = array<i32>} : memref<40x128xf32, #tpu.memory_space<vmem>>, vector<1x16xf32>,
        %get3A_469 = vector.shape_cast %get3A_468 : vector<1x16xf32> to vector<16xf32>
        %get3A_470 = arith.index_cast %add3A_390 : i32 to index
        %get3A_471 = arith.constant 32 : index
        %get3A_472 = tpu.vector_load %arg22[%get3A_470, %get3A_471] {strides = array<i32>} : memref<40x128xf32, #tpu.memory_space<vmem>>, vector<1x16xf32>,
        %get3A_473 = vector.shape_cast %get3A_472 : vector<1x16xf32> to vector<16xf32>
        %add3A_474 = arith.addf %get3A_469, %get3A_473 : vector<16xf32>
        %get3A_475 = arith.index_cast %add3A_390 : i32 to index
        %get3A_476 = arith.constant 32 : index
        %get3A_477 = tpu.vector_load %arg24[%get3A_475, %get3A_476] {strides = array<i32>} : memref<40x128xf32, #tpu.memory_space<vmem>>, vector<1x16xf32>,
        %get3A_478 = vector.shape_cast %get3A_477 : vector<1x16xf32> to vector<16xf32>
        %add3A_479 = arith.addf %add3A_474, %get3A_478 : vector<16xf32>
        %swap3A_480 = arith.index_cast %add3A_390 : i32 to index
        %swap3A_481 = arith.constant 32 : index
        %swap3A_482 = tpu.vector_load %arg24[%swap3A_480, %swap3A_481] {strides = array<i32>} : memref<40x128xf32, #tpu.memory_space<vmem>>, vector<1x16xf32>,
        %swap3A_483 = vector.shape_cast %swap3A_482 : vector<1x16xf32> to vector<16xf32>
        %swap3A_484 = vector.shape_cast %add3A_479 : vector<16xf32> to vector<1x16xf32>
        tpu.vector_store %arg24[%swap3A_480, %swap3A_481], %swap3A_484 {strides = array<i32>} : memref<40x128xf32, #tpu.memory_space<vmem>>, vector<1x16xf32>,
        %neg3A_485 = arith.constant 0.000000e+00 : f32
        %neg3A_486 = vector.broadcast %neg3A_485 : f32 to vector<16xf32>
        %neg3A_487 = arith.subf %neg3A_486, %add3A_479 : vector<16xf32>
        %exp3A_488 = math.exp %neg3A_487 : vector<16xf32>
        %add3A_489 = arith.constant 1.000000e+00 : f32
        %add3A_490 = vector.broadcast %add3A_489 : f32 to vector<16xf32>
        %add3A_491 = arith.addf %add3A_490, %exp3A_488 : vector<16xf32>
        %div3A_492 = arith.constant 1.000000e+00 : f32
        %div3A_493 = vector.broadcast %div3A_492 : f32 to vector<16xf32>
        %div3A_494 = arith.divf %div3A_493, %add3A_491 : vector<16xf32>
        %get3A_495 = arith.index_cast %add3A_390 : i32 to index
        %get3A_496 = arith.constant 32 : index
        %get3A_497 = tpu.vector_load %arg23[%get3A_495, %get3A_496] {strides = array<i32>} : memref<40x128xf32, #tpu.memory_space<vmem>>, vector<1x16xf32>,
        %get3A_498 = vector.shape_cast %get3A_497 : vector<1x16xf32> to vector<16xf32>
        %mul3A_499 = arith.mulf %get3A_498, %div3A_494 : vector<16xf32>
        %swap3A_500 = arith.index_cast %add3A_390 : i32 to index
        %swap3A_501 = arith.constant 32 : index
        %swap3A_502 = tpu.vector_load %arg23[%swap3A_500, %swap3A_501] {strides = array<i32>} : memref<40x128xf32, #tpu.memory_space<vmem>>, vector<1x16xf32>,
        %swap3A_503 = vector.shape_cast %swap3A_502 : vector<1x16xf32> to vector<16xf32>
        %swap3A_504 = vector.shape_cast %mul3A_499 : vector<16xf32> to vector<1x16xf32>
        tpu.vector_store %arg23[%swap3A_500, %swap3A_501], %swap3A_504 {strides = array<i32>} : memref<40x128xf32, #tpu.memory_space<vmem>>, vector<1x16xf32>,
        %get3A_505 = arith.index_cast %add3A_390 : i32 to index
        %get3A_506 = arith.constant 48 : index
        %get3A_507 = tpu.vector_load %arg21[%get3A_505, %get3A_506] {strides = array<i32>} : memref<40x128xf32, #tpu.memory_space<vmem>>, vector<1x16xf32>,
        %get3A_508 = vector.shape_cast %get3A_507 : vector<1x16xf32> to vector<16xf32>
        %get3A_509 = arith.index_cast %add3A_390 : i32 to index
        %get3A_510 = arith.constant 48 : index
        %get3A_511 = tpu.vector_load %arg22[%get3A_509, %get3A_510] {strides = array<i32>} : memref<40x128xf32, #tpu.memory_space<vmem>>, vector<1x16xf32>,
        %get3A_512 = vector.shape_cast %get3A_511 : vector<1x16xf32> to vector<16xf32>
        %add3A_513 = arith.addf %get3A_508, %get3A_512 : vector<16xf32>
        %get3A_514 = arith.index_cast %add3A_390 : i32 to index
        %get3A_515 = arith.constant 48 : index
        %get3A_516 = tpu.vector_load %arg24[%get3A_514, %get3A_515] {strides = array<i32>} : memref<40x128xf32, #tpu.memory_space<vmem>>, vector<1x16xf32>,
        %get3A_517 = vector.shape_cast %get3A_516 : vector<1x16xf32> to vector<16xf32>
        %add3A_518 = arith.addf %add3A_513, %get3A_517 : vector<16xf32>
        %swap3A_519 = arith.index_cast %add3A_390 : i32 to index
        %swap3A_520 = arith.constant 48 : index
        %swap3A_521 = tpu.vector_load %arg24[%swap3A_519, %swap3A_520] {strides = array<i32>} : memref<40x128xf32, #tpu.memory_space<vmem>>, vector<1x16xf32>,
        %swap3A_522 = vector.shape_cast %swap3A_521 : vector<1x16xf32> to vector<16xf32>
        %swap3A_523 = vector.shape_cast %add3A_518 : vector<16xf32> to vector<1x16xf32>
        tpu.vector_store %arg24[%swap3A_519, %swap3A_520], %swap3A_523 {strides = array<i32>} : memref<40x128xf32, #tpu.memory_space<vmem>>, vector<1x16xf32>,
        %neg3A_524 = arith.constant 0.000000e+00 : f32
        %neg3A_525 = vector.broadcast %neg3A_524 : f32 to vector<16xf32>
        %neg3A_526 = arith.subf %neg3A_525, %add3A_518 : vector<16xf32>
        %exp3A_527 = math.exp %neg3A_526 : vector<16xf32>
        %add3A_528 = arith.constant 1.000000e+00 : f32
        %add3A_529 = vector.broadcast %add3A_528 : f32 to vector<16xf32>
        %add3A_530 = arith.addf %add3A_529, %exp3A_527 : vector<16xf32>
        %div3A_531 = arith.constant 1.000000e+00 : f32
        %div3A_532 = vector.broadcast %div3A_531 : f32 to vector<16xf32>
        %div3A_533 = arith.divf %div3A_532, %add3A_530 : vector<16xf32>
        %get3A_534 = arith.index_cast %add3A_390 : i32 to index
        %get3A_535 = arith.constant 48 : index
        %get3A_536 = tpu.vector_load %arg23[%get3A_534, %get3A_535] {strides = array<i32>} : memref<40x128xf32, #tpu.memory_space<vmem>>, vector<1x16xf32>,
        %get3A_537 = vector.shape_cast %get3A_536 : vector<1x16xf32> to vector<16xf32>
        %mul3A_538 = arith.mulf %get3A_537, %div3A_533 : vector<16xf32>
        %swap3A_539 = arith.index_cast %add3A_390 : i32 to index
        %swap3A_540 = arith.constant 48 : index
        %swap3A_541 = tpu.vector_load %arg23[%swap3A_539, %swap3A_540] {strides = array<i32>} : memref<40x128xf32, #tpu.memory_space<vmem>>, vector<1x16xf32>,
        %swap3A_542 = vector.shape_cast %swap3A_541 : vector<1x16xf32> to vector<16xf32>
        %swap3A_543 = vector.shape_cast %mul3A_538 : vector<16xf32> to vector<1x16xf32>
        tpu.vector_store %arg23[%swap3A_539, %swap3A_540], %swap3A_543 {strides = array<i32>} : memref<40x128xf32, #tpu.memory_space<vmem>>, vector<1x16xf32>,
        %get3A_544 = arith.index_cast %add3A_390 : i32 to index
        %get3A_545 = arith.constant 64 : index
        %get3A_546 = tpu.vector_load %arg21[%get3A_544, %get3A_545] {strides = array<i32>} : memref<40x128xf32, #tpu.memory_space<vmem>>, vector<1x16xf32>,
        %get3A_547 = vector.shape_cast %get3A_546 : vector<1x16xf32> to vector<16xf32>
        %get3A_548 = arith.index_cast %add3A_390 : i32 to index
        %get3A_549 = arith.constant 64 : index
        %get3A_550 = tpu.vector_load %arg22[%get3A_548, %get3A_549] {strides = array<i32>} : memref<40x128xf32, #tpu.memory_space<vmem>>, vector<1x16xf32>,
        %get3A_551 = vector.shape_cast %get3A_550 : vector<1x16xf32> to vector<16xf32>
        %add3A_552 = arith.addf %get3A_547, %get3A_551 : vector<16xf32>
        %get3A_553 = arith.index_cast %add3A_390 : i32 to index
        %get3A_554 = arith.constant 64 : index
        %get3A_555 = tpu.vector_load %arg24[%get3A_553, %get3A_554] {strides = array<i32>} : memref<40x128xf32, #tpu.memory_space<vmem>>, vector<1x16xf32>,
        %get3A_556 = vector.shape_cast %get3A_555 : vector<1x16xf32> to vector<16xf32>
        %add3A_557 = arith.addf %add3A_552, %get3A_556 : vector<16xf32>
        %swap3A_558 = arith.index_cast %add3A_390 : i32 to index
        %swap3A_559 = arith.constant 64 : index
        %swap3A_560 = tpu.vector_load %arg24[%swap3A_558, %swap3A_559] {strides = array<i32>} : memref<40x128xf32, #tpu.memory_space<vmem>>, vector<1x16xf32>,
        %swap3A_561 = vector.shape_cast %swap3A_560 : vector<1x16xf32> to vector<16xf32>
        %swap3A_562 = vector.shape_cast %add3A_557 : vector<16xf32> to vector<1x16xf32>
        tpu.vector_store %arg24[%swap3A_558, %swap3A_559], %swap3A_562 {strides = array<i32>} : memref<40x128xf32, #tpu.memory_space<vmem>>, vector<1x16xf32>,
        %neg3A_563 = arith.constant 0.000000e+00 : f32
        %neg3A_564 = vector.broadcast %neg3A_563 : f32 to vector<16xf32>
        %neg3A_565 = arith.subf %neg3A_564, %add3A_557 : vector<16xf32>
        %exp3A_566 = math.exp %neg3A_565 : vector<16xf32>
        %add3A_567 = arith.constant 1.000000e+00 : f32
        %add3A_568 = vector.broadcast %add3A_567 : f32 to vector<16xf32>
        %add3A_569 = arith.addf %add3A_568, %exp3A_566 : vector<16xf32>
        %div3A_570 = arith.constant 1.000000e+00 : f32
        %div3A_571 = vector.broadcast %div3A_570 : f32 to vector<16xf32>
        %div3A_572 = arith.divf %div3A_571, %add3A_569 : vector<16xf32>
        %get3A_573 = arith.index_cast %add3A_390 : i32 to index
        %get3A_574 = arith.constant 64 : index
        %get3A_575 = tpu.vector_load %arg23[%get3A_573, %get3A_574] {strides = array<i32>} : memref<40x128xf32, #tpu.memory_space<vmem>>, vector<1x16xf32>,
        %get3A_576 = vector.shape_cast %get3A_575 : vector<1x16xf32> to vector<16xf32>
        %mul3A_577 = arith.mulf %get3A_576, %div3A_572 : vector<16xf32>
        %swap3A_578 = arith.index_cast %add3A_390 : i32 to index
        %swap3A_579 = arith.constant 64 : index
        %swap3A_580 = tpu.vector_load %arg23[%swap3A_578, %swap3A_579] {strides = array<i32>} : memref<40x128xf32, #tpu.memory_space<vmem>>, vector<1x16xf32>,
        %swap3A_581 = vector.shape_cast %swap3A_580 : vector<1x16xf32> to vector<16xf32>
        %swap3A_582 = vector.shape_cast %mul3A_577 : vector<16xf32> to vector<1x16xf32>
        tpu.vector_store %arg23[%swap3A_578, %swap3A_579], %swap3A_582 {strides = array<i32>} : memref<40x128xf32, #tpu.memory_space<vmem>>, vector<1x16xf32>,
        %get3A_583 = arith.index_cast %add3A_390 : i32 to index
        %get3A_584 = arith.constant 80 : index
        %get3A_585 = tpu.vector_load %arg21[%get3A_583, %get3A_584] {strides = array<i32>} : memref<40x128xf32, #tpu.memory_space<vmem>>, vector<1x16xf32>,
        %get3A_586 = vector.shape_cast %get3A_585 : vector<1x16xf32> to vector<16xf32>
        %get3A_587 = arith.index_cast %add3A_390 : i32 to index
        %get3A_588 = arith.constant 80 : index
        %get3A_589 = tpu.vector_load %arg22[%get3A_587, %get3A_588] {strides = array<i32>} : memref<40x128xf32, #tpu.memory_space<vmem>>, vector<1x16xf32>,
        %get3A_590 = vector.shape_cast %get3A_589 : vector<1x16xf32> to vector<16xf32>
        %add3A_591 = arith.addf %get3A_586, %get3A_590 : vector<16xf32>
        %get3A_592 = arith.index_cast %add3A_390 : i32 to index
        %get3A_593 = arith.constant 80 : index
        %get3A_594 = tpu.vector_load %arg24[%get3A_592, %get3A_593] {strides = array<i32>} : memref<40x128xf32, #tpu.memory_space<vmem>>, vector<1x16xf32>,
        %get3A_595 = vector.shape_cast %get3A_594 : vector<1x16xf32> to vector<16xf32>
        %add3A_596 = arith.addf %add3A_591, %get3A_595 : vector<16xf32>
        %swap3A_597 = arith.index_cast %add3A_390 : i32 to index
        %swap3A_598 = arith.constant 80 : index
        %swap3A_599 = tpu.vector_load %arg24[%swap3A_597, %swap3A_598] {strides = array<i32>} : memref<40x128xf32, #tpu.memory_space<vmem>>, vector<1x16xf32>,
        %swap3A_600 = vector.shape_cast %swap3A_599 : vector<1x16xf32> to vector<16xf32>
        %swap3A_601 = vector.shape_cast %add3A_596 : vector<16xf32> to vector<1x16xf32>
        tpu.vector_store %arg24[%swap3A_597, %swap3A_598], %swap3A_601 {strides = array<i32>} : memref<40x128xf32, #tpu.memory_space<vmem>>, vector<1x16xf32>,
        %neg3A_602 = arith.constant 0.000000e+00 : f32
        %neg3A_603 = vector.broadcast %neg3A_602 : f32 to vector<16xf32>
        %neg3A_604 = arith.subf %neg3A_603, %add3A_596 : vector<16xf32>
        %exp3A_605 = math.exp %neg3A_604 : vector<16xf32>
        %add3A_606 = arith.constant 1.000000e+00 : f32
        %add3A_607 = vector.broadcast %add3A_606 : f32 to vector<16xf32>
        %add3A_608 = arith.addf %add3A_607, %exp3A_605 : vector<16xf32>
        %div3A_609 = arith.constant 1.000000e+00 : f32
        %div3A_610 = vector.broadcast %div3A_609 : f32 to vector<16xf32>
        %div3A_611 = arith.divf %div3A_610, %add3A_608 : vector<16xf32>
        %get3A_612 = arith.index_cast %add3A_390 : i32 to index
        %get3A_613 = arith.constant 80 : index
        %get3A_614 = tpu.vector_load %arg23[%get3A_612, %get3A_613] {strides = array<i32>} : memref<40x128xf32, #tpu.memory_space<vmem>>, vector<1x16xf32>,
        %get3A_615 = vector.shape_cast %get3A_614 : vector<1x16xf32> to vector<16xf32>
        %mul3A_616 = arith.mulf %get3A_615, %div3A_611 : vector<16xf32>
        %swap3A_617 = arith.index_cast %add3A_390 : i32 to index
        %swap3A_618 = arith.constant 80 : index
        %swap3A_619 = tpu.vector_load %arg23[%swap3A_617, %swap3A_618] {strides = array<i32>} : memref<40x128xf32, #tpu.memory_space<vmem>>, vector<1x16xf32>,
        %swap3A_620 = vector.shape_cast %swap3A_619 : vector<1x16xf32> to vector<16xf32>
        %swap3A_621 = vector.shape_cast %mul3A_616 : vector<16xf32> to vector<1x16xf32>
        tpu.vector_store %arg23[%swap3A_617, %swap3A_618], %swap3A_621 {strides = array<i32>} : memref<40x128xf32, #tpu.memory_space<vmem>>, vector<1x16xf32>,
        %get3A_622 = arith.index_cast %add3A_390 : i32 to index
        %get3A_623 = arith.constant 96 : index
        %get3A_624 = tpu.vector_load %arg21[%get3A_622, %get3A_623] {strides = array<i32>} : memref<40x128xf32, #tpu.memory_space<vmem>>, vector<1x16xf32>,
        %get3A_625 = vector.shape_cast %get3A_624 : vector<1x16xf32> to vector<16xf32>
        %get3A_626 = arith.index_cast %add3A_390 : i32 to index
        %get3A_627 = arith.constant 96 : index
        %get3A_628 = tpu.vector_load %arg22[%get3A_626, %get3A_627] {strides = array<i32>} : memref<40x128xf32, #tpu.memory_space<vmem>>, vector<1x16xf32>,
        %get3A_629 = vector.shape_cast %get3A_628 : vector<1x16xf32> to vector<16xf32>
        %add3A_630 = arith.addf %get3A_625, %get3A_629 : vector<16xf32>
        %get3A_631 = arith.index_cast %add3A_390 : i32 to index
        %get3A_632 = arith.constant 96 : index
        %get3A_633 = tpu.vector_load %arg24[%get3A_631, %get3A_632] {strides = array<i32>} : memref<40x128xf32, #tpu.memory_space<vmem>>, vector<1x16xf32>,
        %get3A_634 = vector.shape_cast %get3A_633 : vector<1x16xf32> to vector<16xf32>
        %add3A_635 = arith.addf %add3A_630, %get3A_634 : vector<16xf32>
        %swap3A_636 = arith.index_cast %add3A_390 : i32 to index
        %swap3A_637 = arith.constant 96 : index
        %swap3A_638 = tpu.vector_load %arg24[%swap3A_636, %swap3A_637] {strides = array<i32>} : memref<40x128xf32, #tpu.memory_space<vmem>>, vector<1x16xf32>,
        %swap3A_639 = vector.shape_cast %swap3A_638 : vector<1x16xf32> to vector<16xf32>
        %swap3A_640 = vector.shape_cast %add3A_635 : vector<16xf32> to vector<1x16xf32>
        tpu.vector_store %arg24[%swap3A_636, %swap3A_637], %swap3A_640 {strides = array<i32>} : memref<40x128xf32, #tpu.memory_space<vmem>>, vector<1x16xf32>,
        %neg3A_641 = arith.constant 0.000000e+00 : f32
        %neg3A_642 = vector.broadcast %neg3A_641 : f32 to vector<16xf32>
        %neg3A_643 = arith.subf %neg3A_642, %add3A_635 : vector<16xf32>
        %exp3A_644 = math.exp %neg3A_643 : vector<16xf32>
        %add3A_645 = arith.constant 1.000000e+00 : f32
        %add3A_646 = vector.broadcast %add3A_645 : f32 to vector<16xf32>
        %add3A_647 = arith.addf %add3A_646, %exp3A_644 : vector<16xf32>
        %div3A_648 = arith.constant 1.000000e+00 : f32
        %div3A_649 = vector.broadcast %div3A_648 : f32 to vector<16xf32>
        %div3A_650 = arith.divf %div3A_649, %add3A_647 : vector<16xf32>
        %get3A_651 = arith.index_cast %add3A_390 : i32 to index
        %get3A_652 = arith.constant 96 : index
        %get3A_653 = tpu.vector_load %arg23[%get3A_651, %get3A_652] {strides = array<i32>} : memref<40x128xf32, #tpu.memory_space<vmem>>, vector<1x16xf32>,
        %get3A_654 = vector.shape_cast %get3A_653 : vector<1x16xf32> to vector<16xf32>
        %mul3A_655 = arith.mulf %get3A_654, %div3A_650 : vector<16xf32>
        %swap3A_656 = arith.index_cast %add3A_390 : i32 to index
        %swap3A_657 = arith.constant 96 : index
        %swap3A_658 = tpu.vector_load %arg23[%swap3A_656, %swap3A_657] {strides = array<i32>} : memref<40x128xf32, #tpu.memory_space<vmem>>, vector<1x16xf32>,
        %swap3A_659 = vector.shape_cast %swap3A_658 : vector<1x16xf32> to vector<16xf32>
        %swap3A_660 = vector.shape_cast %mul3A_655 : vector<16xf32> to vector<1x16xf32>
        tpu.vector_store %arg23[%swap3A_656, %swap3A_657], %swap3A_660 {strides = array<i32>} : memref<40x128xf32, #tpu.memory_space<vmem>>, vector<1x16xf32>,
        %get3A_661 = arith.index_cast %add3A_390 : i32 to index
        %get3A_662 = arith.constant 112 : index
        %get3A_663 = tpu.vector_load %arg21[%get3A_661, %get3A_662] {strides = array<i32>} : memref<40x128xf32, #tpu.memory_space<vmem>>, vector<1x16xf32>,
        %get3A_664 = vector.shape_cast %get3A_663 : vector<1x16xf32> to vector<16xf32>
        %get3A_665 = arith.index_cast %add3A_390 : i32 to index
        %get3A_666 = arith.constant 112 : index
        %get3A_667 = tpu.vector_load %arg22[%get3A_665, %get3A_666] {strides = array<i32>} : memref<40x128xf32, #tpu.memory_space<vmem>>, vector<1x16xf32>,
        %get3A_668 = vector.shape_cast %get3A_667 : vector<1x16xf32> to vector<16xf32>
        %add3A_669 = arith.addf %get3A_664, %get3A_668 : vector<16xf32>
        %get3A_670 = arith.index_cast %add3A_390 : i32 to index
        %get3A_671 = arith.constant 112 : index
        %get3A_672 = tpu.vector_load %arg24[%get3A_670, %get3A_671] {strides = array<i32>} : memref<40x128xf32, #tpu.memory_space<vmem>>, vector<1x16xf32>,
        %get3A_673 = vector.shape_cast %get3A_672 : vector<1x16xf32> to vector<16xf32>
        %add3A_674 = arith.addf %add3A_669, %get3A_673 : vector<16xf32>
        %swap3A_675 = arith.index_cast %add3A_390 : i32 to index
        %swap3A_676 = arith.constant 112 : index
        %swap3A_677 = tpu.vector_load %arg24[%swap3A_675, %swap3A_676] {strides = array<i32>} : memref<40x128xf32, #tpu.memory_space<vmem>>, vector<1x16xf32>,
        %swap3A_678 = vector.shape_cast %swap3A_677 : vector<1x16xf32> to vector<16xf32>
        %swap3A_679 = vector.shape_cast %add3A_674 : vector<16xf32> to vector<1x16xf32>
        tpu.vector_store %arg24[%swap3A_675, %swap3A_676], %swap3A_679 {strides = array<i32>} : memref<40x128xf32, #tpu.memory_space<vmem>>, vector<1x16xf32>,
        %neg3A_680 = arith.constant 0.000000e+00 : f32
        %neg3A_681 = vector.broadcast %neg3A_680 : f32 to vector<16xf32>
        %neg3A_682 = arith.subf %neg3A_681, %add3A_674 : vector<16xf32>
        %exp3A_683 = math.exp %neg3A_682 : vector<16xf32>
        %add3A_684 = arith.constant 1.000000e+00 : f32
        %add3A_685 = vector.broadcast %add3A_684 : f32 to vector<16xf32>
        %add3A_686 = arith.addf %add3A_685, %exp3A_683 : vector<16xf32>
        %div3A_687 = arith.constant 1.000000e+00 : f32
        %div3A_688 = vector.broadcast %div3A_687 : f32 to vector<16xf32>
        %div3A_689 = arith.divf %div3A_688, %add3A_686 : vector<16xf32>
        %get3A_690 = arith.index_cast %add3A_390 : i32 to index
        %get3A_691 = arith.constant 112 : index
        %get3A_692 = tpu.vector_load %arg23[%get3A_690, %get3A_691] {strides = array<i32>} : memref<40x128xf32, #tpu.memory_space<vmem>>, vector<1x16xf32>,
        %get3A_693 = vector.shape_cast %get3A_692 : vector<1x16xf32> to vector<16xf32>
        %mul3A_694 = arith.mulf %get3A_693, %div3A_689 : vector<16xf32>
        %swap3A_695 = arith.index_cast %add3A_390 : i32 to index
        %swap3A_696 = arith.constant 112 : index
        %swap3A_697 = tpu.vector_load %arg23[%swap3A_695, %swap3A_696] {strides = array<i32>} : memref<40x128xf32, #tpu.memory_space<vmem>>, vector<1x16xf32>,
        %swap3A_698 = vector.shape_cast %swap3A_697 : vector<1x16xf32> to vector<16xf32>
        %swap3A_699 = vector.shape_cast %mul3A_694 : vector<16xf32> to vector<1x16xf32>
        tpu.vector_store %arg23[%swap3A_695, %swap3A_696], %swap3A_699 {strides = array<i32>} : memref<40x128xf32, #tpu.memory_space<vmem>>, vector<1x16xf32>,
      }
      %scan3A_340 = arith.constant 40 : i32
      %mul3A_341 = arith.constant 40 : i32
      %mul3A_342 = arith.muli %add3A_287, %mul3A_341 : i32
      %add3A_343 = arith.addi %multiple_of3A, %mul3A_342 : i32
      %multiple_of3A_344 = tpu.assume_multiple %add3A_343, 8 : i32
      %dma_start3A_345 = arith.constant 0 : i32
      %dma_start3A_346 = tpu.memref_slice %arg9[%multiple_of3A_344, %dma_start3A_345] : memref<320000x128xf32, #tpu.memory_space<hbm>> -> memref<40x128xf32, #tpu.memory_space<hbm>>
      %dma_start3A_347 = arith.constant 0 : i32
      %dma_start3A_348 = tpu.memref_slice %arg9[%multiple_of3A_344, %dma_start3A_347] : memref<320000x128xf32, #tpu.memory_space<hbm>> -> memref<40x128xf32, #tpu.memory_space<hbm>>
      tpu.enqueue_dma source(%arg24 : memref<40x128xf32, #tpu.memory_space<vmem>>) target(%dma_start3A_348 : memref<40x128xf32, #tpu.memory_space<hbm>>) target_semaphore(%arg29 : memref<!tpu.dma_semaphore, #tpu.memory_space<semaphore_mem>>)
      "tpu.region"() ({
        %run_scoped3A = tpu.sem_alloc : memref<!tpu.dma_semaphore, #tpu.memory_space<semaphore_mem>>
        %dma_start3A_386 = arith.constant 0 : i32
        %dma_start3A_387 = arith.constant 0 : i32
        %dma_start3A_388 = tpu.memref_slice %arg25[%dma_start3A_386, %dma_start3A_387] : memref<10240x128xf32, #tpu.memory_space<vmem_shared>> -> memref<10240x128xf32, #tpu.memory_space<vmem_shared>>
        tpu.enqueue_indirect_dma source(%arg23 : memref<40x128xf32, #tpu.memory_space<vmem>>) target(%dma_start3A_388 : memref<10240x128xf32, #tpu.memory_space<vmem_shared>>) offsets(%arg16 : memref<40xi32, #tpu.memory_space<vmem>>) semaphore(%run_scoped3A : memref<!tpu.dma_semaphore, #tpu.memory_space<semaphore_mem>>) {add = true}
        %dma_wait3A_389 = arith.constant 0 : i32
        %dma_wait3A_390 = arith.constant 0 : i32
        %dma_wait3A_391 = tpu.memref_slice %arg25[%dma_wait3A_389, %dma_wait3A_390] : memref<10240x128xf32, #tpu.memory_space<vmem_shared>> -> memref<10240x128xf32, #tpu.memory_space<vmem_shared>>
        tpu.wait_indirect_dma semaphore(%run_scoped3A : memref<!tpu.dma_semaphore, #tpu.memory_space<semaphore_mem>>) src(%arg23 : memref<40x128xf32, #tpu.memory_space<vmem>>) dst(%dma_wait3A_391 : memref<10240x128xf32, #tpu.memory_space<vmem_shared>>)
        tpu.yield
      }) : () -> ()
      %mul3A_349 = arith.constant 40 : i32
      %mul3A_350 = arith.muli %add3A_287, %mul3A_349 : i32
      %add3A_351 = arith.addi %multiple_of3A, %mul3A_350 : i32
      %multiple_of3A_352 = tpu.assume_multiple %add3A_351, 8 : i32
      %dma_wait3A_353 = arith.constant 0 : i32
      %dma_wait3A_354 = tpu.memref_slice %arg9[%multiple_of3A_352, %dma_wait3A_353] : memref<320000x128xf32, #tpu.memory_space<hbm>> -> memref<40x128xf32, #tpu.memory_space<hbm>>
      %dma_wait3A_355 = arith.constant 0 : i32
      %dma_wait3A_356 = tpu.memref_slice %arg9[%multiple_of3A_352, %dma_wait3A_355] : memref<320000x128xf32, #tpu.memory_space<hbm>> -> memref<40x128xf32, #tpu.memory_space<hbm>>
      tpu.wait_dma2 semaphore(%arg29 : memref<!tpu.dma_semaphore, #tpu.memory_space<semaphore_mem>>) src(%arg24 : memref<40x128xf32, #tpu.memory_space<vmem>>) dst(%dma_wait3A_356 : memref<40x128xf32, #tpu.memory_space<hbm>>)
      %add3A_357 = arith.constant 2 : i32
      %add3A_358 = arith.addi %add3A_287, %add3A_357 : i32
      %mul3A_359 = arith.constant 40 : i32
      %mul3A_360 = arith.muli %add3A_358, %mul3A_359 : i32
      %add3A_361 = arith.addi %multiple_of3A, %mul3A_360 : i32
      %multiple_of3A_362 = tpu.assume_multiple %add3A_361, 8 : i32
      %dma_wait3A_363 = tpu.memref_slice %arg2[%multiple_of3A_362] : memref<320000xi32, #tpu.memory_space<hbm>> -> memref<40xi32, #tpu.memory_space<hbm>>
      %dma_wait3A_364 = tpu.memref_slice %arg2[%multiple_of3A_362] : memref<320000xi32, #tpu.memory_space<hbm>> -> memref<40xi32, #tpu.memory_space<hbm>>
      tpu.wait_dma2 semaphore(%arg31 : memref<!tpu.dma_semaphore, #tpu.memory_space<semaphore_mem>>) src(%dma_wait3A_364 : memref<40xi32, #tpu.memory_space<hbm>>) dst(%arg13 : memref<40xi32, #tpu.memory_space<vmem>>)
      %dma_wait3A_365 = tpu.memref_slice %arg3[%multiple_of3A_362] : memref<320000xi32, #tpu.memory_space<hbm>> -> memref<40xi32, #tpu.memory_space<hbm>>
      %dma_wait3A_366 = tpu.memref_slice %arg3[%multiple_of3A_362] : memref<320000xi32, #tpu.memory_space<hbm>> -> memref<40xi32, #tpu.memory_space<hbm>>
      tpu.wait_dma2 semaphore(%arg31 : memref<!tpu.dma_semaphore, #tpu.memory_space<semaphore_mem>>) src(%dma_wait3A_366 : memref<40xi32, #tpu.memory_space<hbm>>) dst(%arg14 : memref<40xi32, #tpu.memory_space<vmem>>)
      %add3A_367 = arith.constant 2 : i32
      %add3A_368 = arith.addi %add3A_287, %add3A_367 : i32
      %mul3A_369 = arith.constant 40 : i32
      %mul3A_370 = arith.muli %add3A_368, %mul3A_369 : i32
      %add3A_371 = arith.addi %multiple_of3A, %mul3A_370 : i32
      %multiple_of3A_372 = tpu.assume_multiple %add3A_371, 8 : i32
      %dma_start3A_373 = arith.constant 0 : i32
      %dma_start3A_374 = arith.constant 0 : i32
      %dma_start3A_375 = tpu.memref_slice %arg4[%dma_start3A_373, %dma_start3A_374] : memref<10000x128xf32, #tpu.memory_space<hbm>> -> memref<10000x128xf32, #tpu.memory_space<hbm>>
      tpu.enqueue_indirect_dma source(%dma_start3A_375 : memref<10000x128xf32, #tpu.memory_space<hbm>>) target(%arg21 : memref<40x128xf32, #tpu.memory_space<vmem>>) offsets(%arg13 : memref<40xi32, #tpu.memory_space<vmem>>) semaphore(%arg27 : memref<!tpu.dma_semaphore, #tpu.memory_space<semaphore_mem>>)
      %dma_start3A_376 = arith.constant 0 : i32
      %dma_start3A_377 = arith.constant 0 : i32
      %dma_start3A_378 = tpu.memref_slice %arg5[%dma_start3A_376, %dma_start3A_377] : memref<10000x128xf32, #tpu.memory_space<hbm>> -> memref<10000x128xf32, #tpu.memory_space<hbm>>
      tpu.enqueue_indirect_dma source(%dma_start3A_378 : memref<10000x128xf32, #tpu.memory_space<hbm>>) target(%arg22 : memref<40x128xf32, #tpu.memory_space<vmem>>) offsets(%arg14 : memref<40xi32, #tpu.memory_space<vmem>>) semaphore(%arg27 : memref<!tpu.dma_semaphore, #tpu.memory_space<semaphore_mem>>)
      %dma_start3A_379 = arith.constant 0 : i32
      %dma_start3A_380 = arith.constant 0 : i32
      %dma_start3A_381 = tpu.memref_slice %arg6[%dma_start3A_379, %dma_start3A_380] : memref<10000x128xf32, #tpu.memory_space<hbm>> -> memref<10000x128xf32, #tpu.memory_space<hbm>>
      tpu.enqueue_indirect_dma source(%dma_start3A_381 : memref<10000x128xf32, #tpu.memory_space<hbm>>) target(%arg23 : memref<40x128xf32, #tpu.memory_space<vmem>>) offsets(%arg13 : memref<40xi32, #tpu.memory_space<vmem>>) semaphore(%arg27 : memref<!tpu.dma_semaphore, #tpu.memory_space<semaphore_mem>>)
      %dma_start3A_382 = arith.constant 0 : i32
      %dma_start3A_383 = tpu.memref_slice %arg7[%multiple_of3A_372, %dma_start3A_382] : memref<320000x128xf32, #tpu.memory_space<hbm>> -> memref<40x128xf32, #tpu.memory_space<hbm>>
      %dma_start3A_384 = arith.constant 0 : i32
      %dma_start3A_385 = tpu.memref_slice %arg7[%multiple_of3A_372, %dma_start3A_384] : memref<320000x128xf32, #tpu.memory_space<hbm>> -> memref<40x128xf32, #tpu.memory_space<hbm>>
      tpu.enqueue_dma source(%dma_start3A_385 : memref<40x128xf32, #tpu.memory_space<hbm>>) target(%arg24 : memref<40x128xf32, #tpu.memory_space<vmem>>) target_semaphore(%arg27 : memref<!tpu.dma_semaphore, #tpu.memory_space<semaphore_mem>>)
    }
    %scan3A_67 = arith.constant 124 : i32
    %add3A_68 = arith.constant 9920 : i32
    %add3A_69 = arith.addi %multiple_of3A, %add3A_68 : i32
    %multiple_of3A_70 = tpu.assume_multiple %add3A_69, 8 : i32
    %dma_wait3A_71 = arith.constant 0 : i32
    %dma_wait3A_72 = arith.constant 0 : i32
    %dma_wait3A_73 = tpu.memref_slice %arg4[%dma_wait3A_71, %dma_wait3A_72] : memref<10000x128xf32, #tpu.memory_space<hbm>> -> memref<10000x128xf32, #tpu.memory_space<hbm>>
    tpu.wait_indirect_dma semaphore(%arg26 : memref<!tpu.dma_semaphore, #tpu.memory_space<semaphore_mem>>) src(%dma_wait3A_73 : memref<10000x128xf32, #tpu.memory_space<hbm>>) dst(%arg17 : memref<40x128xf32, #tpu.memory_space<vmem>>)
    %dma_wait3A_74 = arith.constant 0 : i32
    %dma_wait3A_75 = arith.constant 0 : i32
    %dma_wait3A_76 = tpu.memref_slice %arg5[%dma_wait3A_74, %dma_wait3A_75] : memref<10000x128xf32, #tpu.memory_space<hbm>> -> memref<10000x128xf32, #tpu.memory_space<hbm>>
    tpu.wait_indirect_dma semaphore(%arg26 : memref<!tpu.dma_semaphore, #tpu.memory_space<semaphore_mem>>) src(%dma_wait3A_76 : memref<10000x128xf32, #tpu.memory_space<hbm>>) dst(%arg18 : memref<40x128xf32, #tpu.memory_space<vmem>>)
    %dma_wait3A_77 = arith.constant 0 : i32
    %dma_wait3A_78 = arith.constant 0 : i32
    %dma_wait3A_79 = tpu.memref_slice %arg6[%dma_wait3A_77, %dma_wait3A_78] : memref<10000x128xf32, #tpu.memory_space<hbm>> -> memref<10000x128xf32, #tpu.memory_space<hbm>>
    tpu.wait_indirect_dma semaphore(%arg26 : memref<!tpu.dma_semaphore, #tpu.memory_space<semaphore_mem>>) src(%dma_wait3A_79 : memref<10000x128xf32, #tpu.memory_space<hbm>>) dst(%arg19 : memref<40x128xf32, #tpu.memory_space<vmem>>)
    %dma_wait3A_80 = arith.constant 0 : i32
    %dma_wait3A_81 = tpu.memref_slice %arg7[%multiple_of3A_70, %dma_wait3A_80] : memref<320000x128xf32, #tpu.memory_space<hbm>> -> memref<40x128xf32, #tpu.memory_space<hbm>>
    %dma_wait3A_82 = arith.constant 0 : i32
    %dma_wait3A_83 = tpu.memref_slice %arg7[%multiple_of3A_70, %dma_wait3A_82] : memref<320000x128xf32, #tpu.memory_space<hbm>> -> memref<40x128xf32, #tpu.memory_space<hbm>>
    tpu.wait_dma2 semaphore(%arg26 : memref<!tpu.dma_semaphore, #tpu.memory_space<semaphore_mem>>) src(%dma_wait3A_83 : memref<40x128xf32, #tpu.memory_space<hbm>>) dst(%arg20 : memref<40x128xf32, #tpu.memory_space<vmem>>)
    %get3A = arith.constant 0 : index
    %get3A_84 = tpu.vector_load %arg12[%get3A] {strides = array<i32>} : memref<40xi32, #tpu.memory_space<vmem>>, vector<16xi32>,
    %get3A_85 = vector.shape_cast %get3A_84 : vector<16xi32> to vector<16xi32>
    %swap3A = arith.constant 0 : index
    %swap3A_86 = tpu.vector_load %arg15[%swap3A] {strides = array<i32>} : memref<40xi32, #tpu.memory_space<vmem>>, vector<16xi32>,
    %swap3A_87 = vector.shape_cast %swap3A_86 : vector<16xi32> to vector<16xi32>
    %swap3A_88 = vector.shape_cast %get3A_85 : vector<16xi32> to vector<16xi32>
    tpu.vector_store %arg15[%swap3A], %swap3A_88 {strides = array<i32>} : memref<40xi32, #tpu.memory_space<vmem>>, vector<16xi32>,
    %get3A_89 = arith.constant 16 : index
    %get3A_90 = tpu.vector_load %arg12[%get3A_89] {strides = array<i32>} : memref<40xi32, #tpu.memory_space<vmem>>, vector<16xi32>,
    %get3A_91 = vector.shape_cast %get3A_90 : vector<16xi32> to vector<16xi32>
    %swap3A_92 = arith.constant 16 : index
    %swap3A_93 = tpu.vector_load %arg15[%swap3A_92] {strides = array<i32>} : memref<40xi32, #tpu.memory_space<vmem>>, vector<16xi32>,
    %swap3A_94 = vector.shape_cast %swap3A_93 : vector<16xi32> to vector<16xi32>
    %swap3A_95 = vector.shape_cast %get3A_91 : vector<16xi32> to vector<16xi32>
    tpu.vector_store %arg15[%swap3A_92], %swap3A_95 {strides = array<i32>} : memref<40xi32, #tpu.memory_space<vmem>>, vector<16xi32>,
    %get3A_96 = arith.constant 24 : index
    %get3A_97 = tpu.vector_load %arg12[%get3A_96] {strides = array<i32>} : memref<40xi32, #tpu.memory_space<vmem>>, vector<16xi32>,
    %get3A_98 = vector.shape_cast %get3A_97 : vector<16xi32> to vector<16xi32>
    %swap3A_99 = arith.constant 24 : index
    %swap3A_100 = tpu.vector_load %arg15[%swap3A_99] {strides = array<i32>} : memref<40xi32, #tpu.memory_space<vmem>>, vector<16xi32>,
    %swap3A_101 = vector.shape_cast %swap3A_100 : vector<16xi32> to vector<16xi32>
    %swap3A_102 = vector.shape_cast %get3A_98 : vector<16xi32> to vector<16xi32>
    tpu.vector_store %arg15[%swap3A_99], %swap3A_102 {strides = array<i32>} : memref<40xi32, #tpu.memory_space<vmem>>, vector<16xi32>,
    %scan3A_103 = arith.constant 0 : i32
    %scan3A_104 = arith.constant 40 : i32
    %scan3A_105 = arith.addi %scan3A_103, %scan3A_104 : i32
    %scan3A_106 = arith.constant 1 : i32
    scf.for %scan3A_179 = %scan3A_103 to %scan3A_105 step %scan3A_106  : i32 {
      %mul3A_180 = arith.constant 1 : i32
      %mul3A_181 = arith.muli %scan3A_179, %mul3A_180 : i32
      %add3A_182 = arith.constant 0 : i32
      %add3A_183 = arith.addi %add3A_182, %mul3A_181 : i32
      %get3A_184 = arith.index_cast %add3A_183 : i32 to index
      %get3A_185 = arith.constant 0 : index
      %get3A_186 = tpu.vector_load %arg17[%get3A_184, %get3A_185] {strides = array<i32>} : memref<40x128xf32, #tpu.memory_space<vmem>>, vector<1x16xf32>,
      %get3A_187 = vector.shape_cast %get3A_186 : vector<1x16xf32> to vector<16xf32>
      %get3A_188 = arith.index_cast %add3A_183 : i32 to index
      %get3A_189 = arith.constant 0 : index
      %get3A_190 = tpu.vector_load %arg18[%get3A_188, %get3A_189] {strides = array<i32>} : memref<40x128xf32, #tpu.memory_space<vmem>>, vector<1x16xf32>,
      %get3A_191 = vector.shape_cast %get3A_190 : vector<1x16xf32> to vector<16xf32>
      %add3A_192 = arith.addf %get3A_187, %get3A_191 : vector<16xf32>
      %get3A_193 = arith.index_cast %add3A_183 : i32 to index
      %get3A_194 = arith.constant 0 : index
      %get3A_195 = tpu.vector_load %arg20[%get3A_193, %get3A_194] {strides = array<i32>} : memref<40x128xf32, #tpu.memory_space<vmem>>, vector<1x16xf32>,
      %get3A_196 = vector.shape_cast %get3A_195 : vector<1x16xf32> to vector<16xf32>
      %add3A_197 = arith.addf %add3A_192, %get3A_196 : vector<16xf32>
      %swap3A_198 = arith.index_cast %add3A_183 : i32 to index
      %swap3A_199 = arith.constant 0 : index
      %swap3A_200 = tpu.vector_load %arg20[%swap3A_198, %swap3A_199] {strides = array<i32>} : memref<40x128xf32, #tpu.memory_space<vmem>>, vector<1x16xf32>,
      %swap3A_201 = vector.shape_cast %swap3A_200 : vector<1x16xf32> to vector<16xf32>
      %swap3A_202 = vector.shape_cast %add3A_197 : vector<16xf32> to vector<1x16xf32>
      tpu.vector_store %arg20[%swap3A_198, %swap3A_199], %swap3A_202 {strides = array<i32>} : memref<40x128xf32, #tpu.memory_space<vmem>>, vector<1x16xf32>,
      %neg3A = arith.constant 0.000000e+00 : f32
      %neg3A_203 = vector.broadcast %neg3A : f32 to vector<16xf32>
      %neg3A_204 = arith.subf %neg3A_203, %add3A_197 : vector<16xf32>
      %exp3A = math.exp %neg3A_204 : vector<16xf32>
      %add3A_205 = arith.constant 1.000000e+00 : f32
      %add3A_206 = vector.broadcast %add3A_205 : f32 to vector<16xf32>
      %add3A_207 = arith.addf %add3A_206, %exp3A : vector<16xf32>
      %div3A = arith.constant 1.000000e+00 : f32
      %div3A_208 = vector.broadcast %div3A : f32 to vector<16xf32>
      %div3A_209 = arith.divf %div3A_208, %add3A_207 : vector<16xf32>
      %get3A_210 = arith.index_cast %add3A_183 : i32 to index
      %get3A_211 = arith.constant 0 : index
      %get3A_212 = tpu.vector_load %arg19[%get3A_210, %get3A_211] {strides = array<i32>} : memref<40x128xf32, #tpu.memory_space<vmem>>, vector<1x16xf32>,
      %get3A_213 = vector.shape_cast %get3A_212 : vector<1x16xf32> to vector<16xf32>
      %mul3A_214 = arith.mulf %get3A_213, %div3A_209 : vector<16xf32>
      %swap3A_215 = arith.index_cast %add3A_183 : i32 to index
      %swap3A_216 = arith.constant 0 : index
      %swap3A_217 = tpu.vector_load %arg19[%swap3A_215, %swap3A_216] {strides = array<i32>} : memref<40x128xf32, #tpu.memory_space<vmem>>, vector<1x16xf32>,
      %swap3A_218 = vector.shape_cast %swap3A_217 : vector<1x16xf32> to vector<16xf32>
      %swap3A_219 = vector.shape_cast %mul3A_214 : vector<16xf32> to vector<1x16xf32>
      tpu.vector_store %arg19[%swap3A_215, %swap3A_216], %swap3A_219 {strides = array<i32>} : memref<40x128xf32, #tpu.memory_space<vmem>>, vector<1x16xf32>,
      %get3A_220 = arith.index_cast %add3A_183 : i32 to index
      %get3A_221 = arith.constant 16 : index
      %get3A_222 = tpu.vector_load %arg17[%get3A_220, %get3A_221] {strides = array<i32>} : memref<40x128xf32, #tpu.memory_space<vmem>>, vector<1x16xf32>,
      %get3A_223 = vector.shape_cast %get3A_222 : vector<1x16xf32> to vector<16xf32>
      %get3A_224 = arith.index_cast %add3A_183 : i32 to index
      %get3A_225 = arith.constant 16 : index
      %get3A_226 = tpu.vector_load %arg18[%get3A_224, %get3A_225] {strides = array<i32>} : memref<40x128xf32, #tpu.memory_space<vmem>>, vector<1x16xf32>,
      %get3A_227 = vector.shape_cast %get3A_226 : vector<1x16xf32> to vector<16xf32>
      %add3A_228 = arith.addf %get3A_223, %get3A_227 : vector<16xf32>
      %get3A_229 = arith.index_cast %add3A_183 : i32 to index
      %get3A_230 = arith.constant 16 : index
      %get3A_231 = tpu.vector_load %arg20[%get3A_229, %get3A_230] {strides = array<i32>} : memref<40x128xf32, #tpu.memory_space<vmem>>, vector<1x16xf32>,
      %get3A_232 = vector.shape_cast %get3A_231 : vector<1x16xf32> to vector<16xf32>
      %add3A_233 = arith.addf %add3A_228, %get3A_232 : vector<16xf32>
      %swap3A_234 = arith.index_cast %add3A_183 : i32 to index
      %swap3A_235 = arith.constant 16 : index
      %swap3A_236 = tpu.vector_load %arg20[%swap3A_234, %swap3A_235] {strides = array<i32>} : memref<40x128xf32, #tpu.memory_space<vmem>>, vector<1x16xf32>,
      %swap3A_237 = vector.shape_cast %swap3A_236 : vector<1x16xf32> to vector<16xf32>
      %swap3A_238 = vector.shape_cast %add3A_233 : vector<16xf32> to vector<1x16xf32>
      tpu.vector_store %arg20[%swap3A_234, %swap3A_235], %swap3A_238 {strides = array<i32>} : memref<40x128xf32, #tpu.memory_space<vmem>>, vector<1x16xf32>,
      %neg3A_239 = arith.constant 0.000000e+00 : f32
      %neg3A_240 = vector.broadcast %neg3A_239 : f32 to vector<16xf32>
      %neg3A_241 = arith.subf %neg3A_240, %add3A_233 : vector<16xf32>
      %exp3A_242 = math.exp %neg3A_241 : vector<16xf32>
      %add3A_243 = arith.constant 1.000000e+00 : f32
      %add3A_244 = vector.broadcast %add3A_243 : f32 to vector<16xf32>
      %add3A_245 = arith.addf %add3A_244, %exp3A_242 : vector<16xf32>
      %div3A_246 = arith.constant 1.000000e+00 : f32
      %div3A_247 = vector.broadcast %div3A_246 : f32 to vector<16xf32>
      %div3A_248 = arith.divf %div3A_247, %add3A_245 : vector<16xf32>
      %get3A_249 = arith.index_cast %add3A_183 : i32 to index
      %get3A_250 = arith.constant 16 : index
      %get3A_251 = tpu.vector_load %arg19[%get3A_249, %get3A_250] {strides = array<i32>} : memref<40x128xf32, #tpu.memory_space<vmem>>, vector<1x16xf32>,
      %get3A_252 = vector.shape_cast %get3A_251 : vector<1x16xf32> to vector<16xf32>
      %mul3A_253 = arith.mulf %get3A_252, %div3A_248 : vector<16xf32>
      %swap3A_254 = arith.index_cast %add3A_183 : i32 to index
      %swap3A_255 = arith.constant 16 : index
      %swap3A_256 = tpu.vector_load %arg19[%swap3A_254, %swap3A_255] {strides = array<i32>} : memref<40x128xf32, #tpu.memory_space<vmem>>, vector<1x16xf32>,
      %swap3A_257 = vector.shape_cast %swap3A_256 : vector<1x16xf32> to vector<16xf32>
      %swap3A_258 = vector.shape_cast %mul3A_253 : vector<16xf32> to vector<1x16xf32>
      tpu.vector_store %arg19[%swap3A_254, %swap3A_255], %swap3A_258 {strides = array<i32>} : memref<40x128xf32, #tpu.memory_space<vmem>>, vector<1x16xf32>,
      %get3A_259 = arith.index_cast %add3A_183 : i32 to index
      %get3A_260 = arith.constant 32 : index
      %get3A_261 = tpu.vector_load %arg17[%get3A_259, %get3A_260] {strides = array<i32>} : memref<40x128xf32, #tpu.memory_space<vmem>>, vector<1x16xf32>,
      %get3A_262 = vector.shape_cast %get3A_261 : vector<1x16xf32> to vector<16xf32>
      %get3A_263 = arith.index_cast %add3A_183 : i32 to index
      %get3A_264 = arith.constant 32 : index
      %get3A_265 = tpu.vector_load %arg18[%get3A_263, %get3A_264] {strides = array<i32>} : memref<40x128xf32, #tpu.memory_space<vmem>>, vector<1x16xf32>,
      %get3A_266 = vector.shape_cast %get3A_265 : vector<1x16xf32> to vector<16xf32>
      %add3A_267 = arith.addf %get3A_262, %get3A_266 : vector<16xf32>
      %get3A_268 = arith.index_cast %add3A_183 : i32 to index
      %get3A_269 = arith.constant 32 : index
      %get3A_270 = tpu.vector_load %arg20[%get3A_268, %get3A_269] {strides = array<i32>} : memref<40x128xf32, #tpu.memory_space<vmem>>, vector<1x16xf32>,
      %get3A_271 = vector.shape_cast %get3A_270 : vector<1x16xf32> to vector<16xf32>
      %add3A_272 = arith.addf %add3A_267, %get3A_271 : vector<16xf32>
      %swap3A_273 = arith.index_cast %add3A_183 : i32 to index
      %swap3A_274 = arith.constant 32 : index
      %swap3A_275 = tpu.vector_load %arg20[%swap3A_273, %swap3A_274] {strides = array<i32>} : memref<40x128xf32, #tpu.memory_space<vmem>>, vector<1x16xf32>,
      %swap3A_276 = vector.shape_cast %swap3A_275 : vector<1x16xf32> to vector<16xf32>
      %swap3A_277 = vector.shape_cast %add3A_272 : vector<16xf32> to vector<1x16xf32>
      tpu.vector_store %arg20[%swap3A_273, %swap3A_274], %swap3A_277 {strides = array<i32>} : memref<40x128xf32, #tpu.memory_space<vmem>>, vector<1x16xf32>,
      %neg3A_278 = arith.constant 0.000000e+00 : f32
      %neg3A_279 = vector.broadcast %neg3A_278 : f32 to vector<16xf32>
      %neg3A_280 = arith.subf %neg3A_279, %add3A_272 : vector<16xf32>
      %exp3A_281 = math.exp %neg3A_280 : vector<16xf32>
      %add3A_282 = arith.constant 1.000000e+00 : f32
      %add3A_283 = vector.broadcast %add3A_282 : f32 to vector<16xf32>
      %add3A_284 = arith.addf %add3A_283, %exp3A_281 : vector<16xf32>
      %div3A_285 = arith.constant 1.000000e+00 : f32
      %div3A_286 = vector.broadcast %div3A_285 : f32 to vector<16xf32>
      %div3A_287 = arith.divf %div3A_286, %add3A_284 : vector<16xf32>
      %get3A_288 = arith.index_cast %add3A_183 : i32 to index
      %get3A_289 = arith.constant 32 : index
      %get3A_290 = tpu.vector_load %arg19[%get3A_288, %get3A_289] {strides = array<i32>} : memref<40x128xf32, #tpu.memory_space<vmem>>, vector<1x16xf32>,
      %get3A_291 = vector.shape_cast %get3A_290 : vector<1x16xf32> to vector<16xf32>
      %mul3A_292 = arith.mulf %get3A_291, %div3A_287 : vector<16xf32>
      %swap3A_293 = arith.index_cast %add3A_183 : i32 to index
      %swap3A_294 = arith.constant 32 : index
      %swap3A_295 = tpu.vector_load %arg19[%swap3A_293, %swap3A_294] {strides = array<i32>} : memref<40x128xf32, #tpu.memory_space<vmem>>, vector<1x16xf32>,
      %swap3A_296 = vector.shape_cast %swap3A_295 : vector<1x16xf32> to vector<16xf32>
      %swap3A_297 = vector.shape_cast %mul3A_292 : vector<16xf32> to vector<1x16xf32>
      tpu.vector_store %arg19[%swap3A_293, %swap3A_294], %swap3A_297 {strides = array<i32>} : memref<40x128xf32, #tpu.memory_space<vmem>>, vector<1x16xf32>,
      %get3A_298 = arith.index_cast %add3A_183 : i32 to index
      %get3A_299 = arith.constant 48 : index
      %get3A_300 = tpu.vector_load %arg17[%get3A_298, %get3A_299] {strides = array<i32>} : memref<40x128xf32, #tpu.memory_space<vmem>>, vector<1x16xf32>,
      %get3A_301 = vector.shape_cast %get3A_300 : vector<1x16xf32> to vector<16xf32>
      %get3A_302 = arith.index_cast %add3A_183 : i32 to index
      %get3A_303 = arith.constant 48 : index
      %get3A_304 = tpu.vector_load %arg18[%get3A_302, %get3A_303] {strides = array<i32>} : memref<40x128xf32, #tpu.memory_space<vmem>>, vector<1x16xf32>,
      %get3A_305 = vector.shape_cast %get3A_304 : vector<1x16xf32> to vector<16xf32>
      %add3A_306 = arith.addf %get3A_301, %get3A_305 : vector<16xf32>
      %get3A_307 = arith.index_cast %add3A_183 : i32 to index
      %get3A_308 = arith.constant 48 : index
      %get3A_309 = tpu.vector_load %arg20[%get3A_307, %get3A_308] {strides = array<i32>} : memref<40x128xf32, #tpu.memory_space<vmem>>, vector<1x16xf32>,
      %get3A_310 = vector.shape_cast %get3A_309 : vector<1x16xf32> to vector<16xf32>
      %add3A_311 = arith.addf %add3A_306, %get3A_310 : vector<16xf32>
      %swap3A_312 = arith.index_cast %add3A_183 : i32 to index
      %swap3A_313 = arith.constant 48 : index
      %swap3A_314 = tpu.vector_load %arg20[%swap3A_312, %swap3A_313] {strides = array<i32>} : memref<40x128xf32, #tpu.memory_space<vmem>>, vector<1x16xf32>,
      %swap3A_315 = vector.shape_cast %swap3A_314 : vector<1x16xf32> to vector<16xf32>
      %swap3A_316 = vector.shape_cast %add3A_311 : vector<16xf32> to vector<1x16xf32>
      tpu.vector_store %arg20[%swap3A_312, %swap3A_313], %swap3A_316 {strides = array<i32>} : memref<40x128xf32, #tpu.memory_space<vmem>>, vector<1x16xf32>,
      %neg3A_317 = arith.constant 0.000000e+00 : f32
      %neg3A_318 = vector.broadcast %neg3A_317 : f32 to vector<16xf32>
      %neg3A_319 = arith.subf %neg3A_318, %add3A_311 : vector<16xf32>
      %exp3A_320 = math.exp %neg3A_319 : vector<16xf32>
      %add3A_321 = arith.constant 1.000000e+00 : f32
      %add3A_322 = vector.broadcast %add3A_321 : f32 to vector<16xf32>
      %add3A_323 = arith.addf %add3A_322, %exp3A_320 : vector<16xf32>
      %div3A_324 = arith.constant 1.000000e+00 : f32
      %div3A_325 = vector.broadcast %div3A_324 : f32 to vector<16xf32>
      %div3A_326 = arith.divf %div3A_325, %add3A_323 : vector<16xf32>
      %get3A_327 = arith.index_cast %add3A_183 : i32 to index
      %get3A_328 = arith.constant 48 : index
      %get3A_329 = tpu.vector_load %arg19[%get3A_327, %get3A_328] {strides = array<i32>} : memref<40x128xf32, #tpu.memory_space<vmem>>, vector<1x16xf32>,
      %get3A_330 = vector.shape_cast %get3A_329 : vector<1x16xf32> to vector<16xf32>
      %mul3A_331 = arith.mulf %get3A_330, %div3A_326 : vector<16xf32>
      %swap3A_332 = arith.index_cast %add3A_183 : i32 to index
      %swap3A_333 = arith.constant 48 : index
      %swap3A_334 = tpu.vector_load %arg19[%swap3A_332, %swap3A_333] {strides = array<i32>} : memref<40x128xf32, #tpu.memory_space<vmem>>, vector<1x16xf32>,
      %swap3A_335 = vector.shape_cast %swap3A_334 : vector<1x16xf32> to vector<16xf32>
      %swap3A_336 = vector.shape_cast %mul3A_331 : vector<16xf32> to vector<1x16xf32>
      tpu.vector_store %arg19[%swap3A_332, %swap3A_333], %swap3A_336 {strides = array<i32>} : memref<40x128xf32, #tpu.memory_space<vmem>>, vector<1x16xf32>,
      %get3A_337 = arith.index_cast %add3A_183 : i32 to index
      %get3A_338 = arith.constant 64 : index
      %get3A_339 = tpu.vector_load %arg17[%get3A_337, %get3A_338] {strides = array<i32>} : memref<40x128xf32, #tpu.memory_space<vmem>>, vector<1x16xf32>,
      %get3A_340 = vector.shape_cast %get3A_339 : vector<1x16xf32> to vector<16xf32>
      %get3A_341 = arith.index_cast %add3A_183 : i32 to index
      %get3A_342 = arith.constant 64 : index
      %get3A_343 = tpu.vector_load %arg18[%get3A_341, %get3A_342] {strides = array<i32>} : memref<40x128xf32, #tpu.memory_space<vmem>>, vector<1x16xf32>,
      %get3A_344 = vector.shape_cast %get3A_343 : vector<1x16xf32> to vector<16xf32>
      %add3A_345 = arith.addf %get3A_340, %get3A_344 : vector<16xf32>
      %get3A_346 = arith.index_cast %add3A_183 : i32 to index
      %get3A_347 = arith.constant 64 : index
      %get3A_348 = tpu.vector_load %arg20[%get3A_346, %get3A_347] {strides = array<i32>} : memref<40x128xf32, #tpu.memory_space<vmem>>, vector<1x16xf32>,
      %get3A_349 = vector.shape_cast %get3A_348 : vector<1x16xf32> to vector<16xf32>
      %add3A_350 = arith.addf %add3A_345, %get3A_349 : vector<16xf32>
      %swap3A_351 = arith.index_cast %add3A_183 : i32 to index
      %swap3A_352 = arith.constant 64 : index
      %swap3A_353 = tpu.vector_load %arg20[%swap3A_351, %swap3A_352] {strides = array<i32>} : memref<40x128xf32, #tpu.memory_space<vmem>>, vector<1x16xf32>,
      %swap3A_354 = vector.shape_cast %swap3A_353 : vector<1x16xf32> to vector<16xf32>
      %swap3A_355 = vector.shape_cast %add3A_350 : vector<16xf32> to vector<1x16xf32>
      tpu.vector_store %arg20[%swap3A_351, %swap3A_352], %swap3A_355 {strides = array<i32>} : memref<40x128xf32, #tpu.memory_space<vmem>>, vector<1x16xf32>,
      %neg3A_356 = arith.constant 0.000000e+00 : f32
      %neg3A_357 = vector.broadcast %neg3A_356 : f32 to vector<16xf32>
      %neg3A_358 = arith.subf %neg3A_357, %add3A_350 : vector<16xf32>
      %exp3A_359 = math.exp %neg3A_358 : vector<16xf32>
      %add3A_360 = arith.constant 1.000000e+00 : f32
      %add3A_361 = vector.broadcast %add3A_360 : f32 to vector<16xf32>
      %add3A_362 = arith.addf %add3A_361, %exp3A_359 : vector<16xf32>
      %div3A_363 = arith.constant 1.000000e+00 : f32
      %div3A_364 = vector.broadcast %div3A_363 : f32 to vector<16xf32>
      %div3A_365 = arith.divf %div3A_364, %add3A_362 : vector<16xf32>
      %get3A_366 = arith.index_cast %add3A_183 : i32 to index
      %get3A_367 = arith.constant 64 : index
      %get3A_368 = tpu.vector_load %arg19[%get3A_366, %get3A_367] {strides = array<i32>} : memref<40x128xf32, #tpu.memory_space<vmem>>, vector<1x16xf32>,
      %get3A_369 = vector.shape_cast %get3A_368 : vector<1x16xf32> to vector<16xf32>
      %mul3A_370 = arith.mulf %get3A_369, %div3A_365 : vector<16xf32>
      %swap3A_371 = arith.index_cast %add3A_183 : i32 to index
      %swap3A_372 = arith.constant 64 : index
      %swap3A_373 = tpu.vector_load %arg19[%swap3A_371, %swap3A_372] {strides = array<i32>} : memref<40x128xf32, #tpu.memory_space<vmem>>, vector<1x16xf32>,
      %swap3A_374 = vector.shape_cast %swap3A_373 : vector<1x16xf32> to vector<16xf32>
      %swap3A_375 = vector.shape_cast %mul3A_370 : vector<16xf32> to vector<1x16xf32>
      tpu.vector_store %arg19[%swap3A_371, %swap3A_372], %swap3A_375 {strides = array<i32>} : memref<40x128xf32, #tpu.memory_space<vmem>>, vector<1x16xf32>,
      %get3A_376 = arith.index_cast %add3A_183 : i32 to index
      %get3A_377 = arith.constant 80 : index
      %get3A_378 = tpu.vector_load %arg17[%get3A_376, %get3A_377] {strides = array<i32>} : memref<40x128xf32, #tpu.memory_space<vmem>>, vector<1x16xf32>,
      %get3A_379 = vector.shape_cast %get3A_378 : vector<1x16xf32> to vector<16xf32>
      %get3A_380 = arith.index_cast %add3A_183 : i32 to index
      %get3A_381 = arith.constant 80 : index
      %get3A_382 = tpu.vector_load %arg18[%get3A_380, %get3A_381] {strides = array<i32>} : memref<40x128xf32, #tpu.memory_space<vmem>>, vector<1x16xf32>,
      %get3A_383 = vector.shape_cast %get3A_382 : vector<1x16xf32> to vector<16xf32>
      %add3A_384 = arith.addf %get3A_379, %get3A_383 : vector<16xf32>
      %get3A_385 = arith.index_cast %add3A_183 : i32 to index
      %get3A_386 = arith.constant 80 : index
      %get3A_387 = tpu.vector_load %arg20[%get3A_385, %get3A_386] {strides = array<i32>} : memref<40x128xf32, #tpu.memory_space<vmem>>, vector<1x16xf32>,
      %get3A_388 = vector.shape_cast %get3A_387 : vector<1x16xf32> to vector<16xf32>
      %add3A_389 = arith.addf %add3A_384, %get3A_388 : vector<16xf32>
      %swap3A_390 = arith.index_cast %add3A_183 : i32 to index
      %swap3A_391 = arith.constant 80 : index
      %swap3A_392 = tpu.vector_load %arg20[%swap3A_390, %swap3A_391] {strides = array<i32>} : memref<40x128xf32, #tpu.memory_space<vmem>>, vector<1x16xf32>,
      %swap3A_393 = vector.shape_cast %swap3A_392 : vector<1x16xf32> to vector<16xf32>
      %swap3A_394 = vector.shape_cast %add3A_389 : vector<16xf32> to vector<1x16xf32>
      tpu.vector_store %arg20[%swap3A_390, %swap3A_391], %swap3A_394 {strides = array<i32>} : memref<40x128xf32, #tpu.memory_space<vmem>>, vector<1x16xf32>,
      %neg3A_395 = arith.constant 0.000000e+00 : f32
      %neg3A_396 = vector.broadcast %neg3A_395 : f32 to vector<16xf32>
      %neg3A_397 = arith.subf %neg3A_396, %add3A_389 : vector<16xf32>
      %exp3A_398 = math.exp %neg3A_397 : vector<16xf32>
      %add3A_399 = arith.constant 1.000000e+00 : f32
      %add3A_400 = vector.broadcast %add3A_399 : f32 to vector<16xf32>
      %add3A_401 = arith.addf %add3A_400, %exp3A_398 : vector<16xf32>
      %div3A_402 = arith.constant 1.000000e+00 : f32
      %div3A_403 = vector.broadcast %div3A_402 : f32 to vector<16xf32>
      %div3A_404 = arith.divf %div3A_403, %add3A_401 : vector<16xf32>
      %get3A_405 = arith.index_cast %add3A_183 : i32 to index
      %get3A_406 = arith.constant 80 : index
      %get3A_407 = tpu.vector_load %arg19[%get3A_405, %get3A_406] {strides = array<i32>} : memref<40x128xf32, #tpu.memory_space<vmem>>, vector<1x16xf32>,
      %get3A_408 = vector.shape_cast %get3A_407 : vector<1x16xf32> to vector<16xf32>
      %mul3A_409 = arith.mulf %get3A_408, %div3A_404 : vector<16xf32>
      %swap3A_410 = arith.index_cast %add3A_183 : i32 to index
      %swap3A_411 = arith.constant 80 : index
      %swap3A_412 = tpu.vector_load %arg19[%swap3A_410, %swap3A_411] {strides = array<i32>} : memref<40x128xf32, #tpu.memory_space<vmem>>, vector<1x16xf32>,
      %swap3A_413 = vector.shape_cast %swap3A_412 : vector<1x16xf32> to vector<16xf32>
      %swap3A_414 = vector.shape_cast %mul3A_409 : vector<16xf32> to vector<1x16xf32>
      tpu.vector_store %arg19[%swap3A_410, %swap3A_411], %swap3A_414 {strides = array<i32>} : memref<40x128xf32, #tpu.memory_space<vmem>>, vector<1x16xf32>,
      %get3A_415 = arith.index_cast %add3A_183 : i32 to index
      %get3A_416 = arith.constant 96 : index
      %get3A_417 = tpu.vector_load %arg17[%get3A_415, %get3A_416] {strides = array<i32>} : memref<40x128xf32, #tpu.memory_space<vmem>>, vector<1x16xf32>,
      %get3A_418 = vector.shape_cast %get3A_417 : vector<1x16xf32> to vector<16xf32>
      %get3A_419 = arith.index_cast %add3A_183 : i32 to index
      %get3A_420 = arith.constant 96 : index
      %get3A_421 = tpu.vector_load %arg18[%get3A_419, %get3A_420] {strides = array<i32>} : memref<40x128xf32, #tpu.memory_space<vmem>>, vector<1x16xf32>,
      %get3A_422 = vector.shape_cast %get3A_421 : vector<1x16xf32> to vector<16xf32>
      %add3A_423 = arith.addf %get3A_418, %get3A_422 : vector<16xf32>
      %get3A_424 = arith.index_cast %add3A_183 : i32 to index
      %get3A_425 = arith.constant 96 : index
      %get3A_426 = tpu.vector_load %arg20[%get3A_424, %get3A_425] {strides = array<i32>} : memref<40x128xf32, #tpu.memory_space<vmem>>, vector<1x16xf32>,
      %get3A_427 = vector.shape_cast %get3A_426 : vector<1x16xf32> to vector<16xf32>
      %add3A_428 = arith.addf %add3A_423, %get3A_427 : vector<16xf32>
      %swap3A_429 = arith.index_cast %add3A_183 : i32 to index
      %swap3A_430 = arith.constant 96 : index
      %swap3A_431 = tpu.vector_load %arg20[%swap3A_429, %swap3A_430] {strides = array<i32>} : memref<40x128xf32, #tpu.memory_space<vmem>>, vector<1x16xf32>,
      %swap3A_432 = vector.shape_cast %swap3A_431 : vector<1x16xf32> to vector<16xf32>
      %swap3A_433 = vector.shape_cast %add3A_428 : vector<16xf32> to vector<1x16xf32>
      tpu.vector_store %arg20[%swap3A_429, %swap3A_430], %swap3A_433 {strides = array<i32>} : memref<40x128xf32, #tpu.memory_space<vmem>>, vector<1x16xf32>,
      %neg3A_434 = arith.constant 0.000000e+00 : f32
      %neg3A_435 = vector.broadcast %neg3A_434 : f32 to vector<16xf32>
      %neg3A_436 = arith.subf %neg3A_435, %add3A_428 : vector<16xf32>
      %exp3A_437 = math.exp %neg3A_436 : vector<16xf32>
      %add3A_438 = arith.constant 1.000000e+00 : f32
      %add3A_439 = vector.broadcast %add3A_438 : f32 to vector<16xf32>
      %add3A_440 = arith.addf %add3A_439, %exp3A_437 : vector<16xf32>
      %div3A_441 = arith.constant 1.000000e+00 : f32
      %div3A_442 = vector.broadcast %div3A_441 : f32 to vector<16xf32>
      %div3A_443 = arith.divf %div3A_442, %add3A_440 : vector<16xf32>
      %get3A_444 = arith.index_cast %add3A_183 : i32 to index
      %get3A_445 = arith.constant 96 : index
      %get3A_446 = tpu.vector_load %arg19[%get3A_444, %get3A_445] {strides = array<i32>} : memref<40x128xf32, #tpu.memory_space<vmem>>, vector<1x16xf32>,
      %get3A_447 = vector.shape_cast %get3A_446 : vector<1x16xf32> to vector<16xf32>
      %mul3A_448 = arith.mulf %get3A_447, %div3A_443 : vector<16xf32>
      %swap3A_449 = arith.index_cast %add3A_183 : i32 to index
      %swap3A_450 = arith.constant 96 : index
      %swap3A_451 = tpu.vector_load %arg19[%swap3A_449, %swap3A_450] {strides = array<i32>} : memref<40x128xf32, #tpu.memory_space<vmem>>, vector<1x16xf32>,
      %swap3A_452 = vector.shape_cast %swap3A_451 : vector<1x16xf32> to vector<16xf32>
      %swap3A_453 = vector.shape_cast %mul3A_448 : vector<16xf32> to vector<1x16xf32>
      tpu.vector_store %arg19[%swap3A_449, %swap3A_450], %swap3A_453 {strides = array<i32>} : memref<40x128xf32, #tpu.memory_space<vmem>>, vector<1x16xf32>,
      %get3A_454 = arith.index_cast %add3A_183 : i32 to index
      %get3A_455 = arith.constant 112 : index
      %get3A_456 = tpu.vector_load %arg17[%get3A_454, %get3A_455] {strides = array<i32>} : memref<40x128xf32, #tpu.memory_space<vmem>>, vector<1x16xf32>,
      %get3A_457 = vector.shape_cast %get3A_456 : vector<1x16xf32> to vector<16xf32>
      %get3A_458 = arith.index_cast %add3A_183 : i32 to index
      %get3A_459 = arith.constant 112 : index
      %get3A_460 = tpu.vector_load %arg18[%get3A_458, %get3A_459] {strides = array<i32>} : memref<40x128xf32, #tpu.memory_space<vmem>>, vector<1x16xf32>,
      %get3A_461 = vector.shape_cast %get3A_460 : vector<1x16xf32> to vector<16xf32>
      %add3A_462 = arith.addf %get3A_457, %get3A_461 : vector<16xf32>
      %get3A_463 = arith.index_cast %add3A_183 : i32 to index
      %get3A_464 = arith.constant 112 : index
      %get3A_465 = tpu.vector_load %arg20[%get3A_463, %get3A_464] {strides = array<i32>} : memref<40x128xf32, #tpu.memory_space<vmem>>, vector<1x16xf32>,
      %get3A_466 = vector.shape_cast %get3A_465 : vector<1x16xf32> to vector<16xf32>
      %add3A_467 = arith.addf %add3A_462, %get3A_466 : vector<16xf32>
      %swap3A_468 = arith.index_cast %add3A_183 : i32 to index
      %swap3A_469 = arith.constant 112 : index
      %swap3A_470 = tpu.vector_load %arg20[%swap3A_468, %swap3A_469] {strides = array<i32>} : memref<40x128xf32, #tpu.memory_space<vmem>>, vector<1x16xf32>,
      %swap3A_471 = vector.shape_cast %swap3A_470 : vector<1x16xf32> to vector<16xf32>
      %swap3A_472 = vector.shape_cast %add3A_467 : vector<16xf32> to vector<1x16xf32>
      tpu.vector_store %arg20[%swap3A_468, %swap3A_469], %swap3A_472 {strides = array<i32>} : memref<40x128xf32, #tpu.memory_space<vmem>>, vector<1x16xf32>,
      %neg3A_473 = arith.constant 0.000000e+00 : f32
      %neg3A_474 = vector.broadcast %neg3A_473 : f32 to vector<16xf32>
      %neg3A_475 = arith.subf %neg3A_474, %add3A_467 : vector<16xf32>
      %exp3A_476 = math.exp %neg3A_475 : vector<16xf32>
      %add3A_477 = arith.constant 1.000000e+00 : f32
      %add3A_478 = vector.broadcast %add3A_477 : f32 to vector<16xf32>
      %add3A_479 = arith.addf %add3A_478, %exp3A_476 : vector<16xf32>
      %div3A_480 = arith.constant 1.000000e+00 : f32
      %div3A_481 = vector.broadcast %div3A_480 : f32 to vector<16xf32>
      %div3A_482 = arith.divf %div3A_481, %add3A_479 : vector<16xf32>
      %get3A_483 = arith.index_cast %add3A_183 : i32 to index
      %get3A_484 = arith.constant 112 : index
      %get3A_485 = tpu.vector_load %arg19[%get3A_483, %get3A_484] {strides = array<i32>} : memref<40x128xf32, #tpu.memory_space<vmem>>, vector<1x16xf32>,
      %get3A_486 = vector.shape_cast %get3A_485 : vector<1x16xf32> to vector<16xf32>
      %mul3A_487 = arith.mulf %get3A_486, %div3A_482 : vector<16xf32>
      %swap3A_488 = arith.index_cast %add3A_183 : i32 to index
      %swap3A_489 = arith.constant 112 : index
      %swap3A_490 = tpu.vector_load %arg19[%swap3A_488, %swap3A_489] {strides = array<i32>} : memref<40x128xf32, #tpu.memory_space<vmem>>, vector<1x16xf32>,
      %swap3A_491 = vector.shape_cast %swap3A_490 : vector<1x16xf32> to vector<16xf32>
      %swap3A_492 = vector.shape_cast %mul3A_487 : vector<16xf32> to vector<1x16xf32>
      tpu.vector_store %arg19[%swap3A_488, %swap3A_489], %swap3A_492 {strides = array<i32>} : memref<40x128xf32, #tpu.memory_space<vmem>>, vector<1x16xf32>,
    }
    %scan3A_107 = arith.constant 40 : i32
    %add3A_108 = arith.constant 9920 : i32
    %add3A_109 = arith.addi %multiple_of3A, %add3A_108 : i32
    %multiple_of3A_110 = tpu.assume_multiple %add3A_109, 8 : i32
    %dma_start3A_111 = arith.constant 0 : i32
    %dma_start3A_112 = tpu.memref_slice %arg9[%multiple_of3A_110, %dma_start3A_111] : memref<320000x128xf32, #tpu.memory_space<hbm>> -> memref<40x128xf32, #tpu.memory_space<hbm>>
    %dma_start3A_113 = arith.constant 0 : i32
    %dma_start3A_114 = tpu.memref_slice %arg9[%multiple_of3A_110, %dma_start3A_113] : memref<320000x128xf32, #tpu.memory_space<hbm>> -> memref<40x128xf32, #tpu.memory_space<hbm>>
    tpu.enqueue_dma source(%arg20 : memref<40x128xf32, #tpu.memory_space<vmem>>) target(%dma_start3A_114 : memref<40x128xf32, #tpu.memory_space<hbm>>) target_semaphore(%arg28 : memref<!tpu.dma_semaphore, #tpu.memory_space<semaphore_mem>>)
    "tpu.region"() ({
      %run_scoped3A = tpu.sem_alloc : memref<!tpu.dma_semaphore, #tpu.memory_space<semaphore_mem>>
      %dma_start3A_179 = arith.constant 0 : i32
      %dma_start3A_180 = arith.constant 0 : i32
      %dma_start3A_181 = tpu.memref_slice %arg25[%dma_start3A_179, %dma_start3A_180] : memref<10240x128xf32, #tpu.memory_space<vmem_shared>> -> memref<10240x128xf32, #tpu.memory_space<vmem_shared>>
      tpu.enqueue_indirect_dma source(%arg19 : memref<40x128xf32, #tpu.memory_space<vmem>>) target(%dma_start3A_181 : memref<10240x128xf32, #tpu.memory_space<vmem_shared>>) offsets(%arg15 : memref<40xi32, #tpu.memory_space<vmem>>) semaphore(%run_scoped3A : memref<!tpu.dma_semaphore, #tpu.memory_space<semaphore_mem>>) {add = true}
      %dma_wait3A_182 = arith.constant 0 : i32
      %dma_wait3A_183 = arith.constant 0 : i32
      %dma_wait3A_184 = tpu.memref_slice %arg25[%dma_wait3A_182, %dma_wait3A_183] : memref<10240x128xf32, #tpu.memory_space<vmem_shared>> -> memref<10240x128xf32, #tpu.memory_space<vmem_shared>>
      tpu.wait_indirect_dma semaphore(%run_scoped3A : memref<!tpu.dma_semaphore, #tpu.memory_space<semaphore_mem>>) src(%arg19 : memref<40x128xf32, #tpu.memory_space<vmem>>) dst(%dma_wait3A_184 : memref<10240x128xf32, #tpu.memory_space<vmem_shared>>)
      tpu.yield
    }) : () -> ()
    %add3A_115 = arith.constant 9920 : i32
    %add3A_116 = arith.addi %multiple_of3A, %add3A_115 : i32
    %multiple_of3A_117 = tpu.assume_multiple %add3A_116, 8 : i32
    %dma_wait3A_118 = arith.constant 0 : i32
    %dma_wait3A_119 = tpu.memref_slice %arg9[%multiple_of3A_117, %dma_wait3A_118] : memref<320000x128xf32, #tpu.memory_space<hbm>> -> memref<40x128xf32, #tpu.memory_space<hbm>>
    %dma_wait3A_120 = arith.constant 0 : i32
    %dma_wait3A_121 = tpu.memref_slice %arg9[%multiple_of3A_117, %dma_wait3A_120] : memref<320000x128xf32, #tpu.memory_space<hbm>> -> memref<40x128xf32, #tpu.memory_space<hbm>>
    tpu.wait_dma2 semaphore(%arg28 : memref<!tpu.dma_semaphore, #tpu.memory_space<semaphore_mem>>) src(%arg20 : memref<40x128xf32, #tpu.memory_space<vmem>>) dst(%dma_wait3A_121 : memref<40x128xf32, #tpu.memory_space<hbm>>)
    %add3A_122 = arith.constant 9960 : i32
    %add3A_123 = arith.addi %multiple_of3A, %add3A_122 : i32
    %multiple_of3A_124 = tpu.assume_multiple %add3A_123, 8 : i32
    %dma_wait3A_125 = arith.constant 0 : i32
    %dma_wait3A_126 = arith.constant 0 : i32
    %dma_wait3A_127 = tpu.memref_slice %arg4[%dma_wait3A_125, %dma_wait3A_126] : memref<10000x128xf32, #tpu.memory_space<hbm>> -> memref<10000x128xf32, #tpu.memory_space<hbm>>
    tpu.wait_indirect_dma semaphore(%arg27 : memref<!tpu.dma_semaphore, #tpu.memory_space<semaphore_mem>>) src(%dma_wait3A_127 : memref<10000x128xf32, #tpu.memory_space<hbm>>) dst(%arg21 : memref<40x128xf32, #tpu.memory_space<vmem>>)
    %dma_wait3A_128 = arith.constant 0 : i32
    %dma_wait3A_129 = arith.constant 0 : i32
    %dma_wait3A_130 = tpu.memref_slice %arg5[%dma_wait3A_128, %dma_wait3A_129] : memref<10000x128xf32, #tpu.memory_space<hbm>> -> memref<10000x128xf32, #tpu.memory_space<hbm>>
    tpu.wait_indirect_dma semaphore(%arg27 : memref<!tpu.dma_semaphore, #tpu.memory_space<semaphore_mem>>) src(%dma_wait3A_130 : memref<10000x128xf32, #tpu.memory_space<hbm>>) dst(%arg22 : memref<40x128xf32, #tpu.memory_space<vmem>>)
    %dma_wait3A_131 = arith.constant 0 : i32
    %dma_wait3A_132 = arith.constant 0 : i32
    %dma_wait3A_133 = tpu.memref_slice %arg6[%dma_wait3A_131, %dma_wait3A_132] : memref<10000x128xf32, #tpu.memory_space<hbm>> -> memref<10000x128xf32, #tpu.memory_space<hbm>>
    tpu.wait_indirect_dma semaphore(%arg27 : memref<!tpu.dma_semaphore, #tpu.memory_space<semaphore_mem>>) src(%dma_wait3A_133 : memref<10000x128xf32, #tpu.memory_space<hbm>>) dst(%arg23 : memref<40x128xf32, #tpu.memory_space<vmem>>)
    %dma_wait3A_134 = arith.constant 0 : i32
    %dma_wait3A_135 = tpu.memref_slice %arg7[%multiple_of3A_124, %dma_wait3A_134] : memref<320000x128xf32, #tpu.memory_space<hbm>> -> memref<40x128xf32, #tpu.memory_space<hbm>>
    %dma_wait3A_136 = arith.constant 0 : i32
    %dma_wait3A_137 = tpu.memref_slice %arg7[%multiple_of3A_124, %dma_wait3A_136] : memref<320000x128xf32, #tpu.memory_space<hbm>> -> memref<40x128xf32, #tpu.memory_space<hbm>>
    tpu.wait_dma2 semaphore(%arg27 : memref<!tpu.dma_semaphore, #tpu.memory_space<semaphore_mem>>) src(%dma_wait3A_137 : memref<40x128xf32, #tpu.memory_space<hbm>>) dst(%arg24 : memref<40x128xf32, #tpu.memory_space<vmem>>)
    %get3A_138 = arith.constant 0 : index
    %get3A_139 = tpu.vector_load %arg14[%get3A_138] {strides = array<i32>} : memref<40xi32, #tpu.memory_space<vmem>>, vector<16xi32>,
    %get3A_140 = vector.shape_cast %get3A_139 : vector<16xi32> to vector<16xi32>
    %swap3A_141 = arith.constant 0 : index
    %swap3A_142 = tpu.vector_load %arg16[%swap3A_141] {strides = array<i32>} : memref<40xi32, #tpu.memory_space<vmem>>, vector<16xi32>,
    %swap3A_143 = vector.shape_cast %swap3A_142 : vector<16xi32> to vector<16xi32>
    %swap3A_144 = vector.shape_cast %get3A_140 : vector<16xi32> to vector<16xi32>
    tpu.vector_store %arg16[%swap3A_141], %swap3A_144 {strides = array<i32>} : memref<40xi32, #tpu.memory_space<vmem>>, vector<16xi32>,
    %get3A_145 = arith.constant 16 : index
    %get3A_146 = tpu.vector_load %arg14[%get3A_145] {strides = array<i32>} : memref<40xi32, #tpu.memory_space<vmem>>, vector<16xi32>,
    %get3A_147 = vector.shape_cast %get3A_146 : vector<16xi32> to vector<16xi32>
    %swap3A_148 = arith.constant 16 : index
    %swap3A_149 = tpu.vector_load %arg16[%swap3A_148] {strides = array<i32>} : memref<40xi32, #tpu.memory_space<vmem>>, vector<16xi32>,
    %swap3A_150 = vector.shape_cast %swap3A_149 : vector<16xi32> to vector<16xi32>
    %swap3A_151 = vector.shape_cast %get3A_147 : vector<16xi32> to vector<16xi32>
    tpu.vector_store %arg16[%swap3A_148], %swap3A_151 {strides = array<i32>} : memref<40xi32, #tpu.memory_space<vmem>>, vector<16xi32>,
    %get3A_152 = arith.constant 24 : index
    %get3A_153 = tpu.vector_load %arg14[%get3A_152] {strides = array<i32>} : memref<40xi32, #tpu.memory_space<vmem>>, vector<16xi32>,
    %get3A_154 = vector.shape_cast %get3A_153 : vector<16xi32> to vector<16xi32>
    %swap3A_155 = arith.constant 24 : index
    %swap3A_156 = tpu.vector_load %arg16[%swap3A_155] {strides = array<i32>} : memref<40xi32, #tpu.memory_space<vmem>>, vector<16xi32>,
    %swap3A_157 = vector.shape_cast %swap3A_156 : vector<16xi32> to vector<16xi32>
    %swap3A_158 = vector.shape_cast %get3A_154 : vector<16xi32> to vector<16xi32>
    tpu.vector_store %arg16[%swap3A_155], %swap3A_158 {strides = array<i32>} : memref<40xi32, #tpu.memory_space<vmem>>, vector<16xi32>,
    %scan3A_159 = arith.constant 0 : i32
    %scan3A_160 = arith.constant 40 : i32
    %scan3A_161 = arith.addi %scan3A_159, %scan3A_160 : i32
    %scan3A_162 = arith.constant 1 : i32
    scf.for %scan3A_179 = %scan3A_159 to %scan3A_161 step %scan3A_162  : i32 {
      %mul3A_180 = arith.constant 1 : i32
      %mul3A_181 = arith.muli %scan3A_179, %mul3A_180 : i32
      %add3A_182 = arith.constant 0 : i32
      %add3A_183 = arith.addi %add3A_182, %mul3A_181 : i32
      %get3A_184 = arith.index_cast %add3A_183 : i32 to index
      %get3A_185 = arith.constant 0 : index
      %get3A_186 = tpu.vector_load %arg21[%get3A_184, %get3A_185] {strides = array<i32>} : memref<40x128xf32, #tpu.memory_space<vmem>>, vector<1x16xf32>,
      %get3A_187 = vector.shape_cast %get3A_186 : vector<1x16xf32> to vector<16xf32>
      %get3A_188 = arith.index_cast %add3A_183 : i32 to index
      %get3A_189 = arith.constant 0 : index
      %get3A_190 = tpu.vector_load %arg22[%get3A_188, %get3A_189] {strides = array<i32>} : memref<40x128xf32, #tpu.memory_space<vmem>>, vector<1x16xf32>,
      %get3A_191 = vector.shape_cast %get3A_190 : vector<1x16xf32> to vector<16xf32>
      %add3A_192 = arith.addf %get3A_187, %get3A_191 : vector<16xf32>
      %get3A_193 = arith.index_cast %add3A_183 : i32 to index
      %get3A_194 = arith.constant 0 : index
      %get3A_195 = tpu.vector_load %arg24[%get3A_193, %get3A_194] {strides = array<i32>} : memref<40x128xf32, #tpu.memory_space<vmem>>, vector<1x16xf32>,
      %get3A_196 = vector.shape_cast %get3A_195 : vector<1x16xf32> to vector<16xf32>
      %add3A_197 = arith.addf %add3A_192, %get3A_196 : vector<16xf32>
      %swap3A_198 = arith.index_cast %add3A_183 : i32 to index
      %swap3A_199 = arith.constant 0 : index
      %swap3A_200 = tpu.vector_load %arg24[%swap3A_198, %swap3A_199] {strides = array<i32>} : memref<40x128xf32, #tpu.memory_space<vmem>>, vector<1x16xf32>,
      %swap3A_201 = vector.shape_cast %swap3A_200 : vector<1x16xf32> to vector<16xf32>
      %swap3A_202 = vector.shape_cast %add3A_197 : vector<16xf32> to vector<1x16xf32>
      tpu.vector_store %arg24[%swap3A_198, %swap3A_199], %swap3A_202 {strides = array<i32>} : memref<40x128xf32, #tpu.memory_space<vmem>>, vector<1x16xf32>,
      %neg3A = arith.constant 0.000000e+00 : f32
      %neg3A_203 = vector.broadcast %neg3A : f32 to vector<16xf32>
      %neg3A_204 = arith.subf %neg3A_203, %add3A_197 : vector<16xf32>
      %exp3A = math.exp %neg3A_204 : vector<16xf32>
      %add3A_205 = arith.constant 1.000000e+00 : f32
      %add3A_206 = vector.broadcast %add3A_205 : f32 to vector<16xf32>
      %add3A_207 = arith.addf %add3A_206, %exp3A : vector<16xf32>
      %div3A = arith.constant 1.000000e+00 : f32
      %div3A_208 = vector.broadcast %div3A : f32 to vector<16xf32>
      %div3A_209 = arith.divf %div3A_208, %add3A_207 : vector<16xf32>
      %get3A_210 = arith.index_cast %add3A_183 : i32 to index
      %get3A_211 = arith.constant 0 : index
      %get3A_212 = tpu.vector_load %arg23[%get3A_210, %get3A_211] {strides = array<i32>} : memref<40x128xf32, #tpu.memory_space<vmem>>, vector<1x16xf32>,
      %get3A_213 = vector.shape_cast %get3A_212 : vector<1x16xf32> to vector<16xf32>
      %mul3A_214 = arith.mulf %get3A_213, %div3A_209 : vector<16xf32>
      %swap3A_215 = arith.index_cast %add3A_183 : i32 to index
      %swap3A_216 = arith.constant 0 : index
      %swap3A_217 = tpu.vector_load %arg23[%swap3A_215, %swap3A_216] {strides = array<i32>} : memref<40x128xf32, #tpu.memory_space<vmem>>, vector<1x16xf32>,
      %swap3A_218 = vector.shape_cast %swap3A_217 : vector<1x16xf32> to vector<16xf32>
      %swap3A_219 = vector.shape_cast %mul3A_214 : vector<16xf32> to vector<1x16xf32>
      tpu.vector_store %arg23[%swap3A_215, %swap3A_216], %swap3A_219 {strides = array<i32>} : memref<40x128xf32, #tpu.memory_space<vmem>>, vector<1x16xf32>,
      %get3A_220 = arith.index_cast %add3A_183 : i32 to index
      %get3A_221 = arith.constant 16 : index
      %get3A_222 = tpu.vector_load %arg21[%get3A_220, %get3A_221] {strides = array<i32>} : memref<40x128xf32, #tpu.memory_space<vmem>>, vector<1x16xf32>,
      %get3A_223 = vector.shape_cast %get3A_222 : vector<1x16xf32> to vector<16xf32>
      %get3A_224 = arith.index_cast %add3A_183 : i32 to index
      %get3A_225 = arith.constant 16 : index
      %get3A_226 = tpu.vector_load %arg22[%get3A_224, %get3A_225] {strides = array<i32>} : memref<40x128xf32, #tpu.memory_space<vmem>>, vector<1x16xf32>,
      %get3A_227 = vector.shape_cast %get3A_226 : vector<1x16xf32> to vector<16xf32>
      %add3A_228 = arith.addf %get3A_223, %get3A_227 : vector<16xf32>
      %get3A_229 = arith.index_cast %add3A_183 : i32 to index
      %get3A_230 = arith.constant 16 : index
      %get3A_231 = tpu.vector_load %arg24[%get3A_229, %get3A_230] {strides = array<i32>} : memref<40x128xf32, #tpu.memory_space<vmem>>, vector<1x16xf32>,
      %get3A_232 = vector.shape_cast %get3A_231 : vector<1x16xf32> to vector<16xf32>
      %add3A_233 = arith.addf %add3A_228, %get3A_232 : vector<16xf32>
      %swap3A_234 = arith.index_cast %add3A_183 : i32 to index
      %swap3A_235 = arith.constant 16 : index
      %swap3A_236 = tpu.vector_load %arg24[%swap3A_234, %swap3A_235] {strides = array<i32>} : memref<40x128xf32, #tpu.memory_space<vmem>>, vector<1x16xf32>,
      %swap3A_237 = vector.shape_cast %swap3A_236 : vector<1x16xf32> to vector<16xf32>
      %swap3A_238 = vector.shape_cast %add3A_233 : vector<16xf32> to vector<1x16xf32>
      tpu.vector_store %arg24[%swap3A_234, %swap3A_235], %swap3A_238 {strides = array<i32>} : memref<40x128xf32, #tpu.memory_space<vmem>>, vector<1x16xf32>,
      %neg3A_239 = arith.constant 0.000000e+00 : f32
      %neg3A_240 = vector.broadcast %neg3A_239 : f32 to vector<16xf32>
      %neg3A_241 = arith.subf %neg3A_240, %add3A_233 : vector<16xf32>
      %exp3A_242 = math.exp %neg3A_241 : vector<16xf32>
      %add3A_243 = arith.constant 1.000000e+00 : f32
      %add3A_244 = vector.broadcast %add3A_243 : f32 to vector<16xf32>
      %add3A_245 = arith.addf %add3A_244, %exp3A_242 : vector<16xf32>
      %div3A_246 = arith.constant 1.000000e+00 : f32
      %div3A_247 = vector.broadcast %div3A_246 : f32 to vector<16xf32>
      %div3A_248 = arith.divf %div3A_247, %add3A_245 : vector<16xf32>
      %get3A_249 = arith.index_cast %add3A_183 : i32 to index
      %get3A_250 = arith.constant 16 : index
      %get3A_251 = tpu.vector_load %arg23[%get3A_249, %get3A_250] {strides = array<i32>} : memref<40x128xf32, #tpu.memory_space<vmem>>, vector<1x16xf32>,
      %get3A_252 = vector.shape_cast %get3A_251 : vector<1x16xf32> to vector<16xf32>
      %mul3A_253 = arith.mulf %get3A_252, %div3A_248 : vector<16xf32>
      %swap3A_254 = arith.index_cast %add3A_183 : i32 to index
      %swap3A_255 = arith.constant 16 : index
      %swap3A_256 = tpu.vector_load %arg23[%swap3A_254, %swap3A_255] {strides = array<i32>} : memref<40x128xf32, #tpu.memory_space<vmem>>, vector<1x16xf32>,
      %swap3A_257 = vector.shape_cast %swap3A_256 : vector<1x16xf32> to vector<16xf32>
      %swap3A_258 = vector.shape_cast %mul3A_253 : vector<16xf32> to vector<1x16xf32>
      tpu.vector_store %arg23[%swap3A_254, %swap3A_255], %swap3A_258 {strides = array<i32>} : memref<40x128xf32, #tpu.memory_space<vmem>>, vector<1x16xf32>,
      %get3A_259 = arith.index_cast %add3A_183 : i32 to index
      %get3A_260 = arith.constant 32 : index
      %get3A_261 = tpu.vector_load %arg21[%get3A_259, %get3A_260] {strides = array<i32>} : memref<40x128xf32, #tpu.memory_space<vmem>>, vector<1x16xf32>,
      %get3A_262 = vector.shape_cast %get3A_261 : vector<1x16xf32> to vector<16xf32>
      %get3A_263 = arith.index_cast %add3A_183 : i32 to index
      %get3A_264 = arith.constant 32 : index
      %get3A_265 = tpu.vector_load %arg22[%get3A_263, %get3A_264] {strides = array<i32>} : memref<40x128xf32, #tpu.memory_space<vmem>>, vector<1x16xf32>,
      %get3A_266 = vector.shape_cast %get3A_265 : vector<1x16xf32> to vector<16xf32>
      %add3A_267 = arith.addf %get3A_262, %get3A_266 : vector<16xf32>
      %get3A_268 = arith.index_cast %add3A_183 : i32 to index
      %get3A_269 = arith.constant 32 : index
      %get3A_270 = tpu.vector_load %arg24[%get3A_268, %get3A_269] {strides = array<i32>} : memref<40x128xf32, #tpu.memory_space<vmem>>, vector<1x16xf32>,
      %get3A_271 = vector.shape_cast %get3A_270 : vector<1x16xf32> to vector<16xf32>
      %add3A_272 = arith.addf %add3A_267, %get3A_271 : vector<16xf32>
      %swap3A_273 = arith.index_cast %add3A_183 : i32 to index
      %swap3A_274 = arith.constant 32 : index
      %swap3A_275 = tpu.vector_load %arg24[%swap3A_273, %swap3A_274] {strides = array<i32>} : memref<40x128xf32, #tpu.memory_space<vmem>>, vector<1x16xf32>,
      %swap3A_276 = vector.shape_cast %swap3A_275 : vector<1x16xf32> to vector<16xf32>
      %swap3A_277 = vector.shape_cast %add3A_272 : vector<16xf32> to vector<1x16xf32>
      tpu.vector_store %arg24[%swap3A_273, %swap3A_274], %swap3A_277 {strides = array<i32>} : memref<40x128xf32, #tpu.memory_space<vmem>>, vector<1x16xf32>,
      %neg3A_278 = arith.constant 0.000000e+00 : f32
      %neg3A_279 = vector.broadcast %neg3A_278 : f32 to vector<16xf32>
      %neg3A_280 = arith.subf %neg3A_279, %add3A_272 : vector<16xf32>
      %exp3A_281 = math.exp %neg3A_280 : vector<16xf32>
      %add3A_282 = arith.constant 1.000000e+00 : f32
      %add3A_283 = vector.broadcast %add3A_282 : f32 to vector<16xf32>
      %add3A_284 = arith.addf %add3A_283, %exp3A_281 : vector<16xf32>
      %div3A_285 = arith.constant 1.000000e+00 : f32
      %div3A_286 = vector.broadcast %div3A_285 : f32 to vector<16xf32>
      %div3A_287 = arith.divf %div3A_286, %add3A_284 : vector<16xf32>
      %get3A_288 = arith.index_cast %add3A_183 : i32 to index
      %get3A_289 = arith.constant 32 : index
      %get3A_290 = tpu.vector_load %arg23[%get3A_288, %get3A_289] {strides = array<i32>} : memref<40x128xf32, #tpu.memory_space<vmem>>, vector<1x16xf32>,
      %get3A_291 = vector.shape_cast %get3A_290 : vector<1x16xf32> to vector<16xf32>
      %mul3A_292 = arith.mulf %get3A_291, %div3A_287 : vector<16xf32>
      %swap3A_293 = arith.index_cast %add3A_183 : i32 to index
      %swap3A_294 = arith.constant 32 : index
      %swap3A_295 = tpu.vector_load %arg23[%swap3A_293, %swap3A_294] {strides = array<i32>} : memref<40x128xf32, #tpu.memory_space<vmem>>, vector<1x16xf32>,
      %swap3A_296 = vector.shape_cast %swap3A_295 : vector<1x16xf32> to vector<16xf32>
      %swap3A_297 = vector.shape_cast %mul3A_292 : vector<16xf32> to vector<1x16xf32>
      tpu.vector_store %arg23[%swap3A_293, %swap3A_294], %swap3A_297 {strides = array<i32>} : memref<40x128xf32, #tpu.memory_space<vmem>>, vector<1x16xf32>,
      %get3A_298 = arith.index_cast %add3A_183 : i32 to index
      %get3A_299 = arith.constant 48 : index
      %get3A_300 = tpu.vector_load %arg21[%get3A_298, %get3A_299] {strides = array<i32>} : memref<40x128xf32, #tpu.memory_space<vmem>>, vector<1x16xf32>,
      %get3A_301 = vector.shape_cast %get3A_300 : vector<1x16xf32> to vector<16xf32>
      %get3A_302 = arith.index_cast %add3A_183 : i32 to index
      %get3A_303 = arith.constant 48 : index
      %get3A_304 = tpu.vector_load %arg22[%get3A_302, %get3A_303] {strides = array<i32>} : memref<40x128xf32, #tpu.memory_space<vmem>>, vector<1x16xf32>,
      %get3A_305 = vector.shape_cast %get3A_304 : vector<1x16xf32> to vector<16xf32>
      %add3A_306 = arith.addf %get3A_301, %get3A_305 : vector<16xf32>
      %get3A_307 = arith.index_cast %add3A_183 : i32 to index
      %get3A_308 = arith.constant 48 : index
      %get3A_309 = tpu.vector_load %arg24[%get3A_307, %get3A_308] {strides = array<i32>} : memref<40x128xf32, #tpu.memory_space<vmem>>, vector<1x16xf32>,
      %get3A_310 = vector.shape_cast %get3A_309 : vector<1x16xf32> to vector<16xf32>
      %add3A_311 = arith.addf %add3A_306, %get3A_310 : vector<16xf32>
      %swap3A_312 = arith.index_cast %add3A_183 : i32 to index
      %swap3A_313 = arith.constant 48 : index
      %swap3A_314 = tpu.vector_load %arg24[%swap3A_312, %swap3A_313] {strides = array<i32>} : memref<40x128xf32, #tpu.memory_space<vmem>>, vector<1x16xf32>,
      %swap3A_315 = vector.shape_cast %swap3A_314 : vector<1x16xf32> to vector<16xf32>
      %swap3A_316 = vector.shape_cast %add3A_311 : vector<16xf32> to vector<1x16xf32>
      tpu.vector_store %arg24[%swap3A_312, %swap3A_313], %swap3A_316 {strides = array<i32>} : memref<40x128xf32, #tpu.memory_space<vmem>>, vector<1x16xf32>,
      %neg3A_317 = arith.constant 0.000000e+00 : f32
      %neg3A_318 = vector.broadcast %neg3A_317 : f32 to vector<16xf32>
      %neg3A_319 = arith.subf %neg3A_318, %add3A_311 : vector<16xf32>
      %exp3A_320 = math.exp %neg3A_319 : vector<16xf32>
      %add3A_321 = arith.constant 1.000000e+00 : f32
      %add3A_322 = vector.broadcast %add3A_321 : f32 to vector<16xf32>
      %add3A_323 = arith.addf %add3A_322, %exp3A_320 : vector<16xf32>
      %div3A_324 = arith.constant 1.000000e+00 : f32
      %div3A_325 = vector.broadcast %div3A_324 : f32 to vector<16xf32>
      %div3A_326 = arith.divf %div3A_325, %add3A_323 : vector<16xf32>
      %get3A_327 = arith.index_cast %add3A_183 : i32 to index
      %get3A_328 = arith.constant 48 : index
      %get3A_329 = tpu.vector_load %arg23[%get3A_327, %get3A_328] {strides = array<i32>} : memref<40x128xf32, #tpu.memory_space<vmem>>, vector<1x16xf32>,
      %get3A_330 = vector.shape_cast %get3A_329 : vector<1x16xf32> to vector<16xf32>
      %mul3A_331 = arith.mulf %get3A_330, %div3A_326 : vector<16xf32>
      %swap3A_332 = arith.index_cast %add3A_183 : i32 to index
      %swap3A_333 = arith.constant 48 : index
      %swap3A_334 = tpu.vector_load %arg23[%swap3A_332, %swap3A_333] {strides = array<i32>} : memref<40x128xf32, #tpu.memory_space<vmem>>, vector<1x16xf32>,
      %swap3A_335 = vector.shape_cast %swap3A_334 : vector<1x16xf32> to vector<16xf32>
      %swap3A_336 = vector.shape_cast %mul3A_331 : vector<16xf32> to vector<1x16xf32>
      tpu.vector_store %arg23[%swap3A_332, %swap3A_333], %swap3A_336 {strides = array<i32>} : memref<40x128xf32, #tpu.memory_space<vmem>>, vector<1x16xf32>,
      %get3A_337 = arith.index_cast %add3A_183 : i32 to index
      %get3A_338 = arith.constant 64 : index
      %get3A_339 = tpu.vector_load %arg21[%get3A_337, %get3A_338] {strides = array<i32>} : memref<40x128xf32, #tpu.memory_space<vmem>>, vector<1x16xf32>,
      %get3A_340 = vector.shape_cast %get3A_339 : vector<1x16xf32> to vector<16xf32>
      %get3A_341 = arith.index_cast %add3A_183 : i32 to index
      %get3A_342 = arith.constant 64 : index
      %get3A_343 = tpu.vector_load %arg22[%get3A_341, %get3A_342] {strides = array<i32>} : memref<40x128xf32, #tpu.memory_space<vmem>>, vector<1x16xf32>,
      %get3A_344 = vector.shape_cast %get3A_343 : vector<1x16xf32> to vector<16xf32>
      %add3A_345 = arith.addf %get3A_340, %get3A_344 : vector<16xf32>
      %get3A_346 = arith.index_cast %add3A_183 : i32 to index
      %get3A_347 = arith.constant 64 : index
      %get3A_348 = tpu.vector_load %arg24[%get3A_346, %get3A_347] {strides = array<i32>} : memref<40x128xf32, #tpu.memory_space<vmem>>, vector<1x16xf32>,
      %get3A_349 = vector.shape_cast %get3A_348 : vector<1x16xf32> to vector<16xf32>
      %add3A_350 = arith.addf %add3A_345, %get3A_349 : vector<16xf32>
      %swap3A_351 = arith.index_cast %add3A_183 : i32 to index
      %swap3A_352 = arith.constant 64 : index
      %swap3A_353 = tpu.vector_load %arg24[%swap3A_351, %swap3A_352] {strides = array<i32>} : memref<40x128xf32, #tpu.memory_space<vmem>>, vector<1x16xf32>,
      %swap3A_354 = vector.shape_cast %swap3A_353 : vector<1x16xf32> to vector<16xf32>
      %swap3A_355 = vector.shape_cast %add3A_350 : vector<16xf32> to vector<1x16xf32>
      tpu.vector_store %arg24[%swap3A_351, %swap3A_352], %swap3A_355 {strides = array<i32>} : memref<40x128xf32, #tpu.memory_space<vmem>>, vector<1x16xf32>,
      %neg3A_356 = arith.constant 0.000000e+00 : f32
      %neg3A_357 = vector.broadcast %neg3A_356 : f32 to vector<16xf32>
      %neg3A_358 = arith.subf %neg3A_357, %add3A_350 : vector<16xf32>
      %exp3A_359 = math.exp %neg3A_358 : vector<16xf32>
      %add3A_360 = arith.constant 1.000000e+00 : f32
      %add3A_361 = vector.broadcast %add3A_360 : f32 to vector<16xf32>
      %add3A_362 = arith.addf %add3A_361, %exp3A_359 : vector<16xf32>
      %div3A_363 = arith.constant 1.000000e+00 : f32
      %div3A_364 = vector.broadcast %div3A_363 : f32 to vector<16xf32>
      %div3A_365 = arith.divf %div3A_364, %add3A_362 : vector<16xf32>
      %get3A_366 = arith.index_cast %add3A_183 : i32 to index
      %get3A_367 = arith.constant 64 : index
      %get3A_368 = tpu.vector_load %arg23[%get3A_366, %get3A_367] {strides = array<i32>} : memref<40x128xf32, #tpu.memory_space<vmem>>, vector<1x16xf32>,
      %get3A_369 = vector.shape_cast %get3A_368 : vector<1x16xf32> to vector<16xf32>
      %mul3A_370 = arith.mulf %get3A_369, %div3A_365 : vector<16xf32>
      %swap3A_371 = arith.index_cast %add3A_183 : i32 to index
      %swap3A_372 = arith.constant 64 : index
      %swap3A_373 = tpu.vector_load %arg23[%swap3A_371, %swap3A_372] {strides = array<i32>} : memref<40x128xf32, #tpu.memory_space<vmem>>, vector<1x16xf32>,
      %swap3A_374 = vector.shape_cast %swap3A_373 : vector<1x16xf32> to vector<16xf32>
      %swap3A_375 = vector.shape_cast %mul3A_370 : vector<16xf32> to vector<1x16xf32>
      tpu.vector_store %arg23[%swap3A_371, %swap3A_372], %swap3A_375 {strides = array<i32>} : memref<40x128xf32, #tpu.memory_space<vmem>>, vector<1x16xf32>,
      %get3A_376 = arith.index_cast %add3A_183 : i32 to index
      %get3A_377 = arith.constant 80 : index
      %get3A_378 = tpu.vector_load %arg21[%get3A_376, %get3A_377] {strides = array<i32>} : memref<40x128xf32, #tpu.memory_space<vmem>>, vector<1x16xf32>,
      %get3A_379 = vector.shape_cast %get3A_378 : vector<1x16xf32> to vector<16xf32>
      %get3A_380 = arith.index_cast %add3A_183 : i32 to index
      %get3A_381 = arith.constant 80 : index
      %get3A_382 = tpu.vector_load %arg22[%get3A_380, %get3A_381] {strides = array<i32>} : memref<40x128xf32, #tpu.memory_space<vmem>>, vector<1x16xf32>,
      %get3A_383 = vector.shape_cast %get3A_382 : vector<1x16xf32> to vector<16xf32>
      %add3A_384 = arith.addf %get3A_379, %get3A_383 : vector<16xf32>
      %get3A_385 = arith.index_cast %add3A_183 : i32 to index
      %get3A_386 = arith.constant 80 : index
      %get3A_387 = tpu.vector_load %arg24[%get3A_385, %get3A_386] {strides = array<i32>} : memref<40x128xf32, #tpu.memory_space<vmem>>, vector<1x16xf32>,
      %get3A_388 = vector.shape_cast %get3A_387 : vector<1x16xf32> to vector<16xf32>
      %add3A_389 = arith.addf %add3A_384, %get3A_388 : vector<16xf32>
      %swap3A_390 = arith.index_cast %add3A_183 : i32 to index
      %swap3A_391 = arith.constant 80 : index
      %swap3A_392 = tpu.vector_load %arg24[%swap3A_390, %swap3A_391] {strides = array<i32>} : memref<40x128xf32, #tpu.memory_space<vmem>>, vector<1x16xf32>,
      %swap3A_393 = vector.shape_cast %swap3A_392 : vector<1x16xf32> to vector<16xf32>
      %swap3A_394 = vector.shape_cast %add3A_389 : vector<16xf32> to vector<1x16xf32>
      tpu.vector_store %arg24[%swap3A_390, %swap3A_391], %swap3A_394 {strides = array<i32>} : memref<40x128xf32, #tpu.memory_space<vmem>>, vector<1x16xf32>,
      %neg3A_395 = arith.constant 0.000000e+00 : f32
      %neg3A_396 = vector.broadcast %neg3A_395 : f32 to vector<16xf32>
      %neg3A_397 = arith.subf %neg3A_396, %add3A_389 : vector<16xf32>
      %exp3A_398 = math.exp %neg3A_397 : vector<16xf32>
      %add3A_399 = arith.constant 1.000000e+00 : f32
      %add3A_400 = vector.broadcast %add3A_399 : f32 to vector<16xf32>
      %add3A_401 = arith.addf %add3A_400, %exp3A_398 : vector<16xf32>
      %div3A_402 = arith.constant 1.000000e+00 : f32
      %div3A_403 = vector.broadcast %div3A_402 : f32 to vector<16xf32>
      %div3A_404 = arith.divf %div3A_403, %add3A_401 : vector<16xf32>
      %get3A_405 = arith.index_cast %add3A_183 : i32 to index
      %get3A_406 = arith.constant 80 : index
      %get3A_407 = tpu.vector_load %arg23[%get3A_405, %get3A_406] {strides = array<i32>} : memref<40x128xf32, #tpu.memory_space<vmem>>, vector<1x16xf32>,
      %get3A_408 = vector.shape_cast %get3A_407 : vector<1x16xf32> to vector<16xf32>
      %mul3A_409 = arith.mulf %get3A_408, %div3A_404 : vector<16xf32>
      %swap3A_410 = arith.index_cast %add3A_183 : i32 to index
      %swap3A_411 = arith.constant 80 : index
      %swap3A_412 = tpu.vector_load %arg23[%swap3A_410, %swap3A_411] {strides = array<i32>} : memref<40x128xf32, #tpu.memory_space<vmem>>, vector<1x16xf32>,
      %swap3A_413 = vector.shape_cast %swap3A_412 : vector<1x16xf32> to vector<16xf32>
      %swap3A_414 = vector.shape_cast %mul3A_409 : vector<16xf32> to vector<1x16xf32>
      tpu.vector_store %arg23[%swap3A_410, %swap3A_411], %swap3A_414 {strides = array<i32>} : memref<40x128xf32, #tpu.memory_space<vmem>>, vector<1x16xf32>,
      %get3A_415 = arith.index_cast %add3A_183 : i32 to index
      %get3A_416 = arith.constant 96 : index
      %get3A_417 = tpu.vector_load %arg21[%get3A_415, %get3A_416] {strides = array<i32>} : memref<40x128xf32, #tpu.memory_space<vmem>>, vector<1x16xf32>,
      %get3A_418 = vector.shape_cast %get3A_417 : vector<1x16xf32> to vector<16xf32>
      %get3A_419 = arith.index_cast %add3A_183 : i32 to index
      %get3A_420 = arith.constant 96 : index
      %get3A_421 = tpu.vector_load %arg22[%get3A_419, %get3A_420] {strides = array<i32>} : memref<40x128xf32, #tpu.memory_space<vmem>>, vector<1x16xf32>,
      %get3A_422 = vector.shape_cast %get3A_421 : vector<1x16xf32> to vector<16xf32>
      %add3A_423 = arith.addf %get3A_418, %get3A_422 : vector<16xf32>
      %get3A_424 = arith.index_cast %add3A_183 : i32 to index
      %get3A_425 = arith.constant 96 : index
      %get3A_426 = tpu.vector_load %arg24[%get3A_424, %get3A_425] {strides = array<i32>} : memref<40x128xf32, #tpu.memory_space<vmem>>, vector<1x16xf32>,
      %get3A_427 = vector.shape_cast %get3A_426 : vector<1x16xf32> to vector<16xf32>
      %add3A_428 = arith.addf %add3A_423, %get3A_427 : vector<16xf32>
      %swap3A_429 = arith.index_cast %add3A_183 : i32 to index
      %swap3A_430 = arith.constant 96 : index
      %swap3A_431 = tpu.vector_load %arg24[%swap3A_429, %swap3A_430] {strides = array<i32>} : memref<40x128xf32, #tpu.memory_space<vmem>>, vector<1x16xf32>,
      %swap3A_432 = vector.shape_cast %swap3A_431 : vector<1x16xf32> to vector<16xf32>
      %swap3A_433 = vector.shape_cast %add3A_428 : vector<16xf32> to vector<1x16xf32>
      tpu.vector_store %arg24[%swap3A_429, %swap3A_430], %swap3A_433 {strides = array<i32>} : memref<40x128xf32, #tpu.memory_space<vmem>>, vector<1x16xf32>,
      %neg3A_434 = arith.constant 0.000000e+00 : f32
      %neg3A_435 = vector.broadcast %neg3A_434 : f32 to vector<16xf32>
      %neg3A_436 = arith.subf %neg3A_435, %add3A_428 : vector<16xf32>
      %exp3A_437 = math.exp %neg3A_436 : vector<16xf32>
      %add3A_438 = arith.constant 1.000000e+00 : f32
      %add3A_439 = vector.broadcast %add3A_438 : f32 to vector<16xf32>
      %add3A_440 = arith.addf %add3A_439, %exp3A_437 : vector<16xf32>
      %div3A_441 = arith.constant 1.000000e+00 : f32
      %div3A_442 = vector.broadcast %div3A_441 : f32 to vector<16xf32>
      %div3A_443 = arith.divf %div3A_442, %add3A_440 : vector<16xf32>
      %get3A_444 = arith.index_cast %add3A_183 : i32 to index
      %get3A_445 = arith.constant 96 : index
      %get3A_446 = tpu.vector_load %arg23[%get3A_444, %get3A_445] {strides = array<i32>} : memref<40x128xf32, #tpu.memory_space<vmem>>, vector<1x16xf32>,
      %get3A_447 = vector.shape_cast %get3A_446 : vector<1x16xf32> to vector<16xf32>
      %mul3A_448 = arith.mulf %get3A_447, %div3A_443 : vector<16xf32>
      %swap3A_449 = arith.index_cast %add3A_183 : i32 to index
      %swap3A_450 = arith.constant 96 : index
      %swap3A_451 = tpu.vector_load %arg23[%swap3A_449, %swap3A_450] {strides = array<i32>} : memref<40x128xf32, #tpu.memory_space<vmem>>, vector<1x16xf32>,
      %swap3A_452 = vector.shape_cast %swap3A_451 : vector<1x16xf32> to vector<16xf32>
      %swap3A_453 = vector.shape_cast %mul3A_448 : vector<16xf32> to vector<1x16xf32>
      tpu.vector_store %arg23[%swap3A_449, %swap3A_450], %swap3A_453 {strides = array<i32>} : memref<40x128xf32, #tpu.memory_space<vmem>>, vector<1x16xf32>,
      %get3A_454 = arith.index_cast %add3A_183 : i32 to index
      %get3A_455 = arith.constant 112 : index
      %get3A_456 = tpu.vector_load %arg21[%get3A_454, %get3A_455] {strides = array<i32>} : memref<40x128xf32, #tpu.memory_space<vmem>>, vector<1x16xf32>,
      %get3A_457 = vector.shape_cast %get3A_456 : vector<1x16xf32> to vector<16xf32>
      %get3A_458 = arith.index_cast %add3A_183 : i32 to index
      %get3A_459 = arith.constant 112 : index
      %get3A_460 = tpu.vector_load %arg22[%get3A_458, %get3A_459] {strides = array<i32>} : memref<40x128xf32, #tpu.memory_space<vmem>>, vector<1x16xf32>,
      %get3A_461 = vector.shape_cast %get3A_460 : vector<1x16xf32> to vector<16xf32>
      %add3A_462 = arith.addf %get3A_457, %get3A_461 : vector<16xf32>
      %get3A_463 = arith.index_cast %add3A_183 : i32 to index
      %get3A_464 = arith.constant 112 : index
      %get3A_465 = tpu.vector_load %arg24[%get3A_463, %get3A_464] {strides = array<i32>} : memref<40x128xf32, #tpu.memory_space<vmem>>, vector<1x16xf32>,
      %get3A_466 = vector.shape_cast %get3A_465 : vector<1x16xf32> to vector<16xf32>
      %add3A_467 = arith.addf %add3A_462, %get3A_466 : vector<16xf32>
      %swap3A_468 = arith.index_cast %add3A_183 : i32 to index
      %swap3A_469 = arith.constant 112 : index
      %swap3A_470 = tpu.vector_load %arg24[%swap3A_468, %swap3A_469] {strides = array<i32>} : memref<40x128xf32, #tpu.memory_space<vmem>>, vector<1x16xf32>,
      %swap3A_471 = vector.shape_cast %swap3A_470 : vector<1x16xf32> to vector<16xf32>
      %swap3A_472 = vector.shape_cast %add3A_467 : vector<16xf32> to vector<1x16xf32>
      tpu.vector_store %arg24[%swap3A_468, %swap3A_469], %swap3A_472 {strides = array<i32>} : memref<40x128xf32, #tpu.memory_space<vmem>>, vector<1x16xf32>,
      %neg3A_473 = arith.constant 0.000000e+00 : f32
      %neg3A_474 = vector.broadcast %neg3A_473 : f32 to vector<16xf32>
      %neg3A_475 = arith.subf %neg3A_474, %add3A_467 : vector<16xf32>
      %exp3A_476 = math.exp %neg3A_475 : vector<16xf32>
      %add3A_477 = arith.constant 1.000000e+00 : f32
      %add3A_478 = vector.broadcast %add3A_477 : f32 to vector<16xf32>
      %add3A_479 = arith.addf %add3A_478, %exp3A_476 : vector<16xf32>
      %div3A_480 = arith.constant 1.000000e+00 : f32
      %div3A_481 = vector.broadcast %div3A_480 : f32 to vector<16xf32>
      %div3A_482 = arith.divf %div3A_481, %add3A_479 : vector<16xf32>
      %get3A_483 = arith.index_cast %add3A_183 : i32 to index
      %get3A_484 = arith.constant 112 : index
      %get3A_485 = tpu.vector_load %arg23[%get3A_483, %get3A_484] {strides = array<i32>} : memref<40x128xf32, #tpu.memory_space<vmem>>, vector<1x16xf32>,
      %get3A_486 = vector.shape_cast %get3A_485 : vector<1x16xf32> to vector<16xf32>
      %mul3A_487 = arith.mulf %get3A_486, %div3A_482 : vector<16xf32>
      %swap3A_488 = arith.index_cast %add3A_183 : i32 to index
      %swap3A_489 = arith.constant 112 : index
      %swap3A_490 = tpu.vector_load %arg23[%swap3A_488, %swap3A_489] {strides = array<i32>} : memref<40x128xf32, #tpu.memory_space<vmem>>, vector<1x16xf32>,
      %swap3A_491 = vector.shape_cast %swap3A_490 : vector<1x16xf32> to vector<16xf32>
      %swap3A_492 = vector.shape_cast %mul3A_487 : vector<16xf32> to vector<1x16xf32>
      tpu.vector_store %arg23[%swap3A_488, %swap3A_489], %swap3A_492 {strides = array<i32>} : memref<40x128xf32, #tpu.memory_space<vmem>>, vector<1x16xf32>,
    }
    %scan3A_163 = arith.constant 40 : i32
    %add3A_164 = arith.constant 9960 : i32
    %add3A_165 = arith.addi %multiple_of3A, %add3A_164 : i32
    %multiple_of3A_166 = tpu.assume_multiple %add3A_165, 8 : i32
    %dma_start3A_167 = arith.constant 0 : i32
    %dma_start3A_168 = tpu.memref_slice %arg9[%multiple_of3A_166, %dma_start3A_167] : memref<320000x128xf32, #tpu.memory_space<hbm>> -> memref<40x128xf32, #tpu.memory_space<hbm>>
    %dma_start3A_169 = arith.constant 0 : i32
    %dma_start3A_170 = tpu.memref_slice %arg9[%multiple_of3A_166, %dma_start3A_169] : memref<320000x128xf32, #tpu.memory_space<hbm>> -> memref<40x128xf32, #tpu.memory_space<hbm>>
    tpu.enqueue_dma source(%arg24 : memref<40x128xf32, #tpu.memory_space<vmem>>) target(%dma_start3A_170 : memref<40x128xf32, #tpu.memory_space<hbm>>) target_semaphore(%arg29 : memref<!tpu.dma_semaphore, #tpu.memory_space<semaphore_mem>>)
    "tpu.region"() ({
      %run_scoped3A = tpu.sem_alloc : memref<!tpu.dma_semaphore, #tpu.memory_space<semaphore_mem>>
      %dma_start3A_179 = arith.constant 0 : i32
      %dma_start3A_180 = arith.constant 0 : i32
      %dma_start3A_181 = tpu.memref_slice %arg25[%dma_start3A_179, %dma_start3A_180] : memref<10240x128xf32, #tpu.memory_space<vmem_shared>> -> memref<10240x128xf32, #tpu.memory_space<vmem_shared>>
      tpu.enqueue_indirect_dma source(%arg23 : memref<40x128xf32, #tpu.memory_space<vmem>>) target(%dma_start3A_181 : memref<10240x128xf32, #tpu.memory_space<vmem_shared>>) offsets(%arg16 : memref<40xi32, #tpu.memory_space<vmem>>) semaphore(%run_scoped3A : memref<!tpu.dma_semaphore, #tpu.memory_space<semaphore_mem>>) {add = true}
      %dma_wait3A_182 = arith.constant 0 : i32
      %dma_wait3A_183 = arith.constant 0 : i32
      %dma_wait3A_184 = tpu.memref_slice %arg25[%dma_wait3A_182, %dma_wait3A_183] : memref<10240x128xf32, #tpu.memory_space<vmem_shared>> -> memref<10240x128xf32, #tpu.memory_space<vmem_shared>>
      tpu.wait_indirect_dma semaphore(%run_scoped3A : memref<!tpu.dma_semaphore, #tpu.memory_space<semaphore_mem>>) src(%arg23 : memref<40x128xf32, #tpu.memory_space<vmem>>) dst(%dma_wait3A_184 : memref<10240x128xf32, #tpu.memory_space<vmem_shared>>)
      tpu.yield
    }) : () -> ()
    %add3A_171 = arith.constant 9960 : i32
    %add3A_172 = arith.addi %multiple_of3A, %add3A_171 : i32
    %multiple_of3A_173 = tpu.assume_multiple %add3A_172, 8 : i32
    %dma_wait3A_174 = arith.constant 0 : i32
    %dma_wait3A_175 = tpu.memref_slice %arg9[%multiple_of3A_173, %dma_wait3A_174] : memref<320000x128xf32, #tpu.memory_space<hbm>> -> memref<40x128xf32, #tpu.memory_space<hbm>>
    %dma_wait3A_176 = arith.constant 0 : i32
    %dma_wait3A_177 = tpu.memref_slice %arg9[%multiple_of3A_173, %dma_wait3A_176] : memref<320000x128xf32, #tpu.memory_space<hbm>> -> memref<40x128xf32, #tpu.memory_space<hbm>>
    tpu.wait_dma2 semaphore(%arg29 : memref<!tpu.dma_semaphore, #tpu.memory_space<semaphore_mem>>) src(%arg24 : memref<40x128xf32, #tpu.memory_space<vmem>>) dst(%dma_wait3A_177 : memref<40x128xf32, #tpu.memory_space<hbm>>)
    %barrier3A_178 = arith.constant 0 : index
    tpu.barrier barrier_id(%barrier3A_178)
    "tpu.region"() ({
      %run_scoped3A = tpu.sem_alloc : memref<!tpu.dma_semaphore, #tpu.memory_space<semaphore_mem>>
      %dma_start3A_179 = arith.constant 0 : i32
      %dma_start3A_180 = tpu.memref_slice %arg10[%arg0, %multiple_of3A_5, %dma_start3A_179] : memref<2x10240x128xf32, #tpu.memory_space<hbm>> -> memref<1x640x128xf32, #tpu.memory_space<hbm>>
      %dma_start3A_181 = tpu.memref_squeeze %dma_start3A_180 : memref<1x640x128xf32, #tpu.memory_space<hbm>> -> memref<640x128xf32, #tpu.memory_space<hbm>>
      %dma_start3A_182 = arith.constant 0 : i32
      %dma_start3A_183 = tpu.memref_slice %arg25[%multiple_of3A_5, %dma_start3A_182] : memref<10240x128xf32, #tpu.memory_space<vmem_shared>> -> memref<640x128xf32, #tpu.memory_space<vmem_shared>>
      tpu.enqueue_dma source(%dma_start3A_183 : memref<640x128xf32, #tpu.memory_space<vmem_shared>>) target(%dma_start3A_181 : memref<640x128xf32, #tpu.memory_space<hbm>>) target_semaphore(%run_scoped3A : memref<!tpu.dma_semaphore, #tpu.memory_space<semaphore_mem>>)
      %dma_wait3A_184 = arith.constant 0 : i32
      %dma_wait3A_185 = tpu.memref_slice %arg10[%arg0, %multiple_of3A_5, %dma_wait3A_184] : memref<2x10240x128xf32, #tpu.memory_space<hbm>> -> memref<1x640x128xf32, #tpu.memory_space<hbm>>
      %dma_wait3A_186 = tpu.memref_squeeze %dma_wait3A_185 : memref<1x640x128xf32, #tpu.memory_space<hbm>> -> memref<640x128xf32, #tpu.memory_space<hbm>>
      %dma_wait3A_187 = arith.constant 0 : i32
      %dma_wait3A_188 = tpu.memref_slice %arg25[%multiple_of3A_5, %dma_wait3A_187] : memref<10240x128xf32, #tpu.memory_space<vmem_shared>> -> memref<640x128xf32, #tpu.memory_space<vmem_shared>>
      tpu.wait_dma2 semaphore(%run_scoped3A : memref<!tpu.dma_semaphore, #tpu.memory_space<semaphore_mem>>) src(%dma_wait3A_188 : memref<640x128xf32, #tpu.memory_space<vmem_shared>>) dst(%dma_wait3A_186 : memref<640x128xf32, #tpu.memory_space<hbm>>)
      tpu.yield
    }) : () -> ()
    return
  }
}

#map = affine_map<(d0, d1) -> (0)>
#map1 = affine_map<(d0, d1) -> (0, 0)>
#map2 = affine_map<(d0, d1) -> (0, 0, 0)>
module attributes {stable_mosaic.version = 14 : i64} {
  func.func @_sc_deg_body(%arg0: i32, %arg1: i32, %arg2: memref<320000xi32, #tpu.memory_space<hbm>>, %arg3: memref<10240x128xf32, #tpu.memory_space<hbm>>, %arg4: memref<80x128xf32, #tpu.memory_space<hbm>>, %arg5: memref<2x10240x128xf32, #tpu.memory_space<hbm>>, %arg6: memref<80xi32, #tpu.memory_space<vmem>>, %arg7: memref<80x128xf32, #tpu.memory_space<vmem>>, %arg8: memref<10240x128xf32, #tpu.memory_space<vmem_shared>>) attributes {dimension_semantics = [#tpu.dimension_semantics<core_parallel>, #tpu.dimension_semantics<subcore_parallel>], iteration_bounds = array<i64: 2, 16>, scalar_prefetch = 0 : i64, scratch_operands = 3 : i64, tpu.core_type = #tpu.core_type<sc_vector_subcore>, window_params = [{transform_indices = #map}, {transform_indices = #map1}, {transform_indices = #map1}, {transform_indices = #map2}]} {
    %mul3A = arith.constant 2 : i32
    %mul3A_0 = arith.muli %arg1, %mul3A : i32
    %add3A = arith.addi %mul3A_0, %arg0 : i32
    %mul3A_1 = arith.constant 10000 : i32
    %mul3A_2 = arith.muli %add3A, %mul3A_1 : i32
    %multiple_of3A = tpu.assume_multiple %mul3A_2, 8 : i32
    %mul3A_3 = arith.constant 640 : i32
    %mul3A_4 = arith.muli %arg1, %mul3A_3 : i32
    %multiple_of3A_5 = tpu.assume_multiple %mul3A_4, 8 : i32
    "tpu.region"() ({
      %run_scoped3A = tpu.sem_alloc : memref<!tpu.dma_semaphore, #tpu.memory_space<semaphore_mem>>
      %dma_start3A = arith.constant 0 : i32
      %dma_start3A_11 = tpu.memref_slice %arg8[%multiple_of3A_5, %dma_start3A] : memref<10240x128xf32, #tpu.memory_space<vmem_shared>> -> memref<640x128xf32, #tpu.memory_space<vmem_shared>>
      %dma_start3A_12 = arith.constant 0 : i32
      %dma_start3A_13 = tpu.memref_slice %arg3[%multiple_of3A_5, %dma_start3A_12] : memref<10240x128xf32, #tpu.memory_space<hbm>> -> memref<640x128xf32, #tpu.memory_space<hbm>>
      tpu.enqueue_dma source(%dma_start3A_13 : memref<640x128xf32, #tpu.memory_space<hbm>>) target(%dma_start3A_11 : memref<640x128xf32, #tpu.memory_space<vmem_shared>>) target_semaphore(%run_scoped3A : memref<!tpu.dma_semaphore, #tpu.memory_space<semaphore_mem>>)
      %dma_wait3A = arith.constant 0 : i32
      %dma_wait3A_14 = tpu.memref_slice %arg8[%multiple_of3A_5, %dma_wait3A] : memref<10240x128xf32, #tpu.memory_space<vmem_shared>> -> memref<640x128xf32, #tpu.memory_space<vmem_shared>>
      %dma_wait3A_15 = arith.constant 0 : i32
      %dma_wait3A_16 = tpu.memref_slice %arg3[%multiple_of3A_5, %dma_wait3A_15] : memref<10240x128xf32, #tpu.memory_space<hbm>> -> memref<640x128xf32, #tpu.memory_space<hbm>>
      tpu.wait_dma2 semaphore(%run_scoped3A : memref<!tpu.dma_semaphore, #tpu.memory_space<semaphore_mem>>) src(%dma_wait3A_16 : memref<640x128xf32, #tpu.memory_space<hbm>>) dst(%dma_wait3A_14 : memref<640x128xf32, #tpu.memory_space<vmem_shared>>)
      tpu.yield
    }) : () -> ()
    "tpu.region"() ({
      %run_scoped3A = tpu.sem_alloc : memref<!tpu.dma_semaphore, #tpu.memory_space<semaphore_mem>>
      tpu.enqueue_dma source(%arg4 : memref<80x128xf32, #tpu.memory_space<hbm>>) target(%arg7 : memref<80x128xf32, #tpu.memory_space<vmem>>) target_semaphore(%run_scoped3A : memref<!tpu.dma_semaphore, #tpu.memory_space<semaphore_mem>>)
      tpu.wait_dma2 semaphore(%run_scoped3A : memref<!tpu.dma_semaphore, #tpu.memory_space<semaphore_mem>>) src(%arg4 : memref<80x128xf32, #tpu.memory_space<hbm>>) dst(%arg7 : memref<80x128xf32, #tpu.memory_space<vmem>>)
      tpu.yield
    }) : () -> ()
    %barrier3A = arith.constant 0 : index
    tpu.barrier barrier_id(%barrier3A)
    %scan3A = arith.constant 0 : i32
    %scan3A_6 = arith.constant 125 : i32
    %scan3A_7 = arith.addi %scan3A, %scan3A_6 : i32
    %scan3A_8 = arith.constant 1 : i32
    scf.for %scan3A_11 = %scan3A to %scan3A_7 step %scan3A_8  : i32 {
      %mul3A_12 = arith.constant 1 : i32
      %mul3A_13 = arith.muli %scan3A_11, %mul3A_12 : i32
      %add3A_14 = arith.constant 0 : i32
      %add3A_15 = arith.addi %add3A_14, %mul3A_13 : i32
      %mul3A_16 = arith.constant 80 : i32
      %mul3A_17 = arith.muli %add3A_15, %mul3A_16 : i32
      %add3A_18 = arith.addi %multiple_of3A, %mul3A_17 : i32
      %multiple_of3A_19 = tpu.assume_multiple %add3A_18, 8 : i32
      "tpu.region"() ({
        %run_scoped3A = tpu.sem_alloc : memref<!tpu.dma_semaphore, #tpu.memory_space<semaphore_mem>>
        %dma_start3A = tpu.memref_slice %arg2[%multiple_of3A_19] : memref<320000xi32, #tpu.memory_space<hbm>> -> memref<80xi32, #tpu.memory_space<hbm>>
        %dma_start3A_20 = tpu.memref_slice %arg2[%multiple_of3A_19] : memref<320000xi32, #tpu.memory_space<hbm>> -> memref<80xi32, #tpu.memory_space<hbm>>
        tpu.enqueue_dma source(%dma_start3A_20 : memref<80xi32, #tpu.memory_space<hbm>>) target(%arg6 : memref<80xi32, #tpu.memory_space<vmem>>) target_semaphore(%run_scoped3A : memref<!tpu.dma_semaphore, #tpu.memory_space<semaphore_mem>>)
        %dma_wait3A = tpu.memref_slice %arg2[%multiple_of3A_19] : memref<320000xi32, #tpu.memory_space<hbm>> -> memref<80xi32, #tpu.memory_space<hbm>>
        %dma_wait3A_21 = tpu.memref_slice %arg2[%multiple_of3A_19] : memref<320000xi32, #tpu.memory_space<hbm>> -> memref<80xi32, #tpu.memory_space<hbm>>
        tpu.wait_dma2 semaphore(%run_scoped3A : memref<!tpu.dma_semaphore, #tpu.memory_space<semaphore_mem>>) src(%dma_wait3A_21 : memref<80xi32, #tpu.memory_space<hbm>>) dst(%arg6 : memref<80xi32, #tpu.memory_space<vmem>>)
        tpu.yield
      }) : () -> ()
      "tpu.region"() ({
        %run_scoped3A = tpu.sem_alloc : memref<!tpu.dma_semaphore, #tpu.memory_space<semaphore_mem>>
        %dma_start3A = arith.constant 0 : i32
        %dma_start3A_20 = arith.constant 0 : i32
        %dma_start3A_21 = tpu.memref_slice %arg8[%dma_start3A, %dma_start3A_20] : memref<10240x128xf32, #tpu.memory_space<vmem_shared>> -> memref<10240x128xf32, #tpu.memory_space<vmem_shared>>
        tpu.enqueue_indirect_dma source(%arg7 : memref<80x128xf32, #tpu.memory_space<vmem>>) target(%dma_start3A_21 : memref<10240x128xf32, #tpu.memory_space<vmem_shared>>) offsets(%arg6 : memref<80xi32, #tpu.memory_space<vmem>>) semaphore(%run_scoped3A : memref<!tpu.dma_semaphore, #tpu.memory_space<semaphore_mem>>) {add = true}
        %dma_wait3A = arith.constant 0 : i32
        %dma_wait3A_22 = arith.constant 0 : i32
        %dma_wait3A_23 = tpu.memref_slice %arg8[%dma_wait3A, %dma_wait3A_22] : memref<10240x128xf32, #tpu.memory_space<vmem_shared>> -> memref<10240x128xf32, #tpu.memory_space<vmem_shared>>
        tpu.wait_indirect_dma semaphore(%run_scoped3A : memref<!tpu.dma_semaphore, #tpu.memory_space<semaphore_mem>>) src(%arg7 : memref<80x128xf32, #tpu.memory_space<vmem>>) dst(%dma_wait3A_23 : memref<10240x128xf32, #tpu.memory_space<vmem_shared>>)
        tpu.yield
      }) : () -> ()
    }
    %scan3A_9 = arith.constant 125 : i32
    %barrier3A_10 = arith.constant 0 : index
    tpu.barrier barrier_id(%barrier3A_10)
    "tpu.region"() ({
      %run_scoped3A = tpu.sem_alloc : memref<!tpu.dma_semaphore, #tpu.memory_space<semaphore_mem>>
      %dma_start3A = arith.constant 0 : i32
      %dma_start3A_11 = tpu.memref_slice %arg5[%arg0, %multiple_of3A_5, %dma_start3A] : memref<2x10240x128xf32, #tpu.memory_space<hbm>> -> memref<1x640x128xf32, #tpu.memory_space<hbm>>
      %dma_start3A_12 = tpu.memref_squeeze %dma_start3A_11 : memref<1x640x128xf32, #tpu.memory_space<hbm>> -> memref<640x128xf32, #tpu.memory_space<hbm>>
      %dma_start3A_13 = arith.constant 0 : i32
      %dma_start3A_14 = tpu.memref_slice %arg8[%multiple_of3A_5, %dma_start3A_13] : memref<10240x128xf32, #tpu.memory_space<vmem_shared>> -> memref<640x128xf32, #tpu.memory_space<vmem_shared>>
      tpu.enqueue_dma source(%dma_start3A_14 : memref<640x128xf32, #tpu.memory_space<vmem_shared>>) target(%dma_start3A_12 : memref<640x128xf32, #tpu.memory_space<hbm>>) target_semaphore(%run_scoped3A : memref<!tpu.dma_semaphore, #tpu.memory_space<semaphore_mem>>)
      %dma_wait3A = arith.constant 0 : i32
      %dma_wait3A_15 = tpu.memref_slice %arg5[%arg0, %multiple_of3A_5, %dma_wait3A] : memref<2x10240x128xf32, #tpu.memory_space<hbm>> -> memref<1x640x128xf32, #tpu.memory_space<hbm>>
      %dma_wait3A_16 = tpu.memref_squeeze %dma_wait3A_15 : memref<1x640x128xf32, #tpu.memory_space<hbm>> -> memref<640x128xf32, #tpu.memory_space<hbm>>
      %dma_wait3A_17 = arith.constant 0 : i32
      %dma_wait3A_18 = tpu.memref_slice %arg8[%multiple_of3A_5, %dma_wait3A_17] : memref<10240x128xf32, #tpu.memory_space<vmem_shared>> -> memref<640x128xf32, #tpu.memory_space<vmem_shared>>
      tpu.wait_dma2 semaphore(%run_scoped3A : memref<!tpu.dma_semaphore, #tpu.memory_space<semaphore_mem>>) src(%dma_wait3A_18 : memref<640x128xf32, #tpu.memory_space<vmem_shared>>) dst(%dma_wait3A_16 : memref<640x128xf32, #tpu.memory_space<hbm>>)
      tpu.yield
    }) : () -> ()
    return
  }
}

module attributes {stable_mosaic.version = 14 : i64} {
  func.func @_edge_pre_body(%arg0: i32, %arg1: memref<2000x128xf32, #tpu.memory_space<vmem>>, %arg2: memref<128x128xf32, #tpu.memory_space<vmem>>, %arg3: memref<1x128xf32, #tpu.memory_space<vmem>>, %arg4: memref<2000x128xf32, #tpu.memory_space<vmem>>) attributes {dimension_semantics = [#tpu.dimension_semantics<arbitrary>], iteration_bounds = array<i64: 160>, scalar_prefetch = 0 : i64, scratch_operands = 0 : i64, tpu.core_type = #tpu.core_type<tc>, window_params = [{transform_indices = @transform_0, window_bounds = array<i64: 2000, 128>}, {pipeline_mode = #tpu.pipeline_mode<synchronous>, transform_indices = @transform_1, window_bounds = array<i64: 128, 128>}, {pipeline_mode = #tpu.pipeline_mode<synchronous>, transform_indices = @transform_2, window_bounds = array<i64: 1, 128>}, {transform_indices = @transform_3, window_bounds = array<i64: 2000, 128>}]} {
    %get3A = arith.constant 0 : index
    %get3A_0 = arith.constant 0 : index
    %get3A_1 = vector.load %arg1[%get3A, %get3A_0] : memref<2000x128xf32, #tpu.memory_space<vmem>>, vector<2000x128xf32>
    %get3A_2 = arith.constant 0 : index
    %get3A_3 = arith.constant 0 : index
    %get3A_4 = vector.load %arg2[%get3A_2, %get3A_3] : memref<128x128xf32, #tpu.memory_space<vmem>>, vector<128x128xf32>
    %dot_general3A = arith.constant dense<0.000000e+00> : vector<2000x128xf32>
    %dot_general3A_5 = tpu.matmul %get3A_1, %get3A_4, %dot_general3A {dimension_numbers = #tpu.dot_dimension_numbers<[1], [0], [0], [1], [0, 0, 1, 1], [], []>, transpose_lhs_hint = false} : vector<2000x128xf32>, vector<128x128xf32>, vector<2000x128xf32> -> vector<2000x128xf32>
    %get3A_6 = arith.constant 0 : index
    %get3A_7 = arith.constant 0 : index
    %get3A_8 = vector.load %arg3[%get3A_6, %get3A_7] : memref<1x128xf32, #tpu.memory_space<vmem>>, vector<1x128xf32>
    %add3A = vector.broadcast %get3A_8 : vector<1x128xf32> to vector<2000x128xf32>
    %add3A_9 = arith.addf %dot_general3A_5, %add3A : vector<2000x128xf32>
    %swap3A = arith.constant 0 : index
    %swap3A_10 = arith.constant 0 : index
    %swap3A_11 = vector.load %arg4[%swap3A, %swap3A_10] : memref<2000x128xf32, #tpu.memory_space<vmem>>, vector<2000x128xf32>
    tpu.vector_store %arg4[%swap3A, %swap3A_10], %add3A_9 {strides = array<i32>} : memref<2000x128xf32, #tpu.memory_space<vmem>>, vector<2000x128xf32>,
    return
  }
  func.func @transform_0(%arg0: i32) -> (i32, i32) {
    %c0_i32 = arith.constant 0 : i32
    %c0_i32_0 = arith.constant 0 : i32
    return %arg0, %c0_i32 : i32, i32
  }
  func.func @transform_1(%arg0: i32) -> (i32, i32) {
    %c0_i32 = arith.constant 0 : i32
    %c0_i32_0 = arith.constant 0 : i32
    %c0_i32_1 = arith.constant 0 : i32
    return %c0_i32, %c0_i32_0 : i32, i32
  }
  func.func @transform_2(%arg0: i32) -> (i32, i32) {
    %c0_i32 = arith.constant 0 : i32
    %c0_i32_0 = arith.constant 0 : i32
    %c0_i32_1 = arith.constant 0 : i32
    return %c0_i32, %c0_i32_0 : i32, i32
  }
  func.func @transform_3(%arg0: i32) -> (i32, i32) {
    %c0_i32 = arith.constant 0 : i32
    %c0_i32_0 = arith.constant 0 : i32
    return %arg0, %c0_i32 : i32, i32
  }
}

module attributes {stable_mosaic.version = 14 : i64} {
  func.func @_node_pre_body(%arg0: i32, %arg1: memref<1000x128xf32, #tpu.memory_space<vmem>>, %arg2: memref<128x128xf32, #tpu.memory_space<vmem>>, %arg3: memref<1x128xf32, #tpu.memory_space<vmem>>, %arg4: memref<128x128xf32, #tpu.memory_space<vmem>>, %arg5: memref<1x128xf32, #tpu.memory_space<vmem>>, %arg6: memref<128x128xf32, #tpu.memory_space<vmem>>, %arg7: memref<1x128xf32, #tpu.memory_space<vmem>>, %arg8: memref<1000x128xf32, #tpu.memory_space<vmem>>, %arg9: memref<1000x128xf32, #tpu.memory_space<vmem>>, %arg10: memref<1000x128xf32, #tpu.memory_space<vmem>>) attributes {dimension_semantics = [#tpu.dimension_semantics<arbitrary>], iteration_bounds = array<i64: 10>, scalar_prefetch = 0 : i64, scratch_operands = 0 : i64, tpu.core_type = #tpu.core_type<tc>, window_params = [{transform_indices = @transform_0, window_bounds = array<i64: 1000, 128>}, {pipeline_mode = #tpu.pipeline_mode<synchronous>, transform_indices = @transform_1, window_bounds = array<i64: 128, 128>}, {pipeline_mode = #tpu.pipeline_mode<synchronous>, transform_indices = @transform_2, window_bounds = array<i64: 1, 128>}, {pipeline_mode = #tpu.pipeline_mode<synchronous>, transform_indices = @transform_3, window_bounds = array<i64: 128, 128>}, {pipeline_mode = #tpu.pipeline_mode<synchronous>, transform_indices = @transform_4, window_bounds = array<i64: 1, 128>}, {pipeline_mode = #tpu.pipeline_mode<synchronous>, transform_indices = @transform_5, window_bounds = array<i64: 128, 128>}, {pipeline_mode = #tpu.pipeline_mode<synchronous>, transform_indices = @transform_6, window_bounds = array<i64: 1, 128>}, {transform_indices = @transform_7, window_bounds = array<i64: 1000, 128>}, {transform_indices = @transform_8, window_bounds = array<i64: 1000, 128>}, {transform_indices = @transform_9, window_bounds = array<i64: 1000, 128>}]} {
    %get3A = arith.constant 0 : index
    %get3A_0 = arith.constant 0 : index
    %get3A_1 = vector.load %arg1[%get3A, %get3A_0] : memref<1000x128xf32, #tpu.memory_space<vmem>>, vector<1000x128xf32>
    %get3A_2 = arith.constant 0 : index
    %get3A_3 = arith.constant 0 : index
    %get3A_4 = vector.load %arg2[%get3A_2, %get3A_3] : memref<128x128xf32, #tpu.memory_space<vmem>>, vector<128x128xf32>
    %dot_general3A = arith.constant dense<0.000000e+00> : vector<1000x128xf32>
    %dot_general3A_5 = tpu.matmul %get3A_1, %get3A_4, %dot_general3A {dimension_numbers = #tpu.dot_dimension_numbers<[1], [0], [0], [1], [0, 0, 1, 1], [], []>, transpose_lhs_hint = false} : vector<1000x128xf32>, vector<128x128xf32>, vector<1000x128xf32> -> vector<1000x128xf32>
    %get3A_6 = arith.constant 0 : index
    %get3A_7 = arith.constant 0 : index
    %get3A_8 = vector.load %arg3[%get3A_6, %get3A_7] : memref<1x128xf32, #tpu.memory_space<vmem>>, vector<1x128xf32>
    %add3A = vector.broadcast %get3A_8 : vector<1x128xf32> to vector<1000x128xf32>
    %add3A_9 = arith.addf %dot_general3A_5, %add3A : vector<1000x128xf32>
    %swap3A = arith.constant 0 : index
    %swap3A_10 = arith.constant 0 : index
    %swap3A_11 = vector.load %arg8[%swap3A, %swap3A_10] : memref<1000x128xf32, #tpu.memory_space<vmem>>, vector<1000x128xf32>
    tpu.vector_store %arg8[%swap3A, %swap3A_10], %add3A_9 {strides = array<i32>} : memref<1000x128xf32, #tpu.memory_space<vmem>>, vector<1000x128xf32>,
    %get3A_12 = arith.constant 0 : index
    %get3A_13 = arith.constant 0 : index
    %get3A_14 = vector.load %arg4[%get3A_12, %get3A_13] : memref<128x128xf32, #tpu.memory_space<vmem>>, vector<128x128xf32>
    %dot_general3A_15 = arith.constant dense<0.000000e+00> : vector<1000x128xf32>
    %dot_general3A_16 = tpu.matmul %get3A_1, %get3A_14, %dot_general3A_15 {dimension_numbers = #tpu.dot_dimension_numbers<[1], [0], [0], [1], [0, 0, 1, 1], [], []>, transpose_lhs_hint = false} : vector<1000x128xf32>, vector<128x128xf32>, vector<1000x128xf32> -> vector<1000x128xf32>
    %get3A_17 = arith.constant 0 : index
    %get3A_18 = arith.constant 0 : index
    %get3A_19 = vector.load %arg5[%get3A_17, %get3A_18] : memref<1x128xf32, #tpu.memory_space<vmem>>, vector<1x128xf32>
    %add3A_20 = vector.broadcast %get3A_19 : vector<1x128xf32> to vector<1000x128xf32>
    %add3A_21 = arith.addf %dot_general3A_16, %add3A_20 : vector<1000x128xf32>
    %swap3A_22 = arith.constant 0 : index
    %swap3A_23 = arith.constant 0 : index
    %swap3A_24 = vector.load %arg9[%swap3A_22, %swap3A_23] : memref<1000x128xf32, #tpu.memory_space<vmem>>, vector<1000x128xf32>
    tpu.vector_store %arg9[%swap3A_22, %swap3A_23], %add3A_21 {strides = array<i32>} : memref<1000x128xf32, #tpu.memory_space<vmem>>, vector<1000x128xf32>,
    %get3A_25 = arith.constant 0 : index
    %get3A_26 = arith.constant 0 : index
    %get3A_27 = vector.load %arg6[%get3A_25, %get3A_26] : memref<128x128xf32, #tpu.memory_space<vmem>>, vector<128x128xf32>
    %dot_general3A_28 = arith.constant dense<0.000000e+00> : vector<1000x128xf32>
    %dot_general3A_29 = tpu.matmul %get3A_1, %get3A_27, %dot_general3A_28 {dimension_numbers = #tpu.dot_dimension_numbers<[1], [0], [0], [1], [0, 0, 1, 1], [], []>, transpose_lhs_hint = false} : vector<1000x128xf32>, vector<128x128xf32>, vector<1000x128xf32> -> vector<1000x128xf32>
    %get3A_30 = arith.constant 0 : index
    %get3A_31 = arith.constant 0 : index
    %get3A_32 = vector.load %arg7[%get3A_30, %get3A_31] : memref<1x128xf32, #tpu.memory_space<vmem>>, vector<1x128xf32>
    %add3A_33 = vector.broadcast %get3A_32 : vector<1x128xf32> to vector<1000x128xf32>
    %add3A_34 = arith.addf %dot_general3A_29, %add3A_33 : vector<1000x128xf32>
    %add3A_35 = arith.addf %add3A_34, %get3A_1 : vector<1000x128xf32>
    %swap3A_36 = arith.constant 0 : index
    %swap3A_37 = arith.constant 0 : index
    %swap3A_38 = vector.load %arg10[%swap3A_36, %swap3A_37] : memref<1000x128xf32, #tpu.memory_space<vmem>>, vector<1000x128xf32>
    tpu.vector_store %arg10[%swap3A_36, %swap3A_37], %add3A_35 {strides = array<i32>} : memref<1000x128xf32, #tpu.memory_space<vmem>>, vector<1000x128xf32>,
    return
  }
  func.func @transform_0(%arg0: i32) -> (i32, i32) {
    %c0_i32 = arith.constant 0 : i32
    %c0_i32_0 = arith.constant 0 : i32
    return %arg0, %c0_i32 : i32, i32
  }
  func.func @transform_1(%arg0: i32) -> (i32, i32) {
    %c0_i32 = arith.constant 0 : i32
    %c0_i32_0 = arith.constant 0 : i32
    %c0_i32_1 = arith.constant 0 : i32
    return %c0_i32, %c0_i32_0 : i32, i32
  }
  func.func @transform_2(%arg0: i32) -> (i32, i32) {
    %c0_i32 = arith.constant 0 : i32
    %c0_i32_0 = arith.constant 0 : i32
    %c0_i32_1 = arith.constant 0 : i32
    return %c0_i32, %c0_i32_0 : i32, i32
  }
  func.func @transform_3(%arg0: i32) -> (i32, i32) {
    %c0_i32 = arith.constant 0 : i32
    %c0_i32_0 = arith.constant 0 : i32
    %c0_i32_1 = arith.constant 0 : i32
    return %c0_i32, %c0_i32_0 : i32, i32
  }
  func.func @transform_4(%arg0: i32) -> (i32, i32) {
    %c0_i32 = arith.constant 0 : i32
    %c0_i32_0 = arith.constant 0 : i32
    %c0_i32_1 = arith.constant 0 : i32
    return %c0_i32, %c0_i32_0 : i32, i32
  }
  func.func @transform_5(%arg0: i32) -> (i32, i32) {
    %c0_i32 = arith.constant 0 : i32
    %c0_i32_0 = arith.constant 0 : i32
    %c0_i32_1 = arith.constant 0 : i32
    return %c0_i32, %c0_i32_0 : i32, i32
  }
  func.func @transform_6(%arg0: i32) -> (i32, i32) {
    %c0_i32 = arith.constant 0 : i32
    %c0_i32_0 = arith.constant 0 : i32
    %c0_i32_1 = arith.constant 0 : i32
    return %c0_i32, %c0_i32_0 : i32, i32
  }
  func.func @transform_7(%arg0: i32) -> (i32, i32) {
    %c0_i32 = arith.constant 0 : i32
    %c0_i32_0 = arith.constant 0 : i32
    return %arg0, %c0_i32 : i32, i32
  }
  func.func @transform_8(%arg0: i32) -> (i32, i32) {
    %c0_i32 = arith.constant 0 : i32
    %c0_i32_0 = arith.constant 0 : i32
    return %arg0, %c0_i32 : i32, i32
  }
  func.func @transform_9(%arg0: i32) -> (i32, i32) {
    %c0_i32 = arith.constant 0 : i32
    %c0_i32_0 = arith.constant 0 : i32
    return %arg0, %c0_i32 : i32, i32
  }
}

module attributes {stable_mosaic.version = 14 : i64} {
  func.func @_combine_body(%arg0: i32, %arg1: memref<2x1000x128xf32, #tpu.memory_space<vmem>>, %arg2: memref<2x1000x128xf32, #tpu.memory_space<vmem>>, %arg3: memref<1000x128xf32, #tpu.memory_space<vmem>>, %arg4: memref<128x128xf32, #tpu.memory_space<vmem>>, %arg5: memref<1000x128xf32, #tpu.memory_space<vmem>>) attributes {dimension_semantics = [#tpu.dimension_semantics<arbitrary>], iteration_bounds = array<i64: 10>, scalar_prefetch = 0 : i64, scratch_operands = 0 : i64, tpu.core_type = #tpu.core_type<tc>, window_params = [{transform_indices = @transform_0, window_bounds = array<i64: 2, 1000, 128>}, {transform_indices = @transform_1, window_bounds = array<i64: 2, 1000, 128>}, {transform_indices = @transform_2, window_bounds = array<i64: 1000, 128>}, {pipeline_mode = #tpu.pipeline_mode<synchronous>, transform_indices = @transform_3, window_bounds = array<i64: 128, 128>}, {transform_indices = @transform_4, window_bounds = array<i64: 1000, 128>}]} {
    %get3A = arith.constant 0 : index
    %get3A_0 = arith.constant 0 : index
    %get3A_1 = arith.constant 0 : index
    %get3A_2 = vector.load %arg1[%get3A, %get3A_0, %get3A_1] : memref<2x1000x128xf32, #tpu.memory_space<vmem>>, vector<1x1000x128xf32>
    %get3A_3 = vector.shape_cast %get3A_2 : vector<1x1000x128xf32> to vector<1000x128xf32>
    %get3A_4 = arith.constant 1 : index
    %get3A_5 = arith.constant 0 : index
    %get3A_6 = arith.constant 0 : index
    %get3A_7 = vector.load %arg1[%get3A_4, %get3A_5, %get3A_6] : memref<2x1000x128xf32, #tpu.memory_space<vmem>>, vector<1x1000x128xf32>
    %get3A_8 = vector.shape_cast %get3A_7 : vector<1x1000x128xf32> to vector<1000x128xf32>
    %add3A = arith.addf %get3A_3, %get3A_8 : vector<1000x128xf32>
    %get3A_9 = arith.constant 0 : index
    %get3A_10 = arith.constant 0 : index
    %get3A_11 = arith.constant 0 : index
    %get3A_12 = vector.load %arg2[%get3A_9, %get3A_10, %get3A_11] : memref<2x1000x128xf32, #tpu.memory_space<vmem>>, vector<1x1000x1xf32>
    %get3A_13 = vector.shape_cast %get3A_12 : vector<1x1000x1xf32> to vector<1000x1xf32>
    %get3A_14 = arith.constant 1 : index
    %get3A_15 = arith.constant 0 : index
    %get3A_16 = arith.constant 0 : index
    %get3A_17 = vector.load %arg2[%get3A_14, %get3A_15, %get3A_16] : memref<2x1000x128xf32, #tpu.memory_space<vmem>>, vector<1x1000x1xf32>
    %get3A_18 = vector.shape_cast %get3A_17 : vector<1x1000x1xf32> to vector<1000x1xf32>
    %add3A_19 = arith.addf %get3A_13, %get3A_18 : vector<1000x1xf32>
    %max3A = arith.constant 1.000000e+00 : f32
    %max3A_20 = vector.broadcast %max3A : f32 to vector<1000x1xf32>
    %max3A_21 = arith.maximumf %add3A_19, %max3A_20 : vector<1000x1xf32>
    %div3A = vector.broadcast %max3A_21 : vector<1000x1xf32> to vector<1000x128xf32>
    %div3A_22 = arith.divf %add3A, %div3A : vector<1000x128xf32>
    %get3A_23 = arith.constant 0 : index
    %get3A_24 = arith.constant 0 : index
    %get3A_25 = vector.load %arg3[%get3A_23, %get3A_24] : memref<1000x128xf32, #tpu.memory_space<vmem>>, vector<1000x128xf32>
    %get3A_26 = arith.constant 0 : index
    %get3A_27 = arith.constant 0 : index
    %get3A_28 = vector.load %arg4[%get3A_26, %get3A_27] : memref<128x128xf32, #tpu.memory_space<vmem>>, vector<128x128xf32>
    %dot_general3A = arith.constant dense<0.000000e+00> : vector<1000x128xf32>
    %dot_general3A_29 = tpu.matmul %div3A_22, %get3A_28, %dot_general3A {dimension_numbers = #tpu.dot_dimension_numbers<[1], [0], [0], [1], [0, 0, 1, 1], [], []>, transpose_lhs_hint = false} : vector<1000x128xf32>, vector<128x128xf32>, vector<1000x128xf32> -> vector<1000x128xf32>
    %add3A_30 = arith.addf %get3A_25, %dot_general3A_29 : vector<1000x128xf32>
    %swap3A = arith.constant 0 : index
    %swap3A_31 = arith.constant 0 : index
    %swap3A_32 = vector.load %arg5[%swap3A, %swap3A_31] : memref<1000x128xf32, #tpu.memory_space<vmem>>, vector<1000x128xf32>
    tpu.vector_store %arg5[%swap3A, %swap3A_31], %add3A_30 {strides = array<i32>} : memref<1000x128xf32, #tpu.memory_space<vmem>>, vector<1000x128xf32>,
    return
  }
  func.func @transform_0(%arg0: i32) -> (i32, i32, i32) {
    %c0_i32 = arith.constant 0 : i32
    %c0_i32_0 = arith.constant 0 : i32
    %c0_i32_1 = arith.constant 0 : i32
    return %c0_i32, %arg0, %c0_i32_0 : i32, i32, i32
  }
  func.func @transform_1(%arg0: i32) -> (i32, i32, i32) {
    %c0_i32 = arith.constant 0 : i32
    %c0_i32_0 = arith.constant 0 : i32
    %c0_i32_1 = arith.constant 0 : i32
    return %c0_i32, %arg0, %c0_i32_0 : i32, i32, i32
  }
  func.func @transform_2(%arg0: i32) -> (i32, i32) {
    %c0_i32 = arith.constant 0 : i32
    %c0_i32_0 = arith.constant 0 : i32
    return %arg0, %c0_i32 : i32, i32
  }
  func.func @transform_3(%arg0: i32) -> (i32, i32) {
    %c0_i32 = arith.constant 0 : i32
    %c0_i32_0 = arith.constant 0 : i32
    %c0_i32_1 = arith.constant 0 : i32
    return %c0_i32, %c0_i32_0 : i32, i32
  }
  func.func @transform_4(%arg0: i32) -> (i32, i32) {
    %c0_i32 = arith.constant 0 : i32
    %c0_i32_0 = arith.constant 0 : i32
    return %arg0, %c0_i32 : i32, i32
  }
}

</mosaic_0001>

<sc_bundles>
// kernel: kernel.10.cloned.1.call-start
scs
__scs_entry_jumppad:
0x0: {  	(pc) =	sbr.rel $0x88, $3  }
0x1: {  	(tag) =	ssettag $0x0;
	lr =	simm.s32 $0x1  }
0x2: {  	[smem:$0x3F95] =	sst lr;
	_ =	strace $0xD0000000  }
0x3: {  	_ = 	snop  }
0x4: {  	_ = 	snop  }
0x5: {  	_ = 	snop  }
0x6: {  	_ = 	snop  }
0x7: {  	_ = 	snop  }
__scs_overlays_trampoline_lowered:
0x8: {  	[smem:$0x3FA4] =	sst s0  }
0x9: {  	[smem:$0x3FA5] =	sst s1  }
0xa: {  	[smem:$0x3FA6] =	sst s2  }
0xb: {  	[smem:$0x3FA7] =	sst s3  }
0xc: {  	[smem:$0x3FA8] =	sst s4  }
0xd: {  	[smem:$0x3FA9] =	sst s5  }
0xe: {  	[smem:$0x3FAA] =	sst s6  }
0xf: {  	[smem:$0x3FAB] =	sst s7  }
0x10: {  	[smem:$0x3FAC] =	sst s8  }
0x11: {  	[smem:$0x3FAD] =	sst s9;
	s0 =	simm.s32 @!p0 $0x0  }
0x12: {  	s1 =	sld [smem:$0x3F93];
	s0 =	simm.s32 @p0 $0x1  }
0x13: {  	[smem:$0x3FAE] =	sst s0;
	s0 =	simm.s32 @!p1 $0x0  }
0x14: {  	s2 =	sld [smem:$0x3F92];
	s0 =	simm.s32 @p1 $0x1  }
0x15: {  	[smem:$0x3FAF] =	sst s0;
	s0 =	simm.s32 @!p2 $0x0  }
0x16: {  	s3 =	sld [smem:$0x3FDB];
	s0 =	simm.s32 @p2 $0x1  }
0x17: {  	s4 =	simm.s32 $0x1BF5;
	[smem:$0x3FB1] =	sst s0  }
0x18: {  	s0 =	sld [smem:$0x3F94];
	_ =	swait.ge [sflag:s4], $0x0  }
0x19: {  	s7 =	sld [smem:$0x3F95]  }
0x1a: {  	s8 =	sadd.s32 $0xFFFFE003, lr  }
0x1b: {  	s9 =	sadd.s32 $0xFFFFFEF7, lr;
	s5 =	simm.s32 $0xFFFFFFFF;
	p2 =	slt.u32 s8, $0xFFFFF086  }
0x1c: {  	p1 =	slt.u32 s9, $0xF7A;
	s5 =	simm.s32 @!p2 $0x0  }
0x1d: {  	s5 =	simm.s32 @p1 $0x1;
	p0 =	seq.s32 s7, s2  }
0x1e: {  	s7 =	smul.u32 @!p0 $0xF7A, s2;
	p2 =	seq.s32 @!p0 s5, $0x0  }
0x1f: {  	s9 =	smul.u32 $0xF7A, s1;
	s8 =	simm.s32 @!p0 $0x1BF5;
	p2 =	por !p2, p0  }
0x20: {  	[sflag:s8] =	ssyncset.s32 @!p0 $0xFFFFF086;
	s6 =	sadd.s32 @!p0 s3, s7;
	s7 =	simm.s32 @!p0 $0x108  }
0x21: {  	s3 =	sadd.s32 s3, s9;
	s6 =	sadd.s32 @!p0 $0x88, s6;
	s7 =	simm.s32 @p2 $0x1082  }
0x22: {  	[simem:s7], [sflag:s8] =	dma.local @!p0 [hbm:s6], $0xF7A  }
0x23: {  	s9 =	sor.u32 $0xD0000000, s2;
	s6 =	simm.s32 $0x108;
	_ =	swait.ge @!p0 [sflag:s8], $0x0  }
0x24: {  	s3 =	sadd.s32 $0x88, s3;
	s6 =	simm.s32 @!p1 $0x1082;
	[sflag:s4] =	ssyncset.s32 $0xFFFFF086  }
0x25: {  	[simem:s6], [sflag:s4] =	dma.local [hbm:s3], $0xF7A  }
0x26: {  	[smem:$0x3F95] =	sst s1;
	(tag) =	ssettag s2;
	_ =	strace s9  }
0x27: {  	s1 =	sld [smem:$0x3FA5]  }
0x28: {  	s2 =	sld [smem:$0x3FA6]  }
0x29: {  	s4 =	sld [smem:$0x3FA8]  }
0x2a: {  	p0 =	seq.s32 s5, $0x0;
	s5 =	sld [smem:$0x3FA9]  }
0x2b: {  	s6 =	sld [smem:$0x3FAA]  }
0x2c: {  	s7 =	sld [smem:$0x3FAB]  }
0x2d: {  	s3 =	simm.s32 $0x108;
	s8 =	sld [smem:$0x3FAC]  }
0x2e: {  	s3 =	simm.s32 @!p0 $0x1082;
	s9 =	sld [smem:$0x3FAD]  }
0x2f: {  	lr =	sadd.s32 s0, s3;
	s0 =	sld [smem:$0x3FA4]  }
0x30: {  	s3 =	sld [smem:$0x3FA7]  }
0x31: {  	[smem:$0x3FB0] =	sst s10  }
0x32: {  	s10 =	sld [smem:$0x3FAE];
	_ =	sdelay $0x3  }
0x33: {  	p0 =	seq.s32 s10, $0x1;
	s10 =	sld [smem:$0x3FB0];
	_ =	sdelay $0x3  }
0x34: {  	[smem:$0x3FB0] =	sst s10  }
0x35: {  	s10 =	sld [smem:$0x3FAF];
	_ =	sdelay $0x3  }
0x36: {  	p1 =	seq.s32 s10, $0x1;
	s10 =	sld [smem:$0x3FB0];
	_ =	sdelay $0x3  }
0x37: {  	[smem:$0x3FB0] =	sst s10  }
0x38: {  	s10 =	sld [smem:$0x3FB1]  }
0x39: {  	_ = 	snop;
	(pc) =	sbr.ind lr, $3  }
0x3a: {  	_ = 	snop  }
0x3b: {  	_ = 	snop  }
0x3c: {  	p2 =	seq.s32 s10, $0x1;
	s10 =	sld [smem:$0x3FB0]  }
0x3d: {  	_ =	shalt  }
0x3e: {  	_ =	shalt  }
0x3f: {  	_ =	shalt  }
0x40: {  	_ =	shalt  }
0x41: {  	_ =	shalt  }
0x42: {  	_ =	shalt  }
0x43: {  	_ =	shalt  }
0x44: {  	_ =	shalt  }
0x45: {  	_ =	shalt  }
0x46: {  	_ =	shalt  }
0x47: {  	_ =	shalt  }
0x48: {  	_ =	shalt  }
0x49: {  	_ =	shalt  }
0x4a: {  	_ =	shalt  }
0x4b: {  	_ =	shalt  }
0x4c: {  	_ =	shalt  }
0x4d: {  	_ =	shalt  }
0x4e: {  	_ =	shalt  }
0x4f: {  	_ =	shalt  }
0x50: {  	_ =	shalt  }
0x51: {  	_ =	shalt  }
0x52: {  	_ =	shalt  }
0x53: {  	_ =	shalt  }
0x54: {  	_ =	shalt  }
0x55: {  	_ =	shalt  }
0x56: {  	_ =	shalt  }
0x57: {  	_ =	shalt  }
0x58: {  	_ =	shalt  }
0x59: {  	_ =	shalt  }
0x5a: {  	_ =	shalt  }
0x5b: {  	_ =	shalt  }
0x5c: {  	_ =	shalt  }
0x5d: {  	_ =	shalt  }
0x5e: {  	_ =	shalt  }
0x5f: {  	_ =	shalt  }
0x60: {  	_ =	shalt  }
0x61: {  	_ =	shalt  }
0x62: {  	_ =	shalt  }
0x63: {  	_ =	shalt  }
0x64: {  	_ =	shalt  }
0x65: {  	_ =	shalt  }
0x66: {  	_ =	shalt  }
0x67: {  	_ =	shalt  }
0x68: {  	_ =	shalt  }
0x69: {  	_ =	shalt  }
0x6a: {  	_ =	shalt  }
0x6b: {  	_ =	shalt  }
0x6c: {  	_ =	shalt  }
0x6d: {  	_ =	shalt  }
0x6e: {  	_ =	shalt  }
0x6f: {  	_ =	shalt  }
0x70: {  	_ =	shalt  }
0x71: {  	_ =	shalt  }
0x72: {  	_ =	shalt  }
0x73: {  	_ =	shalt  }
0x74: {  	_ =	shalt  }
0x75: {  	_ =	shalt  }
0x76: {  	_ =	shalt  }
0x77: {  	_ =	shalt  }
0x78: {  	_ =	shalt  }
0x79: {  	_ =	shalt  }
0x7a: {  	_ =	shalt  }
0x7b: {  	_ =	shalt  }
0x7c: {  	_ =	shalt  }
0x7d: {  	_ =	shalt  }
0x7e: {  	_ =	shalt  }
0x7f: {  	_ =	shalt  }
0x80: {  	_ =	shalt  }
0x81: {  	_ =	shalt  }
0x82: {  	_ =	shalt  }
0x83: {  	_ =	shalt  }
0x84: {  	_ =	shalt  }
0x85: {  	_ =	shalt  }
0x86: {  	_ =	shalt  }
0x87: {  	_ =	shalt  }
.Lfunc_end0:
.L_simem_size_0:
called_computation.1_lowered:
.L_overlay_start_0:
0x88: {  	s2 =	sld [smem:$0x3FD9]  }
0x89: {  	s3 =	sld [smem:$0x3FFE];
	_ =	sdelay $0x1  }
0x8a: {  	s1 =	srdreg.scid  }
0x8b: {  	s0 =	sand.u32 $0x1, s1  }
0x8c: {  	s14 =	sshll.u32 s0, $0xA;
	s2 =	sadd.s32 s3, s2  }
0x8d: {  	s2 =	sadd.s32 s2, s14  }
0x8e: {  	[smem:$0x3FBC] =	sst s2  }
0x8f: {  	_ = 	snop  }
0x90: {  	s2 =	sld [smem:$0x3FD0];
	_ =	sdelay $0x2  }
0x91: {  	s4 =	simm.s32 $0xB;
	s5 =	simm.s32 $0x10;
	s15 =	sld [smem:$0x3FC9]  }
0x92: {  	[smem:s5], [sflag:s4] =	dma.local [hbm:s2], $0x1  }
0x93: {  	_ =	swait.eq [sflag:s4], $0x1  }
0x94: {  	[sflag:s4] =	ssyncset.done $0x0  }
0x95: {  	s16 =	sld [smem:$0x10];
	[sflag:s4] =	ssyncadd.s32 $0xFFFFFFFF  }
0x96: {  	s17 =	sld [smem:$0x11];
	(tm) =	ssettm $0x1  }
0x97: {  	s18 =	sld [smem:$0x3FFB];
	_ =	sdelay $0x3  }
0x98: {  	_ =	strace s18  }
0x99: {  	s5 =	sld [smem:$0x3FFC];
	_ =	sdelay $0x3  }
0x9a: {  	_ =	strace s5  }
0x9b: {  	s5 =	sld [smem:$0x3FFD];
	_ =	sdelay $0x3  }
0x9c: {  	_ =	strace s5  }
0x9d: {  	_ =	strace $0x8FFFFFFF  }
0x9e: {  	s19 =	sld [smem:$0x3FDB];
	_ =	sdelay $0x1  }
0x9f: {  	s6 =	simm.s32 $_scs_section_size  }
0xa0: {  	s7 =	simm.s32 $_size__tile_overlayer_lowered;
	s8 =	simm.s32 $_tile_overlayer_lowered  }
0xa1: {  	s22 =	simm.s32 $0x1BFF;
	s21 =	sshll.u32 s8, $0x1;
	s5 =	sadd.s32 s6, s19  }
0xa2: {  	s9 =	simm.s32 $0x0;
	s20 =	sshll.u32 s7, $0x1;
	s7 =	sadd.s32 s21, s5  }
0xa3: {  	[timem:s9], [sflag:s22] =	dma.local [hbm:s7], s20  }
0xa4: {  	_ =	swait.ge [sflag:s22], s20  }
0xa5: {  	s6 =	ssub.s32 $0x0, s20;
	[sflag:s22] =	ssyncset.done $0x0  }
0xa6: {  	[sflag:s22] =	ssyncadd.s32 s6;
	_ =	sdelay $0x1  }
0xa7: {  	s23 =	simm.s32 $0x1B8B  }
0xa8: {  	_ =	swait.ge [sflag:s23], $0x1  }
0xa9: {  	[sflag:s23] =	ssyncset.done $0x0  }
0xaa: {  	s25 =	simm.s32 $0x1B8E;
	s24 =	sld [smem:$0x3FFE];
	[sflag:s23] =	ssyncadd.s32 $0xFFFFFFFF  }
0xab: {  	s26 =	simm.s32 $execute0_lowered;
	[smem:$0x3FD2] =	sst s25  }
0xac: {  	s7 =	sshll.u32 s26, $0x1;
	_ =	strace $0x80000046;
	[dreg:$0x1] =	wrdreg $0xFFFFFFFF  }
0xad: {  	s28 =	simm.s32 $_size_execute0_lowered;
	s5 =	sadd.s32 s5, s7;
	[dreg:$0x0] =	wrdreg $0x0  }
0xae: {  	s7 =	sshll.u32 s28, $0x1;
	[dreg:$0x2] =	wrdreg s5  }
0xaf: {  	[dreg:$0x3] =	wrdreg s7  }
0xb0: {  	[dreg:$0x4] =	wrdreg $0xC0  }
0xb1: {  	_ =	task [dreg:s9], $0x5FFFF  }
0xb2: {  	[dreg:$0x1] =	wrdreg $0xFFFFFFFF  }
0xb3: {  	[dreg:$0x0] =	wrdreg $0x60  }
0xb4: {  	[dreg:$0x2] =	wrdreg s24  }
0xb5: {  	[dreg:$0x3] =	wrdreg s16  }
0xb6: {  	[dreg:$0x4] =	wrdreg s15  }
0xb7: {  	[dreg:$0x5] =	wrdreg s17  }
0xb8: {  	[dreg:$0x6] =	wrdreg $0xA3000  }
0xb9: {  	[dreg:$0x7] =	wrdreg $0xA  }
0xba: {  	_ =	task.clear_ibuf [dreg:s9], $0x8FFFF;
	_ =	strace $0x90000046  }
0xbb: {  	s29 =	simm.s32 $0xA;
	_ =	strace $0x80000048  }
0xbc: {  	_ =	swait.ge [sflag:s29], $0x1  }
0xbd: {  	[sflag:s29] =	ssyncadd.s32 $0xFFFFFFFF  }
0xbe: {  	_ =	strace $0x90000048  }
0xbf: {  	_ =	sfence  }
0xc0: {  	s30 =	sld [smem:$0x0];
	_ =	sdelay $0x2  }
0xc1: {  	s31 =	sshll.u32 s1, $0xD;
	s1 =	sshrl.u32 s1, $0x2  }
0xc2: {  	s3 =	sand.u32 $0x4000, s31;
	s1 =	sadd.s32 s1, s30  }
0xc3: {  	s0 =	sor.u32 s3, s0;
	s1 =	sshll.u32 s1, $0x11  }
0xc4: {  	s0 =	sor.u32 s1, s0  }
0xc5: {  	s0 =	sadd.s32 $0x8F2B, s0  }
0xc6: {  	[sflag:s0] =	ssyncadd.remote.s32 $0x1  }
0xc7: {  	_ =	sfence.sel $0xFFFF  }
0xc8: {  	[dreg:$0x0] =	wrdreg $0xFFFFFFFF;
	(pc) =	sbr.abs _section_cstart, $3  }
0xc9: {  	[dreg:$0x1] =	wrdreg $0xFFFFFFFF  }
0xca: {  	_ =	task.clear_ibuf [dreg:s9], $0x2FFFF;
	_ =	strace $0x9FFFFFFF  }
0xcb: {  	(tm) =	ssettm $0x7FFFFFFF  }
tec
execute0_lowered:
.L_overlay_start_1:
0x0: {  	(tag) =	ssettag $0x1  }
0x1: {  	s0 =	rddreg [dreg:$0x0]  }
0x2: {  	s17 =	rddreg [dreg:$0x3]  }
0x3: {  	s5 =	rddreg [dreg:$0x4];
	s6 =	simm.s32 $0x0;
	s16 =	stileid.u32  }
0x4: {  	s3 =	srdreg.scid;
	s29 =	simm.s32 $0x7;
	s30 =	simm.s32 $0x80  }
0x5: {  	s31 =	simm.s32 $0x100;
	[smem:$0x7FF] =	sst s6;
	s4 =	smul.u32 $0x14000, s16  }
0x6: {  	s3 =	sand.u32 $0x1, s3;
	s7 =	sadd.s32 $0x2400, s0;
	s8 =	sadd.s32 $0xC200, s0  }
0x7: {  	s9 =	sadd.s32 $0x4F8000, s0;
	s10 =	sadd.s32 $0x16000, s0;
	s14 =	sshll.u32 s16, $0x1  }
0x8: {  	s15 =	smul.u32 $0x50000, s16;
	s22 =	sshll.u32 s16, $0x6;
	s28 =	smov.u32 s17  }
0x9: {  	s11 =	smul.u32 $0x140000, s3;
	s20 =	ssub.s32 $0x2, s3;
	s3 =	sor.u32 s3, s14  }
0xa: {  	_ =	strace $0x80000047;
	s12 =	sshrl.u32 s4, $0x3;
	s14 =	smul.u32 $0x2710, s3  }
0xb: {  	s13 =	sshrl.u32 s20, $0x1;
	s21 =	sshrl.u32 s15, $0x2;
	s26 =	smul.u32 $0x138800, s3  }
0xc: {  	s15 =	sor.u32 $0x1C07, s22;
	s3 =	smul.u32 $0x27100, s3;
	s4 =	sadd.s32 s4, s11  }
0xd: {  	s19 =	sadd.s32 s12, s0;
	s1 =	sadd.s32 s21, s5;
	[dreg:$0x8] =	wrdreg s15  }
0xe: {  	s4 =	sshrl.u32 s4, $0x3;
	[dreg:$0x6] =	wrdreg s1;
	s23 =	sadd.s32 $0x546400, s19  }
0xf: {  	s24 =	sshrl.u32 s14, $0x3;
	s25 =	sadd.s32 $0x28, s14;
	s12 =	sshrl.u32 s26, $0x3  }
0x10: {  	s1 =	smov.u32 s14;
	s26 =	sadd.s32 $0x78, s14;
	s0 =	sadd.s32 s4, s0  }
0x11: {  	s4 =	ssub.s32 s20, s13;
	[dreg:$0x7] =	wrdreg s23;
	s2 =	sadd.s32 s7, s24  }
0x12: {  	s11 =	sadd.s32 s8, s24;
	s13 =	sshrl.u32 s25, $0x3;
	[dreg:$0x14] =	wrdreg s26  }
0x13: {  	s19 =	sshll.u32 s25, $0x4;
	s12 =	sadd.s32 s17, s12;
	[dreg:$0x9] =	wrdreg s2  }
0x14: {  	s20 =	sadd.s32 s10, s3;
	s3 =	simm.s32 $0x5;
	[dreg:$0xa] =	wrdreg s11  }
0x15: {  	s17 =	simm.s32 $0x2B00;
	s16 =	sadd.s32 s7, s13;
	[dreg:$0xd] =	wrdreg s20  }
0x16: {  	s18 =	sadd.s32 s8, s13;
	s2 =	smov.u32 s25;
	[dreg:$0xb] =	wrdreg s16  }
0x17: {  	s21 =	sadd.s32 s10, s19;
	s22 =	sadd.s32 $0x26C00, s12;
	[dreg:$0xc] =	wrdreg s18  }
0x18: {  	s23 =	sadd.s32 $0x26E80, s12;
	s0 =	sadd.s32 $0x56E400, s0;
	[dreg:$0xe] =	wrdreg s21  }
0x19: {  	s24 =	smax.u32 s4, $0x1;
	s25 =	sadd.s32 $0x50, s14;
	[dreg:$0xf] =	wrdreg s22  }
0x1a: {  	s12 =	simm.s32 $0x28;
	s19 =	simm.s32 $0x6;
	[dreg:$0x10] =	wrdreg s23  }
0x1b: {  	s14 =	simm.s32 $0x3;
	s13 =	simm.s32 $0x2;
	[dreg:$0x11] =	wrdreg s0  }
0x1c: {  	s20 =	simm.s32 $0x4;
	s11 =	simm.s32 $0x0;
	[dreg:$0x12] =	wrdreg s24  }
0x1d: {  	[dreg:$0x13] =	wrdreg s25;
	s0 =	simm.s32 $0x180;
	s18 =	simm.s32 $0x3F00  }
0x1e: {  	s22 =	simm.s32 $0x7B00;
	s23 =	simm.s32 $0x8F00;
	s24 =	simm.s32 $0x1  }
.LBB2_1:
0x1f: {  	[dreg:$0x15] =	wrdreg s11  }
0x20: {  	s4 =	rddreg [dreg:$0x6]  }
0x21: {  	s25 =	rddreg [dreg:$0x7];
	s21 =	sshrl.u32 s4, $0x3  }
0x22: {  	[dreg:$0x16] =	wrdreg s21  }
0x23: {  	[spmem:s21], [sflag:s15] =	dma.local [hbm:s25], $0x2800  }
0x24: {  	_ =	swait.ge [sflag:s29], $0x2800  }
0x25: {  	[sflag:s29] =	ssyncset.done $0x0  }
0x26: {  	[sflag:s29] =	ssyncadd.s32 $0xFFFFD800  }
0x27: {  	[bflag:$0x0] =	sbarrier.arrive $0xFFFF  }
0x28: {  	s26 =	rddreg [dreg:$0x9]  }
0x29: {  	[tilespmem:s6], [sflag:$0x5] =	stream.linear.gather [hbm4b:s26+s6], $0x28, $0x38;
	[tilespmem:$0x1E300] =	vst v63  }
0x2a: {  	s11 =	rddreg [dreg:$0xa]  }
0x2b: {  	[tilespmem:s30], [sflag:$0x5] =	stream.linear.gather [hbm4b:s11+s6], $0x28, $0x38;
	[tilespmem:$0x1E300] =	vst v63  }
0x2c: {  	s15 =	rddreg [dreg:$0xb]  }
0x2d: {  	[tilespmem:s31], [sflag:$0x6] =	stream.linear.gather [hbm4b:s15+s6], $0x28, $0x38;
	[tilespmem:$0x1E300] =	vst v63  }
0x2e: {  	s16 =	rddreg [dreg:$0xc]  }
0x2f: {  	[tilespmem:s0], [sflag:$0x6] =	stream.linear.gather [hbm4b:s16+s6], $0x28, $0x38;
	[tilespmem:$0x1E300] =	vst v63  }
0x30: {  	_ =	swait.ge [sflag:s3], $0x28  }
0x31: {  	[sflag:s3] =	ssyncset.done $0x0  }
0x32: {  	[sflag:s3] =	ssyncadd.s32 $0xFFFFFFD8  }
0x33: {  	_ =	swait.ge [sflag:s3], $0x28  }
0x34: {  	[sflag:s3] =	ssyncset.done $0x0  }
0x35: {  	[sflag:s3] =	ssyncadd.s32 $0xFFFFFFD8  }
0x36: {  	s21 =	simm.s32 $0x300;
	s4 =	rddreg [dreg:$0x1]  }
0x37: {  	[tilespmem:s21], [sflag:$0x1] =	stream.indirect.gather [hbm4b:s4+s12], $0x80, s6, s12, $0xb8;
	[tilespmem:$0x1E300] =	vst v63  }
0x38: {  	s25 =	simm.s32 $0x1700  }
0x39: {  	[tilespmem:s25], [sflag:$0x1] =	stream.indirect.gather [hbm4b:s9+s12], $0x80, s30, s12, $0xb8;
	[tilespmem:$0x1E300] =	vst v63  }
0x3a: {  	s26 =	rddreg [dreg:$0x2]  }
0x3b: {  	[tilespmem:s17], [sflag:$0x1] =	stream.indirect.gather [hbm4b:s26+s12], $0x80, s6, s12, $0xb8;
	[tilespmem:$0x1E300] =	vst v63  }
0x3c: {  	s16 =	rddreg [dreg:$0xd]  }
0x3d: {  	[tilespmem:s18], [sflag:$0x1] =	stream.linear.gather [hbm4b:s16+s6], $0x1400, $0x38;
	[tilespmem:$0x1E300] =	vst v63  }
0x3e: {  	_ =	swait.ge [sflag:s19], $0x28  }
0x3f: {  	[sflag:s19] =	ssyncset.done $0x0  }
0x40: {  	[sflag:s19] =	ssyncadd.s32 $0xFFFFFFD8  }
0x41: {  	_ =	swait.ge [sflag:s19], $0x28  }
0x42: {  	[sflag:s19] =	ssyncset.done $0x0  }
0x43: {  	s21 =	simm.s32 $0x5300;
	[sflag:s19] =	ssyncadd.s32 $0xFFFFFFD8  }
0x44: {  	[tilespmem:s21], [sflag:$0x2] =	stream.indirect.gather [hbm4b:s4+s12], $0x80, s31, s12, $0xb8;
	[tilespmem:$0x1E300] =	vst v63  }
0x45: {  	s25 =	simm.s32 $0x6700  }
0x46: {  	[tilespmem:s25], [sflag:$0x2] =	stream.indirect.gather [hbm4b:s9+s12], $0x80, s0, s12, $0xb8;
	[tilespmem:$0x1E300] =	vst v63  }
0x47: {  	_ = 	snop  }
0x48: {  	[tilespmem:s22], [sflag:$0x2] =	stream.indirect.gather [hbm4b:s26+s12], $0x80, s31, s12, $0xb8;
	[tilespmem:$0x1E300] =	vst v63  }
0x49: {  	s21 =	simm.s32 $0x0;
	s26 =	rddreg [dreg:$0xe]  }
0x4a: {  	[tilespmem:s23], [sflag:$0x2] =	stream.linear.gather [hbm4b:s26+s6], $0x1400, $0x38;
	[tilespmem:$0x1E300] =	vst v63  }
.LBB2_2:
0x4b: {  	_ =	swait.ge [sflag:s24], $0x1400  }
0x4c: {  	[sflag:s24] =	ssyncset.done $0x0  }
0x4d: {  	[sflag:s24] =	ssyncadd.s32 $0xFFFFEC00  }
0x4e: {  	_ =	swait.ge [sflag:s24], $0x1400  }
0x4f: {  	[sflag:s24] =	ssyncset.done $0x0  }
0x50: {  	[sflag:s24] =	ssyncadd.s32 $0xFFFFEC00  }
0x51: {  	_ =	swait.ge [sflag:s24], $0x1400  }
0x52: {  	[sflag:s24] =	ssyncset.done $0x0  }
0x53: {  	[sflag:s24] =	ssyncadd.s32 $0xFFFFEC00  }
0x54: {  	_ =	swait.ge [sflag:s24], $0x1400  }
0x55: {  	[sflag:s24] =	ssyncset.done $0x0  }
0x56: {  	[sflag:s24] =	ssyncadd.s32 $0xFFFFEC00  }
0x57: {  	v0 =	vld [tilespmem:$0x80]  }
0x58: {  	v1 =	vld [tilespmem:$0x90]  }
0x59: {  	v2 =	vld [tilespmem:$0x98]  }
0x5a: {  	s25 =	smul.u32 $0x50, s21  }
0x5b: {  	s4 =	rddreg [dreg:$0x13]  }
0x5c: {  	s16 =	sadd.s32 s25, s4;
	[tilespmem:$0x200] =	vst v0  }
0x5d: {  	s4 =	sshrl.u32 s16, $0x3;
	[tilespmem:$0x210] =	vst v1  }
0x5e: {  	s15 =	simm.s32 $0x0;
	s11 =	sadd.s32 s7, s4;
	[tilespmem:$0x218] =	vst v2  }
0x5f: {  	[tilespmem:s15], [sflag:$0x5] =	stream.linear.gather [hbm4b:s11+s15], $0x28, $0x38;
	[tilespmem:$0x1E300] =	vst v63  }
0x60: {  	s4 =	sadd.s32 s8, s4  }
0x61: {  	[tilespmem:s30], [sflag:$0x5] =	stream.linear.gather [hbm4b:s4+s15], $0x28, $0x38;
	[tilespmem:$0x1E300] =	vst v63  }
0x62: {  	s4 =	simm.s32 $0x0  }
0x63: {  	v0 =	vld [tilespmem:s4+$0x3F60]  }
0x64: {  	v1 =	vld [tilespmem:s4+$0x1740]  }
0x65: {  	v3 =	vld [tilespmem:s4+$0x1730]  }
0x66: {  	v4 =	vld [tilespmem:s4+$0x330]  }
0x67: {  	v5 =	vld [tilespmem:s4+$0x1720]  }
0x68: {  	v6 =	vld [tilespmem:s4+$0x320]  }
0x69: {  	v7 =	vld [tilespmem:s4+$0x1710]  }
0x6a: {  	v8 =	vld [tilespmem:s4+$0x310]  }
0x6b: {  	v9 =	vld [tilespmem:s4+$0x1700]  }
0x6c: {  	v12 =	vld [tilespmem:s4+$0x360]  }
0x6d: {  	v13 =	vld [tilespmem:s4+$0x1760]  }
0x6e: {  	v14 =	vld [tilespmem:s4+$0x370]  }
0x6f: {  	v15 =	vld [tilespmem:s4+$0x1770]  }
0x70: {  	v10 =	vld [tilespmem:s4+$0x300]  }
0x71: {  	v11 =	vld [tilespmem:s4+$0x3F70]  }
0x72: {  	v16 =	vld [tilespmem:s4+$0x3F00]  }
0x73: {  	v17 =	vld [tilespmem:s4+$0x3F10]  }
0x74: {  	v19 =	vld [tilespmem:s4+$0x3F30];
	v14 =	vadd.f32 v15, v14;
	v12 =	vadd.f32 v13, v12  }
0x75: {  	v18 =	vld [tilespmem:s4+$0x3F20];
	v9 =	vadd.f32 v9, v10;
	v7 =	vadd.f32 v7, v8  }
0x76: {  	v13 =	vld [tilespmem:s4+$0x350];
	v5 =	vadd.f32 v5, v6;
	v3 =	vadd.f32 v3, v4  }
0x77: {  	v15 =	vld [tilespmem:s4+$0x1750];
	v11 =	vadd.f32 v11, v14;
	v8 =	vadd.f32 v16, v9  }
0x78: {  	v2 =	vld [tilespmem:s4+$0x340];
	v0 =	vadd.f32 v0, v12;
	v6 =	vadd.f32 v17, v7  }
0x79: {  	v12 =	vld [tilespmem:s4+$0x3F50];
	v3 =	vadd.f32 v19, v3;
	[tilespmem:s4+$0x3F70] =	vst v11;
	v7 =	vsub.f32 $0.0e+00, v8  }
0x7a: {  	[tilespmem:s4+$0x3F10] =	vst v6;
	v6 =	vsub.f32 $0.0e+00, v6  }
0x7b: {  	v5 =	vadd.f32 v18, v5;
	[tilespmem:s4+$0x3F60] =	vst v0;
	v16 =	vsub.f32 $0.0e+00, v3;
	v7 =	vmul.f32 $1.442695020e+00, v7  }
0x7c: {  	v20 =	vld [tilespmem:s4+$0x3F40];
	[tilespmem:s4+$0x3F00] =	vst v8;
	v13 =	vadd.f32 v15, v13;
	v6 =	vmul.f32 $1.442695020e+00, v6  }
0x7d: {  	s11 =	simm.s32 $0x80;
	v10 =	vld [tilespmem:s4+$0x2B30];
	[tilespmem:s4+$0x3F20] =	vst v5;
	v11 =	vsub.f32 $0.0e+00, v11;
	(erf) = vpow2.f32 v7;
	v7 =	vmul.f32 $1.442695020e+00, v16  }
0x7e: {  	v1 =	vadd.f32 v1, v2;
	v17 =	vld [tilespmem:s11+$0x3F60];
	v12 =	vadd.f32 v12, v13;
	(erf) = vpow2.f32 v6  }
0x7f: {  	v5 =	vsub.f32 $0.0e+00, v5;
	v2 =	vmul.f32 $1.442695020e+00, v11;
	v13 =	vld [tilespmem:s11+$0x1740];
	(erf) = vpow2.f32 v7  }
0x80: {  	v0 =	vsub.f32 $0.0e+00, v0;
	v6 =	vld [tilespmem:s11+$0x340];
	[tilespmem:s4+$0x3F50] =	vst v12  }
0x81: {  	v11 =	vld [tilespmem:s11+$0x1730];
	[tilespmem:s4+$0x3F30] =	vst v3;
	v3 =	vmul.f32 $1.442695020e+00, v5;
	v5 =	vsub.f32 $0.0e+00, v12;
	(erf) = vpow2.f32 v2  }
0x82: {  	v9 =	vld [tilespmem:s4+$0x2B00];
	v0 =	vmul.f32 $1.442695020e+00, v0  }
0x83: {  	v14 =	vld [tilespmem:s4+$0x2B70];
	v1 =	vadd.f32 v20, v1;
	(erf) = vpow2.f32 v3;
	v3 =	vmul.f32 $1.442695020e+00, v5  }
0x84: {  	v8 =	vld [tilespmem:s4+$0x2B10]  }
0x85: {  	v2 =	vld [tilespmem:s11+$0x330];
	[tilespmem:s4+$0x3F40] =	vst v1;
	v1 =	vsub.f32 $0.0e+00, v1  }
0x86: {  	v7 =	vld [tilespmem:s11+$0x1720];
	(erf) = vpow2.f32 v0;
	v0 =	vpop (erf)  }
0x87: {  	v5 =	vld [tilespmem:s11+$0x320];
	v1 =	vmul.f32 $1.442695020e+00, v1;
	(erf) = vpow2.f32 v3;
	v3 =	vpop (erf)  }
0x88: {  	v12 =	vld [tilespmem:s11+$0x1710];
	v0 =	vadd.f32 $1.000000000e+00, v0;
	v50 =	vpop (erf)  }
0x89: {  	v16 =	vld [tilespmem:s11+$0x310];
	(erf) = vpow2.f32 v1;
	v18 =	vadd.f32 $1.000000000e+00, v50  }
0x8a: {  	v52 =	vld [tilespmem:s11+$0x3F70];
	(erf) = vrcp.f32 v0;
	v51 =	vpop (erf)  }
0x8b: {  	v53 =	vld [tilespmem:s11+$0x360];
	v19 =	vadd.f32 $1.000000000e+00, v51;
	(erf) = vrcp.f32 v18  }
0x8c: {  	v21 =	vld [tilespmem:s11+$0x1760]  }
0x8d: {  	v54 =	vld [tilespmem:s11+$0x370];
	(erf) = vrcp.f32 v19  }
0x8e: {  	v23 =	vld [tilespmem:s11+$0x1770];
	v22 =	vpop (erf)  }
0x8f: {  	v25 =	vld [tilespmem:s11+$0x3F00];
	v22 =	vadd.f32 $1.000000000e+00, v22  }
0x90: {  	v27 =	vld [tilespmem:s11+$0x3F10];
	v3 =	vadd.f32 $1.000000000e+00, v3;
	v24 =	vpop (erf)  }
0x91: {  	v29 =	vld [tilespmem:s11+$0x3F20];
	v26 =	vpop (erf);
	(erf) = vrcp.f32 v22  }
0x92: {  	v30 =	vld [tilespmem:s11+$0x3F30];
	v24 =	vadd.f32 $1.000000000e+00, v24;
	v28 =	vpop (erf);
	(erf) = vrcp.f32 v3  }
0x93: {  	v31 =	vld [tilespmem:s11+$0x350];
	v55 =	vpop (erf)  }
0x94: {  	v1 =	vld [tilespmem:s11+$0x1700];
	(erf) = vrcp.f32 v24;
	v3 =	vmul.f32 v55, v9;
	v56 =	vpop (erf)  }
0x95: {  	v0 =	vld [tilespmem:s11+$0x300];
	v10 =	vmul.f32 v56, v10  }
0x96: {  	v9 =	vld [tilespmem:s11+$0x3F40];
	[tilespmem:s4+$0x2B00] =	vst v3;
	v3 =	vadd.f32 v23, v54;
	v57 =	vpop (erf)  }
0x97: {  	v6 =	vadd.f32 v13, v6;
	v58 =	vld [tilespmem:s11+$0x1750];
	v14 =	vmul.f32 v57, v14;
	[tilespmem:s4+$0x2B30] =	vst v10;
	v10 =	vadd.f32 v21, v53  }
0x98: {  	v15 =	vld [tilespmem:s4+$0x2B60];
	v59 =	vadd.f32 v52, v3;
	v3 =	vadd.f32 $1.000000000e+00, v26  }
0x99: {  	v60 =	vld [tilespmem:s11+$0x3F50];
	[tilespmem:s4+$0x2B70] =	vst v14;
	v14 =	vadd.f32 v17, v10;
	v10 =	vadd.f32 $1.000000000e+00, v28  }
0x9a: {  	v2 =	vadd.f32 v11, v2;
	v0 =	vadd.f32 v1, v0;
	v17 =	vpop (erf);
	(erf) = vrcp.f32 v3  }
0x9b: {  	v4 =	vld [tilespmem:s4+$0x2B20];
	v5 =	vadd.f32 v7, v5;
	v3 =	vadd.f32 v12, v16;
	v1 =	vpop (erf);
	(erf) = vrcp.f32 v10  }
0x9c: {  	v6 =	vadd.f32 v9, v6;
	[tilespmem:s11+$0x3F70] =	vst v59;
	v1 =	vmul.f32 v1, v8;
	v10 =	vadd.f32 v25, v0  }
0x9d: {  	v9 =	vsub.f32 $0.0e+00, v59;
	v61 =	vld [tilespmem:s4+$0x2B40];
	[tilespmem:s11+$0x3F60] =	vst v14;
	v8 =	vpop (erf);
	v11 =	vadd.f32 v27, v3  }
0x9e: {  	v0 =	vld [tilespmem:s11+$0x2B30];
	v12 =	vmul.f32 v8, v15;
	v8 =	vadd.f32 v29, v5;
	[tilespmem:s4+$0x2B10] =	vst v1;
	v1 =	vsub.f32 $0.0e+00, v10  }
0x9f: {  	v5 =	vadd.f32 v30, v2;
	v13 =	vsub.f32 $0.0e+00, v11  }
0xa0: {  	v4 =	vmul.f32 v17, v4;
	v7 =	vld [tilespmem:s4+$0x2B50];
	v2 =	vmul.f32 $1.442695020e+00, v1  }
0xa1: {  	v3 =	vld [tilespmem:s11+$0x2B00];
	[tilespmem:s4+$0x2B60] =	vst v12;
	v12 =	vsub.f32 $0.0e+00, v8;
	v15 =	vsub.f32 $0.0e+00, v5;
	v16 =	vmul.f32 $1.442695020e+00, v13  }
0xa2: {  	v1 =	vld [tilespmem:s11+$0x2B70];
	[tilespmem:s4+$0x2B20] =	vst v4;
	v4 =	vsub.f32 $0.0e+00, v6;
	v13 =	vmul.f32 $1.442695020e+00, v9;
	(erf) = vpow2.f32 v2  }
0xa3: {  	v62 =	vadd.f32 v58, v31;
	v12 =	vmul.f32 $1.442695020e+00, v12;
	v17 =	vmul.f32 $1.442695020e+00, v15;
	v9 =	vpop (erf)  }
0xa4: {  	[tilespmem:s11+$0x3F00] =	vst v10;
	v15 =	vsub.f32 $0.0e+00, v14;
	v2 =	vld [tilespmem:s11+$0x2B20];
	v10 =	vmul.f32 $1.442695020e+00, v4;
	v63 =	vpop (erf);
	(erf) = vpow2.f32 v16  }
0xa5: {  	s15 =	simm.s32 $0x400;
	[tilespmem:s11+$0x3F10] =	vst v11;
	v11 =	vadd.f32 v60, v62;
	v4 =	vld [tilespmem:s11+$0x2B10];
	(erf) = vpow2.f32 v17;
	v14 =	vmul.f32 v63, v61  }
.LBB2_3:
0xa6: {  	s26 =	sshra.s32 s15, $0x2;
	p0 =	sne.s32 s15, $0x4E00;
	s15 =	sadd.s32 $0x200, s15;
	[tilespmem:s11+$0x3F20] =	vst v8;
	v16 =	vld [tilespmem:s11+$0x2B60];
	(erf) = vpow2.f32 v13;
	v7 =	vmul.f32 v9, v7  }
0xa7: {  	v13 =	vmul.f32 $1.442695020e+00, v15;
	v8 =	vld [tilespmem:s26+$0x3F60];
	v9 =	vsub.f32 $0.0e+00, v11;
	(erf) = vpow2.f32 v12;
	[tilespmem:s4+$0x2B40] =	vst v14  }
0xa8: {  	v12 =	vld [tilespmem:s26+$0x1740];
	[tilespmem:s4+$0x2B50] =	vst v7;
	s4 =	smov.u32 s11;
	s11 =	smov.u32 s26  }
0xa9: {  	v7 =	vld [tilespmem:s11+$0x340];
	[tilespmem:s4+$0x3F50] =	vst v11;
	v9 =	vmul.f32 $1.442695020e+00, v9;
	(erf) = vpow2.f32 v13  }
0xaa: {  	v11 =	vld [tilespmem:s11+$0x1730];
	[tilespmem:s4+$0x3F30] =	vst v5  }
0xab: {  	v5 =	vld [tilespmem:s11+$0x330];
	[tilespmem:s4+$0x3F40] =	vst v6;
	v6 =	vpop (erf);
	(erf) = vpow2.f32 v9  }
0xac: {  	v9 =	vld [tilespmem:s11+$0x1720];
	v6 =	vadd.f32 $1.000000000e+00, v6  }
0xad: {  	v13 =	vld [tilespmem:s11+$0x320];
	v14 =	vpop (erf)  }
0xae: {  	v15 =	vld [tilespmem:s11+$0x1710];
	v14 =	vadd.f32 $1.000000000e+00, v14;
	v17 =	vpop (erf);
	(erf) = vpow2.f32 v10  }
0xaf: {  	v10 =	vld [tilespmem:s11+$0x310];
	v21 =	vadd.f32 $1.000000000e+00, v17;
	v18 =	vpop (erf)  }
0xb0: {  	v19 =	vld [tilespmem:s11+$0x1700];
	v18 =	vadd.f32 $1.000000000e+00, v18;
	(erf) = vrcp.f32 v6;
	v6 =	vpop (erf)  }
0xb1: {  	v20 =	vld [tilespmem:s11+$0x300];
	v6 =	vadd.f32 $1.000000000e+00, v6;
	(erf) = vrcp.f32 v21  }
0xb2: {  	v9 =	vadd.f32 v9, v13;
	v13 =	vld [tilespmem:s11+$0x3F70];
	v17 =	vpop (erf);
	(erf) = vrcp.f32 v18  }
0xb3: {  	v5 =	vadd.f32 v11, v5;
	v11 =	vld [tilespmem:s11+$0x360];
	v17 =	vadd.f32 $1.000000000e+00, v17;
	(erf) = vrcp.f32 v6  }
0xb4: {  	v6 =	vld [tilespmem:s11+$0x1760];
	(erf) = vrcp.f32 v14;
	v14 =	vpop (erf)  }
0xb5: {  	v7 =	vadd.f32 v12, v7;
	v12 =	vld [tilespmem:s11+$0x370];
	v14 =	vadd.f32 $1.000000000e+00, v14;
	(erf) = vrcp.f32 v17  }
0xb6: {  	v17 =	vadd.f32 v19, v20;
	v18 =	vld [tilespmem:s11+$0x1770]  }
0xb7: {  	v19 =	vld [tilespmem:s11+$0x3F00];
	v20 =	vpop (erf);
	(erf) = vrcp.f32 v14  }
0xb8: {  	v14 =	vld [tilespmem:s11+$0x3F10];
	v20 =	vadd.f32 $1.000000000e+00, v20  }
0xb9: {  	v21 =	vld [tilespmem:s11+$0x3F20];
	v6 =	vadd.f32 v6, v11;
	v11 =	vpop (erf)  }
0xba: {  	v22 =	vld [tilespmem:s11+$0x3F30];
	v23 =	vmul.f32 v11, v3;
	v11 =	vpop (erf);
	(erf) = vrcp.f32 v20  }
0xbb: {  	v10 =	vadd.f32 v15, v10;
	v15 =	vld [tilespmem:s11+$0x3F40];
	v12 =	vadd.f32 v18, v12;
	v20 =	vmul.f32 v11, v0;
	v11 =	vpop (erf)  }
0xbc: {  	v17 =	vadd.f32 v19, v17;
	v18 =	vld [tilespmem:s11+$0x350];
	v19 =	vadd.f32 v8, v6;
	[tilespmem:s4+$0x2B00] =	vst v23;
	v1 =	vmul.f32 v11, v1;
	v3 =	vpop (erf)  }
0xbd: {  	v11 =	vadd.f32 v14, v10;
	v10 =	vld [tilespmem:s11+$0x1750];
	v12 =	vadd.f32 v13, v12;
	v2 =	vmul.f32 v3, v2;
	[tilespmem:s4+$0x2B30] =	vst v20;
	v0 =	vpop (erf)  }
0xbe: {  	v3 =	vsub.f32 $0.0e+00, v17;
	v8 =	vadd.f32 v21, v9;
	v14 =	vld [tilespmem:s11+$0x3F50];
	v4 =	vmul.f32 v0, v4;
	[tilespmem:s4+$0x2B70] =	vst v1;
	v0 =	vpop (erf)  }
0xbf: {  	v1 =	vsub.f32 $0.0e+00, v11;
	v5 =	vadd.f32 v22, v5;
	[tilespmem:s11+$0x3F70] =	vst v12;
	v20 =	vld [tilespmem:s4+$0x2B40];
	v16 =	vmul.f32 v0, v16  }
0xc0: {  	v12 =	vsub.f32 $0.0e+00, v12;
	v23 =	vmul.f32 $1.442695020e+00, v3;
	v6 =	vadd.f32 v15, v7;
	[tilespmem:s11+$0x3F60] =	vst v19;
	v7 =	vld [tilespmem:s4+$0x2B50];
	v9 =	vpop (erf)  }
.Ltmp0:
0xc1: {  	v22 =	vmul.f32 $1.442695020e+00, v1;
	v1 =	vsub.f32 $0.0e+00, v8;
	v15 =	vsub.f32 $0.0e+00, v5;
	v0 =	vld [tilespmem:s11+$0x2B30];
	[tilespmem:s4+$0x2B10] =	vst v4;
	(pc) =	sbr.rel @p0 .LBB2_3-.Ltmp0, $4  }
0xc2: {  	v13 =	vmul.f32 $1.442695020e+00, v12;
	v3 =	vld [tilespmem:s11+$0x2B00];
	v4 =	vsub.f32 $0.0e+00, v6;
	(erf) = vpow2.f32 v23;
	[tilespmem:s4+$0x2B60] =	vst v16  }
0xc3: {  	v18 =	vadd.f32 v10, v18;
	v12 =	vmul.f32 $1.442695020e+00, v1;
	v16 =	vmul.f32 $1.442695020e+00, v15;
	v1 =	vld [tilespmem:s11+$0x2B70];
	[tilespmem:s4+$0x2B20] =	vst v2;
	v21 =	vpop (erf)  }
0xc4: {  	v15 =	vsub.f32 $0.0e+00, v19;
	[tilespmem:s11+$0x3F00] =	vst v17;
	v2 =	vld [tilespmem:s11+$0x2B20];
	v10 =	vmul.f32 $1.442695020e+00, v4;
	(erf) = vpow2.f32 v22  }
0xc5: {  	[tilespmem:s11+$0x3F10] =	vst v11;
	v4 =	vld [tilespmem:s11+$0x2B10];
	v11 =	vadd.f32 v14, v18;
	(erf) = vpow2.f32 v16;
	v14 =	vmul.f32 v21, v20  }
0xc6: {  	_ = 	snop  }
0xc7: {  	(erf) = vpow2.f32 v13;
	v13 =	vsub.f32 $0.0e+00, v11;
	_ =	sdelay $0x1  }
0xc8: {  	(erf) = vpow2.f32 v12;
	v12 =	vmul.f32 $1.442695020e+00, v13  }
0xc9: {  	v15 =	vmul.f32 $1.442695020e+00, v15;
	_ =	sdelay $0x1  }
0xca: {  	(erf) = vpow2.f32 v15;
	v13 =	vpop (erf)  }
0xcb: {  	(erf) = vpow2.f32 v12;
	v12 =	vpop (erf)  }
0xcc: {  	v15 =	vpop (erf)  }
0xcd: {  	(erf) = vpow2.f32 v10;
	v10 =	vadd.f32 $1.000000000e+00, v15  }
0xce: {  	v13 =	vadd.f32 $1.000000000e+00, v13;
	_ =	sdelay $0x1  }
0xcf: {  	(erf) = vrcp.f32 v13;
	v15 =	vpop (erf)  }
0xd0: {  	(erf) = vrcp.f32 v10;
	v10 =	vpop (erf)  }
0xd1: {  	v10 =	vadd.f32 $1.000000000e+00, v10  }
0xd2: {  	v15 =	vadd.f32 $1.000000000e+00, v15;
	_ =	sdelay $0x1  }
0xd3: {  	[tilespmem:s11+$0x3F20] =	vst v8;
	v8 =	vadd.f32 $1.000000000e+00, v12;
	(erf) = vrcp.f32 v15;
	v12 =	vpop (erf)  }
0xd4: {  	(erf) = vrcp.f32 v10;
	v10 =	vpop (erf)  }
0xd5: {  	(erf) = vrcp.f32 v8;
	v8 =	vadd.f32 $1.000000000e+00, v10  }
0xd6: {  	v7 =	vmul.f32 v9, v7;
	v9 =	vadd.f32 $1.000000000e+00, v12  }
0xd7: {  	v10 =	vpop (erf)  }
0xd8: {  	v13 =	vld [tilespmem:s11+$0x2B60];
	[tilespmem:s4+$0x2B50] =	vst v7;
	(erf) = vrcp.f32 v9;
	v7 =	vadd.f32 $1.000000000e+00, v10  }
0xd9: {  	[tilespmem:s4+$0x2B40] =	vst v14;
	(erf) = vrcp.f32 v8;
	v8 =	vpop (erf)  }
0xda: {  	[tilespmem:s11+$0x3F30] =	vst v5;
	v5 =	vpop (erf);
	(erf) = vrcp.f32 v7  }
0xdb: {  	v0 =	vmul.f32 v5, v0  }
0xdc: {  	v3 =	vmul.f32 v8, v3;
	v5 =	vpop (erf)  }
0xdd: {  	[tilespmem:s11+$0x3F50] =	vst v11;
	v1 =	vmul.f32 v5, v1  }
0xde: {  	v5 =	vld [tilespmem:s11+$0x2B50];
	[tilespmem:s11+$0x2B30] =	vst v0  }
0xdf: {  	[tilespmem:s11+$0x2B70] =	vst v1;
	v1 =	vld [tilespmem:s11+$0x2B40];
	v0 =	vpop (erf)  }
0xe0: {  	[tilespmem:s11+$0x2B00] =	vst v3;
	v3 =	vpop (erf);
	v0 =	vmul.f32 v0, v2  }
0xe1: {  	[tilespmem:s11+$0x3F40] =	vst v6;
	v3 =	vmul.f32 v3, v4;
	v4 =	vpop (erf)  }
0xe2: {  	v4 =	vmul.f32 v4, v13;
	v6 =	vpop (erf);
	[tilespmem:s11+$0x2B20] =	vst v0  }
0xe3: {  	[tilespmem:s11+$0x2B10] =	vst v3;
	v2 =	vpop (erf);
	v0 =	vmul.f32 v6, v5  }
0xe4: {  	s26 =	sadd.s32 s1, s25;
	[tilespmem:s11+$0x2B60] =	vst v4;
	v1 =	vmul.f32 v2, v1  }
0xe5: {  	s4 =	sshll.u32 s26, $0x4;
	[tilespmem:s11+$0x2B50] =	vst v0  }
0xe6: {  	s4 =	sadd.s32 s28, s4;
	[tilespmem:s11+$0x2B40] =	vst v1;
	s11 =	simm.s32 $0x0  }
0xe7: {  	[hbm4b:s4+s11] =	stream.linear.scatter [tilespmem:s18], [sflag:$0x3], $0x1400, $0x38;
	[tilespmem:$0x1E300] =	vst v63  }
0xe8: {  	s15 =	simm.s32 $0x200  }
0xe9: {  	[spmem:s5] =	stream.indirect.scatter.add.f32 [tilespmem:s17], [sflag:$0x7], $0x80, s15, s12, $0xb8;
	[tilespmem:$0x1E300] =	vst v63  }
0xea: {  	_ =	swait.ge [sflag:s29], $0x1400  }
0xeb: {  	[sflag:s29] =	ssyncset.done $0x0  }
0xec: {  	[sflag:s29] =	ssyncadd.s32 $0xFFFFEC00  }
0xed: {  	_ =	swait.ge [sflag:s14], $0x1400  }
0xee: {  	[sflag:s14] =	ssyncset.done $0x0  }
0xef: {  	[sflag:s14] =	ssyncadd.s32 $0xFFFFEC00  }
0xf0: {  	_ =	swait.ge [sflag:s3], $0x28  }
0xf1: {  	[sflag:s3] =	ssyncset.done $0x0  }
0xf2: {  	[sflag:s3] =	ssyncadd.s32 $0xFFFFFFD8  }
0xf3: {  	_ =	swait.ge [sflag:s3], $0x28  }
0xf4: {  	[sflag:s3] =	ssyncset.done $0x0  }
0xf5: {  	[sflag:s3] =	ssyncadd.s32 $0xFFFFFFD8  }
0xf6: {  	s15 =	simm.s32 $0x300;
	s26 =	rddreg [dreg:$0x1]  }
0xf7: {  	[tilespmem:s15], [sflag:$0x1] =	stream.indirect.gather [hbm4b:s26+s12], $0x80, s11, s12, $0xb8;
	[tilespmem:$0x1E300] =	vst v63  }
0xf8: {  	s15 =	simm.s32 $0x1700  }
0xf9: {  	[tilespmem:s15], [sflag:$0x1] =	stream.indirect.gather [hbm4b:s9+s12], $0x80, s30, s12, $0xb8;
	[tilespmem:$0x1E300] =	vst v63  }
0xfa: {  	s26 =	rddreg [dreg:$0x2];
	s15 =	sshll.u32 s16, $0x4  }
0xfb: {  	[tilespmem:s17], [sflag:$0x1] =	stream.indirect.gather [hbm4b:s26+s12], $0x80, s11, s12, $0xb8;
	[tilespmem:$0x1E300] =	vst v63  }
0xfc: {  	s4 =	sadd.s32 s10, s15  }
0xfd: {  	[tilespmem:s18], [sflag:$0x1] =	stream.linear.gather [hbm4b:s4+s11], $0x1400, $0x38;
	[tilespmem:$0x1E300] =	vst v63  }
0xfe: {  	_ =	swait.ge [sflag:s13], $0x1400  }
0xff: {  	[sflag:s13] =	ssyncset.done $0x0  }
0x100: {  	[sflag:s13] =	ssyncadd.s32 $0xFFFFEC00  }
0x101: {  	_ =	swait.ge [sflag:s13], $0x1400  }
0x102: {  	[sflag:s13] =	ssyncset.done $0x0  }
0x103: {  	[sflag:s13] =	ssyncadd.s32 $0xFFFFEC00  }
0x104: {  	_ =	swait.ge [sflag:s13], $0x1400  }
0x105: {  	[sflag:s13] =	ssyncset.done $0x0  }
0x106: {  	[sflag:s13] =	ssyncadd.s32 $0xFFFFEC00  }
0x107: {  	_ =	swait.ge [sflag:s13], $0x1400  }
0x108: {  	[sflag:s13] =	ssyncset.done $0x0  }
0x109: {  	[sflag:s13] =	ssyncadd.s32 $0xFFFFEC00  }
0x10a: {  	v0 =	vld [tilespmem:$0x180]  }
0x10b: {  	v1 =	vld [tilespmem:$0x190]  }
0x10c: {  	v2 =	vld [tilespmem:$0x198];
	_ =	sdelay $0x1  }
0x10d: {  	s16 =	rddreg [dreg:$0x14]  }
0x10e: {  	s16 =	sadd.s32 s25, s16;
	[tilespmem:$0x280] =	vst v0  }
0x10f: {  	s4 =	sshrl.u32 s16, $0x3;
	[tilespmem:$0x290] =	vst v1  }
0x110: {  	s26 =	sadd.s32 s7, s4;
	[tilespmem:$0x298] =	vst v2  }
0x111: {  	[tilespmem:s31], [sflag:$0x6] =	stream.linear.gather [hbm4b:s26+s11], $0x28, $0x38;
	[tilespmem:$0x1E300] =	vst v63  }
0x112: {  	s4 =	sadd.s32 s8, s4  }
0x113: {  	[tilespmem:s0], [sflag:$0x6] =	stream.linear.gather [hbm4b:s4+s11], $0x28, $0x38;
	[tilespmem:$0x1E300] =	vst v63  }
0x114: {  	s4 =	simm.s32 $0x0  }
0x115: {  	v0 =	vld [tilespmem:s4+$0x8F60]  }
0x116: {  	v1 =	vld [tilespmem:s4+$0x6740]  }
0x117: {  	v3 =	vld [tilespmem:s4+$0x6730]  }
0x118: {  	v4 =	vld [tilespmem:s4+$0x5330]  }
0x119: {  	v5 =	vld [tilespmem:s4+$0x6720]  }
0x11a: {  	v6 =	vld [tilespmem:s4+$0x5320]  }
0x11b: {  	v7 =	vld [tilespmem:s4+$0x6710]  }
0x11c: {  	v8 =	vld [tilespmem:s4+$0x5310]  }
0x11d: {  	v9 =	vld [tilespmem:s4+$0x6700]  }
0x11e: {  	v12 =	vld [tilespmem:s4+$0x5360]  }
0x11f: {  	v13 =	vld [tilespmem:s4+$0x6760]  }
0x120: {  	v14 =	vld [tilespmem:s4+$0x5370]  }
0x121: {  	v15 =	vld [tilespmem:s4+$0x6770]  }
0x122: {  	v10 =	vld [tilespmem:s4+$0x5300]  }
0x123: {  	v11 =	vld [tilespmem:s4+$0x8F70]  }
0x124: {  	v16 =	vld [tilespmem:s4+$0x8F00]  }
0x125: {  	v17 =	vld [tilespmem:s4+$0x8F10]  }
0x126: {  	v19 =	vld [tilespmem:s4+$0x8F30];
	v14 =	vadd.f32 v15, v14;
	v12 =	vadd.f32 v13, v12  }
0x127: {  	v18 =	vld [tilespmem:s4+$0x8F20];
	v9 =	vadd.f32 v9, v10;
	v7 =	vadd.f32 v7, v8  }
0x128: {  	v13 =	vld [tilespmem:s4+$0x5350];
	v5 =	vadd.f32 v5, v6;
	v3 =	vadd.f32 v3, v4  }
0x129: {  	v15 =	vld [tilespmem:s4+$0x6750];
	v11 =	vadd.f32 v11, v14;
	v8 =	vadd.f32 v16, v9  }
0x12a: {  	v2 =	vld [tilespmem:s4+$0x5340];
	v0 =	vadd.f32 v0, v12;
	v6 =	vadd.f32 v17, v7  }
0x12b: {  	v12 =	vld [tilespmem:s4+$0x8F50];
	v3 =	vadd.f32 v19, v3;
	[tilespmem:s4+$0x8F70] =	vst v11;
	v7 =	vsub.f32 $0.0e+00, v8  }
0x12c: {  	[tilespmem:s4+$0x8F10] =	vst v6;
	v6 =	vsub.f32 $0.0e+00, v6  }
0x12d: {  	v5 =	vadd.f32 v18, v5;
	[tilespmem:s4+$0x8F60] =	vst v0;
	v16 =	vsub.f32 $0.0e+00, v3;
	v7 =	vmul.f32 $1.442695020e+00, v7  }
0x12e: {  	v20 =	vld [tilespmem:s4+$0x8F40];
	[tilespmem:s4+$0x8F00] =	vst v8;
	v13 =	vadd.f32 v15, v13;
	v6 =	vmul.f32 $1.442695020e+00, v6  }
0x12f: {  	s11 =	simm.s32 $0x80;
	v10 =	vld [tilespmem:s4+$0x7B30];
	[tilespmem:s4+$0x8F20] =	vst v5;
	v11 =	vsub.f32 $0.0e+00, v11;
	(erf) = vpow2.f32 v7;
	v7 =	vmul.f32 $1.442695020e+00, v16  }
0x130: {  	v1 =	vadd.f32 v1, v2;
	v17 =	vld [tilespmem:s11+$0x8F60];
	v12 =	vadd.f32 v12, v13;
	(erf) = vpow2.f32 v6  }
0x131: {  	v5 =	vsub.f32 $0.0e+00, v5;
	v2 =	vmul.f32 $1.442695020e+00, v11;
	v13 =	vld [tilespmem:s11+$0x6740];
	(erf) = vpow2.f32 v7  }
0x132: {  	v0 =	vsub.f32 $0.0e+00, v0;
	v6 =	vld [tilespmem:s11+$0x5340];
	[tilespmem:s4+$0x8F50] =	vst v12  }
0x133: {  	v11 =	vld [tilespmem:s11+$0x6730];
	[tilespmem:s4+$0x8F30] =	vst v3;
	v3 =	vmul.f32 $1.442695020e+00, v5;
	v5 =	vsub.f32 $0.0e+00, v12;
	(erf) = vpow2.f32 v2  }
0x134: {  	v9 =	vld [tilespmem:s4+$0x7B00];
	v0 =	vmul.f32 $1.442695020e+00, v0  }
0x135: {  	v14 =	vld [tilespmem:s4+$0x7B70];
	v1 =	vadd.f32 v20, v1;
	(erf) = vpow2.f32 v3;
	v3 =	vmul.f32 $1.442695020e+00, v5  }
0x136: {  	v8 =	vld [tilespmem:s4+$0x7B10]  }
0x137: {  	v2 =	vld [tilespmem:s11+$0x5330];
	[tilespmem:s4+$0x8F40] =	vst v1;
	v1 =	vsub.f32 $0.0e+00, v1  }
0x138: {  	v7 =	vld [tilespmem:s11+$0x6720];
	(erf) = vpow2.f32 v0;
	v0 =	vpop (erf)  }
0x139: {  	v5 =	vld [tilespmem:s11+$0x5320];
	v1 =	vmul.f32 $1.442695020e+00, v1;
	(erf) = vpow2.f32 v3;
	v3 =	vpop (erf)  }
0x13a: {  	v12 =	vld [tilespmem:s11+$0x6710];
	v0 =	vadd.f32 $1.000000000e+00, v0;
	v50 =	vpop (erf)  }
0x13b: {  	v16 =	vld [tilespmem:s11+$0x5310];
	(erf) = vpow2.f32 v1;
	v18 =	vadd.f32 $1.000000000e+00, v50  }
0x13c: {  	v52 =	vld [tilespmem:s11+$0x8F70];
	(erf) = vrcp.f32 v0;
	v51 =	vpop (erf)  }
0x13d: {  	v53 =	vld [tilespmem:s11+$0x5360];
	v19 =	vadd.f32 $1.000000000e+00, v51;
	(erf) = vrcp.f32 v18  }
0x13e: {  	v21 =	vld [tilespmem:s11+$0x6760]  }
0x13f: {  	v54 =	vld [tilespmem:s11+$0x5370];
	(erf) = vrcp.f32 v19  }
0x140: {  	v23 =	vld [tilespmem:s11+$0x6770];
	v22 =	vpop (erf)  }
0x141: {  	v25 =	vld [tilespmem:s11+$0x8F00];
	v22 =	vadd.f32 $1.000000000e+00, v22  }
0x142: {  	v27 =	vld [tilespmem:s11+$0x8F10];
	v3 =	vadd.f32 $1.000000000e+00, v3;
	v24 =	vpop (erf)  }
0x143: {  	v29 =	vld [tilespmem:s11+$0x8F20];
	v26 =	vpop (erf);
	(erf) = vrcp.f32 v22  }
0x144: {  	v30 =	vld [tilespmem:s11+$0x8F30];
	v24 =	vadd.f32 $1.000000000e+00, v24;
	v28 =	vpop (erf);
	(erf) = vrcp.f32 v3  }
0x145: {  	v31 =	vld [tilespmem:s11+$0x5350];
	v55 =	vpop (erf)  }
0x146: {  	v1 =	vld [tilespmem:s11+$0x6700];
	(erf) = vrcp.f32 v24;
	v3 =	vmul.f32 v55, v9;
	v56 =	vpop (erf)  }
0x147: {  	v0 =	vld [tilespmem:s11+$0x5300];
	v10 =	vmul.f32 v56, v10  }
0x148: {  	v9 =	vld [tilespmem:s11+$0x8F40];
	[tilespmem:s4+$0x7B00] =	vst v3;
	v3 =	vadd.f32 v23, v54;
	v57 =	vpop (erf)  }
0x149: {  	v6 =	vadd.f32 v13, v6;
	v58 =	vld [tilespmem:s11+$0x6750];
	v14 =	vmul.f32 v57, v14;
	[tilespmem:s4+$0x7B30] =	vst v10;
	v10 =	vadd.f32 v21, v53  }
0x14a: {  	v15 =	vld [tilespmem:s4+$0x7B60];
	v59 =	vadd.f32 v52, v3;
	v3 =	vadd.f32 $1.000000000e+00, v26  }
0x14b: {  	v60 =	vld [tilespmem:s11+$0x8F50];
	[tilespmem:s4+$0x7B70] =	vst v14;
	v14 =	vadd.f32 v17, v10;
	v10 =	vadd.f32 $1.000000000e+00, v28  }
0x14c: {  	v2 =	vadd.f32 v11, v2;
	v0 =	vadd.f32 v1, v0;
	v17 =	vpop (erf);
	(erf) = vrcp.f32 v3  }
0x14d: {  	v4 =	vld [tilespmem:s4+$0x7B20];
	v5 =	vadd.f32 v7, v5;
	v3 =	vadd.f32 v12, v16;
	v1 =	vpop (erf);
	(erf) = vrcp.f32 v10  }
0x14e: {  	v6 =	vadd.f32 v9, v6;
	[tilespmem:s11+$0x8F70] =	vst v59;
	v1 =	vmul.f32 v1, v8;
	v10 =	vadd.f32 v25, v0  }
0x14f: {  	v9 =	vsub.f32 $0.0e+00, v59;
	v61 =	vld [tilespmem:s4+$0x7B40];
	[tilespmem:s11+$0x8F60] =	vst v14;
	v8 =	vpop (erf);
	v11 =	vadd.f32 v27, v3  }
0x150: {  	v0 =	vld [tilespmem:s11+$0x7B30];
	v12 =	vmul.f32 v8, v15;
	v8 =	vadd.f32 v29, v5;
	[tilespmem:s4+$0x7B10] =	vst v1;
	v1 =	vsub.f32 $0.0e+00, v10  }
0x151: {  	v5 =	vadd.f32 v30, v2;
	v13 =	vsub.f32 $0.0e+00, v11  }
0x152: {  	v4 =	vmul.f32 v17, v4;
	v7 =	vld [tilespmem:s4+$0x7B50];
	v2 =	vmul.f32 $1.442695020e+00, v1  }
0x153: {  	v3 =	vld [tilespmem:s11+$0x7B00];
	[tilespmem:s4+$0x7B60] =	vst v12;
	v12 =	vsub.f32 $0.0e+00, v8;
	v15 =	vsub.f32 $0.0e+00, v5;
	v16 =	vmul.f32 $1.442695020e+00, v13  }
0x154: {  	v1 =	vld [tilespmem:s11+$0x7B70];
	[tilespmem:s4+$0x7B20] =	vst v4;
	v4 =	vsub.f32 $0.0e+00, v6;
	v13 =	vmul.f32 $1.442695020e+00, v9;
	(erf) = vpow2.f32 v2  }
0x155: {  	v62 =	vadd.f32 v58, v31;
	v12 =	vmul.f32 $1.442695020e+00, v12;
	v17 =	vmul.f32 $1.442695020e+00, v15;
	v9 =	vpop (erf)  }
0x156: {  	[tilespmem:s11+$0x8F00] =	vst v10;
	v15 =	vsub.f32 $0.0e+00, v14;
	v2 =	vld [tilespmem:s11+$0x7B20];
	v10 =	vmul.f32 $1.442695020e+00, v4;
	v63 =	vpop (erf);
	(erf) = vpow2.f32 v16  }
0x157: {  	s15 =	simm.s32 $0x400;
	[tilespmem:s11+$0x8F10] =	vst v11;
	v11 =	vadd.f32 v60, v62;
	v4 =	vld [tilespmem:s11+$0x7B10];
	(erf) = vpow2.f32 v17;
	v14 =	vmul.f32 v63, v61  }
.LBB2_5:
0x158: {  	s26 =	sshra.s32 s15, $0x2;
	p0 =	sne.s32 s15, $0x4E00;
	s15 =	sadd.s32 $0x200, s15;
	[tilespmem:s11+$0x8F20] =	vst v8;
	v16 =	vld [tilespmem:s11+$0x7B60];
	(erf) = vpow2.f32 v13;
	v7 =	vmul.f32 v9, v7  }
0x159: {  	v13 =	vmul.f32 $1.442695020e+00, v15;
	v8 =	vld [tilespmem:s26+$0x8F60];
	v9 =	vsub.f32 $0.0e+00, v11;
	(erf) = vpow2.f32 v12;
	[tilespmem:s4+$0x7B40] =	vst v14  }
0x15a: {  	v12 =	vld [tilespmem:s26+$0x6740];
	[tilespmem:s4+$0x7B50] =	vst v7;
	s4 =	smov.u32 s11;
	s11 =	smov.u32 s26  }
0x15b: {  	v7 =	vld [tilespmem:s11+$0x5340];
	[tilespmem:s4+$0x8F50] =	vst v11;
	v9 =	vmul.f32 $1.442695020e+00, v9;
	(erf) = vpow2.f32 v13  }
0x15c: {  	v11 =	vld [tilespmem:s11+$0x6730];
	[tilespmem:s4+$0x8F30] =	vst v5  }
0x15d: {  	v5 =	vld [tilespmem:s11+$0x5330];
	[tilespmem:s4+$0x8F40] =	vst v6;
	v6 =	vpop (erf);
	(erf) = vpow2.f32 v9  }
0x15e: {  	v9 =	vld [tilespmem:s11+$0x6720];
	v6 =	vadd.f32 $1.000000000e+00, v6  }
0x15f: {  	v13 =	vld [tilespmem:s11+$0x5320];
	v14 =	vpop (erf)  }
0x160: {  	v15 =	vld [tilespmem:s11+$0x6710];
	v14 =	vadd.f32 $1.000000000e+00, v14;
	v17 =	vpop (erf);
	(erf) = vpow2.f32 v10  }
0x161: {  	v10 =	vld [tilespmem:s11+$0x5310];
	v21 =	vadd.f32 $1.000000000e+00, v17;
	v18 =	vpop (erf)  }
0x162: {  	v19 =	vld [tilespmem:s11+$0x6700];
	v18 =	vadd.f32 $1.000000000e+00, v18;
	(erf) = vrcp.f32 v6;
	v6 =	vpop (erf)  }
0x163: {  	v20 =	vld [tilespmem:s11+$0x5300];
	v6 =	vadd.f32 $1.000000000e+00, v6;
	(erf) = vrcp.f32 v21  }
0x164: {  	v9 =	vadd.f32 v9, v13;
	v13 =	vld [tilespmem:s11+$0x8F70];
	v17 =	vpop (erf);
	(erf) = vrcp.f32 v18  }
0x165: {  	v5 =	vadd.f32 v11, v5;
	v11 =	vld [tilespmem:s11+$0x5360];
	v17 =	vadd.f32 $1.000000000e+00, v17;
	(erf) = vrcp.f32 v6  }
0x166: {  	v6 =	vld [tilespmem:s11+$0x6760];
	(erf) = vrcp.f32 v14;
	v14 =	vpop (erf)  }
0x167: {  	v7 =	vadd.f32 v12, v7;
	v12 =	vld [tilespmem:s11+$0x5370];
	v14 =	vadd.f32 $1.000000000e+00, v14;
	(erf) = vrcp.f32 v17  }
0x168: {  	v17 =	vadd.f32 v19, v20;
	v18 =	vld [tilespmem:s11+$0x6770]  }
0x169: {  	v19 =	vld [tilespmem:s11+$0x8F00];
	v20 =	vpop (erf);
	(erf) = vrcp.f32 v14  }
0x16a: {  	v14 =	vld [tilespmem:s11+$0x8F10];
	v20 =	vadd.f32 $1.000000000e+00, v20  }
0x16b: {  	v21 =	vld [tilespmem:s11+$0x8F20];
	v6 =	vadd.f32 v6, v11;
	v11 =	vpop (erf)  }
0x16c: {  	v22 =	vld [tilespmem:s11+$0x8F30];
	v23 =	vmul.f32 v11, v3;
	v11 =	vpop (erf);
	(erf) = vrcp.f32 v20  }
0x16d: {  	v10 =	vadd.f32 v15, v10;
	v15 =	vld [tilespmem:s11+$0x8F40];
	v12 =	vadd.f32 v18, v12;
	v20 =	vmul.f32 v11, v0;
	v11 =	vpop (erf)  }
0x16e: {  	v17 =	vadd.f32 v19, v17;
	v18 =	vld [tilespmem:s11+$0x5350];
	v19 =	vadd.f32 v8, v6;
	[tilespmem:s4+$0x7B00] =	vst v23;
	v1 =	vmul.f32 v11, v1;
	v3 =	vpop (erf)  }
0x16f: {  	v11 =	vadd.f32 v14, v10;
	v10 =	vld [tilespmem:s11+$0x6750];
	v12 =	vadd.f32 v13, v12;
	v2 =	vmul.f32 v3, v2;
	[tilespmem:s4+$0x7B30] =	vst v20;
	v0 =	vpop (erf)  }
0x170: {  	v3 =	vsub.f32 $0.0e+00, v17;
	v8 =	vadd.f32 v21, v9;
	v14 =	vld [tilespmem:s11+$0x8F50];
	v4 =	vmul.f32 v0, v4;
	[tilespmem:s4+$0x7B70] =	vst v1;
	v0 =	vpop (erf)  }
0x171: {  	v1 =	vsub.f32 $0.0e+00, v11;
	v5 =	vadd.f32 v22, v5;
	[tilespmem:s11+$0x8F70] =	vst v12;
	v20 =	vld [tilespmem:s4+$0x7B40];
	v16 =	vmul.f32 v0, v16  }
0x172: {  	v12 =	vsub.f32 $0.0e+00, v12;
	v23 =	vmul.f32 $1.442695020e+00, v3;
	v6 =	vadd.f32 v15, v7;
	[tilespmem:s11+$0x8F60] =	vst v19;
	v7 =	vld [tilespmem:s4+$0x7B50];
	v9 =	vpop (erf)  }
.Ltmp1:
0x173: {  	v22 =	vmul.f32 $1.442695020e+00, v1;
	v1 =	vsub.f32 $0.0e+00, v8;
	v15 =	vsub.f32 $0.0e+00, v5;
	v0 =	vld [tilespmem:s11+$0x7B30];
	[tilespmem:s4+$0x7B10] =	vst v4;
	(pc) =	sbr.rel @p0 .LBB2_5-.Ltmp1, $4  }
0x174: {  	v13 =	vmul.f32 $1.442695020e+00, v12;
	v3 =	vld [tilespmem:s11+$0x7B00];
	v4 =	vsub.f32 $0.0e+00, v6;
	(erf) = vpow2.f32 v23;
	[tilespmem:s4+$0x7B60] =	vst v16  }
0x175: {  	v18 =	vadd.f32 v10, v18;
	v12 =	vmul.f32 $1.442695020e+00, v1;
	v16 =	vmul.f32 $1.442695020e+00, v15;
	v1 =	vld [tilespmem:s11+$0x7B70];
	[tilespmem:s4+$0x7B20] =	vst v2;
	v21 =	vpop (erf)  }
0x176: {  	v15 =	vsub.f32 $0.0e+00, v19;
	[tilespmem:s11+$0x8F00] =	vst v17;
	v2 =	vld [tilespmem:s11+$0x7B20];
	v10 =	vmul.f32 $1.442695020e+00, v4;
	(erf) = vpow2.f32 v22  }
0x177: {  	[tilespmem:s11+$0x8F10] =	vst v11;
	v4 =	vld [tilespmem:s11+$0x7B10];
	v11 =	vadd.f32 v14, v18;
	(erf) = vpow2.f32 v16;
	v14 =	vmul.f32 v21, v20  }
0x178: {  	_ =	sdelay $0x1  }
0x179: {  	(erf) = vpow2.f32 v13;
	v37 =	vsub.f32 $0.0e+00, v11  }
0x17a: {  	v15 =	vmul.f32 $1.442695020e+00, v15;
	(erf) = vpow2.f32 v12  }
0x17b: {  	v38 =	vmul.f32 $1.442695020e+00, v37  }
0x17c: {  	(erf) = vpow2.f32 v15  }
0x17d: {  	v39 =	vpop (erf);
	(erf) = vpow2.f32 v38  }
0x17e: {  	v40 =	vpop (erf);
	(erf) = vpow2.f32 v10  }
0x17f: {  	v13 =	vadd.f32 $1.000000000e+00, v39;
	_ =	sdelay $0x1  }
0x180: {  	v41 =	vpop (erf);
	(erf) = vrcp.f32 v13  }
0x181: {  	v42 =	vadd.f32 $1.000000000e+00, v41;
	v43 =	vpop (erf)  }
0x182: {  	v15 =	vadd.f32 $1.000000000e+00, v43;
	v44 =	vpop (erf)  }
0x183: {  	(erf) = vrcp.f32 v42;
	v10 =	vadd.f32 $1.000000000e+00, v44  }
0x184: {  	v45 =	vadd.f32 $1.000000000e+00, v40;
	v46 =	vpop (erf);
	(erf) = vrcp.f32 v15  }
0x185: {  	v48 =	vadd.f32 $1.000000000e+00, v46;
	(erf) = vrcp.f32 v10;
	v49 =	vpop (erf)  }
0x186: {  	(erf) = vrcp.f32 v45;
	v50 =	vadd.f32 $1.000000000e+00, v49;
	v51 =	vpop (erf)  }
0x187: {  	(erf) = vrcp.f32 v48;
	v52 =	vadd.f32 $1.000000000e+00, v51  }
0x188: {  	[tilespmem:s11+$0x8F20] =	vst v8;
	v7 =	vmul.f32 v9, v7;
	(erf) = vrcp.f32 v50  }
0x189: {  	v47 =	vld [tilespmem:s11+$0x7B60];
	[tilespmem:s4+$0x7B40] =	vst v14;
	v53 =	vpop (erf);
	(erf) = vrcp.f32 v52  }
0x18a: {  	[tilespmem:s4+$0x7B50] =	vst v7  }
0x18b: {  	[tilespmem:s11+$0x8F50] =	vst v11  }
0x18c: {  	[tilespmem:s11+$0x8F30] =	vst v5;
	v3 =	vmul.f32 v53, v3;
	v54 =	vpop (erf)  }
0x18d: {  	[tilespmem:s11+$0x8F40] =	vst v6;
	v59 =	vld [tilespmem:s11+$0x7B50];
	v0 =	vmul.f32 v54, v0;
	v55 =	vpop (erf)  }
0x18e: {  	v57 =	vld [tilespmem:s11+$0x7B40];
	[tilespmem:s11+$0x7B00] =	vst v3;
	v1 =	vmul.f32 v55, v1;
	v56 =	vpop (erf)  }
0x18f: {  	[tilespmem:s11+$0x7B30] =	vst v0;
	v58 =	vpop (erf);
	v0 =	vmul.f32 v56, v2  }
0x190: {  	[tilespmem:s11+$0x7B70] =	vst v1;
	v3 =	vmul.f32 v58, v4;
	v60 =	vpop (erf)  }
0x191: {  	[tilespmem:s11+$0x7B20] =	vst v0;
	v4 =	vmul.f32 v60, v47;
	v61 =	vpop (erf)  }
0x192: {  	[tilespmem:s11+$0x7B10] =	vst v3;
	v63 =	vmul.f32 v61, v59;
	v62 =	vpop (erf)  }
0x193: {  	s26 =	sadd.s32 s25, s2;
	[tilespmem:s11+$0x7B60] =	vst v4;
	v1 =	vmul.f32 v62, v57  }
0x194: {  	s4 =	sshll.u32 s26, $0x4;
	[tilespmem:s11+$0x7B50] =	vst v63  }
0x195: {  	s4 =	sadd.s32 s28, s4;
	[tilespmem:s11+$0x7B40] =	vst v1  }
0x196: {  	[hbm4b:s4+s6] =	stream.linear.scatter [tilespmem:s23], [sflag:$0x4], $0x1400, $0x38;
	[tilespmem:$0x1E300] =	vst v63  }
0x197: {  	s15 =	simm.s32 $0x280  }
0x198: {  	[spmem:s5] =	stream.indirect.scatter.add.f32 [tilespmem:s22], [sflag:$0x7], $0x80, s15, s12, $0xb8;
	[tilespmem:$0x1E300] =	vst v63  }
0x199: {  	_ =	swait.ge [sflag:s29], $0x1400  }
0x19a: {  	[sflag:s29] =	ssyncset.done $0x0  }
0x19b: {  	[sflag:s29] =	ssyncadd.s32 $0xFFFFEC00  }
0x19c: {  	_ =	swait.ge [sflag:s20], $0x1400  }
0x19d: {  	[sflag:s20] =	ssyncset.done $0x0  }
0x19e: {  	[sflag:s20] =	ssyncadd.s32 $0xFFFFEC00  }
0x19f: {  	_ =	swait.ge [sflag:s19], $0x28  }
0x1a0: {  	[sflag:s19] =	ssyncset.done $0x0  }
0x1a1: {  	[sflag:s19] =	ssyncadd.s32 $0xFFFFFFD8  }
0x1a2: {  	_ =	swait.ge [sflag:s19], $0x28  }
0x1a3: {  	[sflag:s19] =	ssyncset.done $0x0  }
0x1a4: {  	[sflag:s19] =	ssyncadd.s32 $0xFFFFFFD8  }
0x1a5: {  	s21 =	sadd.s32 $0x1, s21;
	s26 =	simm.s32 $0x5300;
	s25 =	rddreg [dreg:$0x1]  }
0x1a6: {  	[tilespmem:s26], [sflag:$0x2] =	stream.indirect.gather [hbm4b:s25+s12], $0x80, s31, s12, $0xb8;
	[tilespmem:$0x1E300] =	vst v63  }
0x1a7: {  	p0 =	sne.s32 s21, $0x7C;
	s15 =	simm.s32 $0x6700  }
0x1a8: {  	[tilespmem:s15], [sflag:$0x2] =	stream.indirect.gather [hbm4b:s9+s12], $0x80, s0, s12, $0xb8;
	[tilespmem:$0x1E300] =	vst v63  }
.Ltmp2:
0x1a9: {  	_ = 	snop;
	(pc) =	sbr.rel @p0 .LBB2_2-.Ltmp2, $4  }
0x1aa: {  	s25 =	rddreg [dreg:$0x2];
	s26 =	sshll.u32 s16, $0x4  }
0x1ab: {  	[tilespmem:s22], [sflag:$0x2] =	stream.indirect.gather [hbm4b:s25+s12], $0x80, s31, s12, $0xb8;
	[tilespmem:$0x1E300] =	vst v63  }
0x1ac: {  	s4 =	sadd.s32 s10, s26  }
0x1ad: {  	[tilespmem:s23], [sflag:$0x2] =	stream.linear.gather [hbm4b:s4+s6], $0x1400, $0x38;
	[tilespmem:$0x1E300] =	vst v63  }
0x1ae: {  	_ =	swait.ge [sflag:s24], $0x1400  }
0x1af: {  	[sflag:s24] =	ssyncset.done $0x0  }
0x1b0: {  	[sflag:s24] =	ssyncadd.s32 $0xFFFFEC00  }
0x1b1: {  	_ =	swait.ge [sflag:s24], $0x1400  }
0x1b2: {  	[sflag:s24] =	ssyncset.done $0x0  }
0x1b3: {  	[sflag:s24] =	ssyncadd.s32 $0xFFFFEC00  }
0x1b4: {  	_ =	swait.ge [sflag:s24], $0x1400  }
0x1b5: {  	[sflag:s24] =	ssyncset.done $0x0  }
0x1b6: {  	[sflag:s24] =	ssyncadd.s32 $0xFFFFEC00  }
0x1b7: {  	_ =	swait.ge [sflag:s24], $0x1400  }
0x1b8: {  	[sflag:s24] =	ssyncset.done $0x0  }
0x1b9: {  	[sflag:s24] =	ssyncadd.s32 $0xFFFFEC00  }
0x1ba: {  	v0 =	vld [tilespmem:$0x80]  }
0x1bb: {  	v1 =	vld [tilespmem:$0x90]  }
0x1bc: {  	v2 =	vld [tilespmem:$0x98];
	_ =	sdelay $0x2  }
0x1bd: {  	[tilespmem:$0x200] =	vst v0  }
0x1be: {  	[tilespmem:$0x210] =	vst v1  }
0x1bf: {  	s4 =	simm.s32 $0x0;
	[tilespmem:$0x218] =	vst v2  }
0x1c0: {  	v0 =	vld [tilespmem:s4+$0x3F60]  }
0x1c1: {  	v1 =	vld [tilespmem:s4+$0x1740]  }
0x1c2: {  	v3 =	vld [tilespmem:s4+$0x1730]  }
0x1c3: {  	v4 =	vld [tilespmem:s4+$0x330]  }
0x1c4: {  	v5 =	vld [tilespmem:s4+$0x1720]  }
0x1c5: {  	v6 =	vld [tilespmem:s4+$0x320]  }
0x1c6: {  	v7 =	vld [tilespmem:s4+$0x1710]  }
0x1c7: {  	v8 =	vld [tilespmem:s4+$0x310]  }
0x1c8: {  	v9 =	vld [tilespmem:s4+$0x1700]  }
0x1c9: {  	v12 =	vld [tilespmem:s4+$0x360]  }
0x1ca: {  	v13 =	vld [tilespmem:s4+$0x1760]  }
0x1cb: {  	v14 =	vld [tilespmem:s4+$0x370]  }
0x1cc: {  	v15 =	vld [tilespmem:s4+$0x1770]  }
0x1cd: {  	v10 =	vld [tilespmem:s4+$0x300]  }
0x1ce: {  	v11 =	vld [tilespmem:s4+$0x3F70]  }
0x1cf: {  	v16 =	vld [tilespmem:s4+$0x3F00]  }
0x1d0: {  	v17 =	vld [tilespmem:s4+$0x3F10]  }
0x1d1: {  	v19 =	vld [tilespmem:s4+$0x3F30];
	v14 =	vadd.f32 v15, v14;
	v12 =	vadd.f32 v13, v12  }
0x1d2: {  	v18 =	vld [tilespmem:s4+$0x3F20];
	v9 =	vadd.f32 v9, v10;
	v7 =	vadd.f32 v7, v8  }
0x1d3: {  	v13 =	vld [tilespmem:s4+$0x350];
	v5 =	vadd.f32 v5, v6;
	v3 =	vadd.f32 v3, v4  }
0x1d4: {  	v15 =	vld [tilespmem:s4+$0x1750];
	v11 =	vadd.f32 v11, v14;
	v8 =	vadd.f32 v16, v9  }
0x1d5: {  	v2 =	vld [tilespmem:s4+$0x340];
	v0 =	vadd.f32 v0, v12;
	v6 =	vadd.f32 v17, v7  }
0x1d6: {  	v12 =	vld [tilespmem:s4+$0x3F50];
	v3 =	vadd.f32 v19, v3;
	[tilespmem:s4+$0x3F70] =	vst v11;
	v7 =	vsub.f32 $0.0e+00, v8  }
0x1d7: {  	[tilespmem:s4+$0x3F10] =	vst v6;
	v6 =	vsub.f32 $0.0e+00, v6  }
0x1d8: {  	v5 =	vadd.f32 v18, v5;
	[tilespmem:s4+$0x3F60] =	vst v0;
	v16 =	vsub.f32 $0.0e+00, v3;
	v7 =	vmul.f32 $1.442695020e+00, v7  }
0x1d9: {  	v20 =	vld [tilespmem:s4+$0x3F40];
	[tilespmem:s4+$0x3F00] =	vst v8;
	v13 =	vadd.f32 v15, v13;
	v6 =	vmul.f32 $1.442695020e+00, v6  }
0x1da: {  	s11 =	simm.s32 $0x80;
	v10 =	vld [tilespmem:s4+$0x2B30];
	[tilespmem:s4+$0x3F20] =	vst v5;
	v11 =	vsub.f32 $0.0e+00, v11;
	(erf) = vpow2.f32 v7;
	v7 =	vmul.f32 $1.442695020e+00, v16  }
0x1db: {  	v1 =	vadd.f32 v1, v2;
	v17 =	vld [tilespmem:s11+$0x3F60];
	v12 =	vadd.f32 v12, v13;
	(erf) = vpow2.f32 v6  }
0x1dc: {  	v5 =	vsub.f32 $0.0e+00, v5;
	v2 =	vmul.f32 $1.442695020e+00, v11;
	v13 =	vld [tilespmem:s11+$0x1740];
	(erf) = vpow2.f32 v7  }
0x1dd: {  	v0 =	vsub.f32 $0.0e+00, v0;
	v6 =	vld [tilespmem:s11+$0x340];
	[tilespmem:s4+$0x3F50] =	vst v12  }
0x1de: {  	v11 =	vld [tilespmem:s11+$0x1730];
	[tilespmem:s4+$0x3F30] =	vst v3;
	v3 =	vmul.f32 $1.442695020e+00, v5;
	v5 =	vsub.f32 $0.0e+00, v12;
	(erf) = vpow2.f32 v2  }
0x1df: {  	v9 =	vld [tilespmem:s4+$0x2B00];
	v0 =	vmul.f32 $1.442695020e+00, v0  }
0x1e0: {  	v14 =	vld [tilespmem:s4+$0x2B70];
	v1 =	vadd.f32 v20, v1;
	(erf) = vpow2.f32 v3;
	v3 =	vmul.f32 $1.442695020e+00, v5  }
0x1e1: {  	v8 =	vld [tilespmem:s4+$0x2B10]  }
0x1e2: {  	v2 =	vld [tilespmem:s11+$0x330];
	[tilespmem:s4+$0x3F40] =	vst v1;
	v1 =	vsub.f32 $0.0e+00, v1  }
0x1e3: {  	v7 =	vld [tilespmem:s11+$0x1720];
	(erf) = vpow2.f32 v0;
	v0 =	vpop (erf)  }
0x1e4: {  	v5 =	vld [tilespmem:s11+$0x320];
	v1 =	vmul.f32 $1.442695020e+00, v1;
	(erf) = vpow2.f32 v3;
	v3 =	vpop (erf)  }
0x1e5: {  	v12 =	vld [tilespmem:s11+$0x1710];
	v0 =	vadd.f32 $1.000000000e+00, v0;
	v50 =	vpop (erf)  }
0x1e6: {  	v16 =	vld [tilespmem:s11+$0x310];
	(erf) = vpow2.f32 v1;
	v18 =	vadd.f32 $1.000000000e+00, v50  }
0x1e7: {  	v52 =	vld [tilespmem:s11+$0x3F70];
	(erf) = vrcp.f32 v0;
	v51 =	vpop (erf)  }
0x1e8: {  	v53 =	vld [tilespmem:s11+$0x360];
	v19 =	vadd.f32 $1.000000000e+00, v51;
	(erf) = vrcp.f32 v18  }
0x1e9: {  	v21 =	vld [tilespmem:s11+$0x1760]  }
0x1ea: {  	v54 =	vld [tilespmem:s11+$0x370];
	(erf) = vrcp.f32 v19  }
0x1eb: {  	v23 =	vld [tilespmem:s11+$0x1770];
	v22 =	vpop (erf)  }
0x1ec: {  	v25 =	vld [tilespmem:s11+$0x3F00];
	v22 =	vadd.f32 $1.000000000e+00, v22  }
0x1ed: {  	v27 =	vld [tilespmem:s11+$0x3F10];
	v3 =	vadd.f32 $1.000000000e+00, v3;
	v24 =	vpop (erf)  }
0x1ee: {  	v29 =	vld [tilespmem:s11+$0x3F20];
	v26 =	vpop (erf);
	(erf) = vrcp.f32 v22  }
0x1ef: {  	v30 =	vld [tilespmem:s11+$0x3F30];
	v24 =	vadd.f32 $1.000000000e+00, v24;
	v28 =	vpop (erf);
	(erf) = vrcp.f32 v3  }
0x1f0: {  	v31 =	vld [tilespmem:s11+$0x350];
	v55 =	vpop (erf)  }
0x1f1: {  	v1 =	vld [tilespmem:s11+$0x1700];
	(erf) = vrcp.f32 v24;
	v3 =	vmul.f32 v55, v9;
	v56 =	vpop (erf)  }
0x1f2: {  	v0 =	vld [tilespmem:s11+$0x300];
	v10 =	vmul.f32 v56, v10  }
0x1f3: {  	v9 =	vld [tilespmem:s11+$0x3F40];
	[tilespmem:s4+$0x2B00] =	vst v3;
	v3 =	vadd.f32 v23, v54;
	v57 =	vpop (erf)  }
0x1f4: {  	v6 =	vadd.f32 v13, v6;
	v58 =	vld [tilespmem:s11+$0x1750];
	v14 =	vmul.f32 v57, v14;
	[tilespmem:s4+$0x2B30] =	vst v10;
	v10 =	vadd.f32 v21, v53  }
0x1f5: {  	v15 =	vld [tilespmem:s4+$0x2B60];
	v59 =	vadd.f32 v52, v3;
	v3 =	vadd.f32 $1.000000000e+00, v26  }
0x1f6: {  	v60 =	vld [tilespmem:s11+$0x3F50];
	[tilespmem:s4+$0x2B70] =	vst v14;
	v14 =	vadd.f32 v17, v10;
	v10 =	vadd.f32 $1.000000000e+00, v28  }
0x1f7: {  	v2 =	vadd.f32 v11, v2;
	v0 =	vadd.f32 v1, v0;
	v17 =	vpop (erf);
	(erf) = vrcp.f32 v3  }
0x1f8: {  	v4 =	vld [tilespmem:s4+$0x2B20];
	v5 =	vadd.f32 v7, v5;
	v3 =	vadd.f32 v12, v16;
	v1 =	vpop (erf);
	(erf) = vrcp.f32 v10  }
0x1f9: {  	v6 =	vadd.f32 v9, v6;
	[tilespmem:s11+$0x3F70] =	vst v59;
	v1 =	vmul.f32 v1, v8;
	v10 =	vadd.f32 v25, v0  }
0x1fa: {  	v9 =	vsub.f32 $0.0e+00, v59;
	v61 =	vld [tilespmem:s4+$0x2B40];
	[tilespmem:s11+$0x3F60] =	vst v14;
	v8 =	vpop (erf);
	v11 =	vadd.f32 v27, v3  }
0x1fb: {  	v0 =	vld [tilespmem:s11+$0x2B30];
	v12 =	vmul.f32 v8, v15;
	v8 =	vadd.f32 v29, v5;
	[tilespmem:s4+$0x2B10] =	vst v1;
	v1 =	vsub.f32 $0.0e+00, v10  }
0x1fc: {  	v5 =	vadd.f32 v30, v2;
	v13 =	vsub.f32 $0.0e+00, v11  }
0x1fd: {  	v4 =	vmul.f32 v17, v4;
	v7 =	vld [tilespmem:s4+$0x2B50];
	v2 =	vmul.f32 $1.442695020e+00, v1  }
0x1fe: {  	v3 =	vld [tilespmem:s11+$0x2B00];
	[tilespmem:s4+$0x2B60] =	vst v12;
	v12 =	vsub.f32 $0.0e+00, v8;
	v15 =	vsub.f32 $0.0e+00, v5;
	v16 =	vmul.f32 $1.442695020e+00, v13  }
0x1ff: {  	v1 =	vld [tilespmem:s11+$0x2B70];
	[tilespmem:s4+$0x2B20] =	vst v4;
	v4 =	vsub.f32 $0.0e+00, v6;
	v13 =	vmul.f32 $1.442695020e+00, v9;
	(erf) = vpow2.f32 v2  }
0x200: {  	v62 =	vadd.f32 v58, v31;
	v12 =	vmul.f32 $1.442695020e+00, v12;
	v17 =	vmul.f32 $1.442695020e+00, v15;
	v9 =	vpop (erf)  }
0x201: {  	[tilespmem:s11+$0x3F00] =	vst v10;
	v15 =	vsub.f32 $0.0e+00, v14;
	v2 =	vld [tilespmem:s11+$0x2B20];
	v10 =	vmul.f32 $1.442695020e+00, v4;
	v63 =	vpop (erf);
	(erf) = vpow2.f32 v16  }
0x202: {  	s15 =	simm.s32 $0x400;
	[tilespmem:s11+$0x3F10] =	vst v11;
	v11 =	vadd.f32 v60, v62;
	v4 =	vld [tilespmem:s11+$0x2B10];
	(erf) = vpow2.f32 v17;
	v14 =	vmul.f32 v63, v61  }
.LBB2_8:
0x203: {  	s16 =	sshra.s32 s15, $0x2;
	p0 =	sne.s32 s15, $0x4E00;
	s15 =	sadd.s32 $0x200, s15;
	[tilespmem:s11+$0x3F20] =	vst v8;
	v16 =	vld [tilespmem:s11+$0x2B60];
	(erf) = vpow2.f32 v13;
	v7 =	vmul.f32 v9, v7  }
0x204: {  	v13 =	vmul.f32 $1.442695020e+00, v15;
	v8 =	vld [tilespmem:s16+$0x3F60];
	v9 =	vsub.f32 $0.0e+00, v11;
	(erf) = vpow2.f32 v12;
	[tilespmem:s4+$0x2B40] =	vst v14  }
0x205: {  	v12 =	vld [tilespmem:s16+$0x1740];
	[tilespmem:s4+$0x2B50] =	vst v7;
	s4 =	smov.u32 s11;
	s11 =	smov.u32 s16  }
0x206: {  	v7 =	vld [tilespmem:s11+$0x340];
	[tilespmem:s4+$0x3F50] =	vst v11;
	v9 =	vmul.f32 $1.442695020e+00, v9;
	(erf) = vpow2.f32 v13  }
0x207: {  	v11 =	vld [tilespmem:s11+$0x1730];
	[tilespmem:s4+$0x3F30] =	vst v5  }
0x208: {  	v5 =	vld [tilespmem:s11+$0x330];
	[tilespmem:s4+$0x3F40] =	vst v6;
	v6 =	vpop (erf);
	(erf) = vpow2.f32 v9  }
0x209: {  	v9 =	vld [tilespmem:s11+$0x1720];
	v6 =	vadd.f32 $1.000000000e+00, v6  }
0x20a: {  	v13 =	vld [tilespmem:s11+$0x320];
	v14 =	vpop (erf)  }
0x20b: {  	v15 =	vld [tilespmem:s11+$0x1710];
	v14 =	vadd.f32 $1.000000000e+00, v14;
	v17 =	vpop (erf);
	(erf) = vpow2.f32 v10  }
0x20c: {  	v10 =	vld [tilespmem:s11+$0x310];
	v21 =	vadd.f32 $1.000000000e+00, v17;
	v18 =	vpop (erf)  }
0x20d: {  	v19 =	vld [tilespmem:s11+$0x1700];
	v18 =	vadd.f32 $1.000000000e+00, v18;
	(erf) = vrcp.f32 v6;
	v6 =	vpop (erf)  }
0x20e: {  	v20 =	vld [tilespmem:s11+$0x300];
	v6 =	vadd.f32 $1.000000000e+00, v6;
	(erf) = vrcp.f32 v21  }
0x20f: {  	v9 =	vadd.f32 v9, v13;
	v13 =	vld [tilespmem:s11+$0x3F70];
	v17 =	vpop (erf);
	(erf) = vrcp.f32 v18  }
0x210: {  	v5 =	vadd.f32 v11, v5;
	v11 =	vld [tilespmem:s11+$0x360];
	v17 =	vadd.f32 $1.000000000e+00, v17;
	(erf) = vrcp.f32 v6  }
0x211: {  	v6 =	vld [tilespmem:s11+$0x1760];
	(erf) = vrcp.f32 v14;
	v14 =	vpop (erf)  }
0x212: {  	v7 =	vadd.f32 v12, v7;
	v12 =	vld [tilespmem:s11+$0x370];
	v14 =	vadd.f32 $1.000000000e+00, v14;
	(erf) = vrcp.f32 v17  }
0x213: {  	v17 =	vadd.f32 v19, v20;
	v18 =	vld [tilespmem:s11+$0x1770]  }
0x214: {  	v19 =	vld [tilespmem:s11+$0x3F00];
	v20 =	vpop (erf);
	(erf) = vrcp.f32 v14  }
0x215: {  	v14 =	vld [tilespmem:s11+$0x3F10];
	v20 =	vadd.f32 $1.000000000e+00, v20  }
0x216: {  	v21 =	vld [tilespmem:s11+$0x3F20];
	v6 =	vadd.f32 v6, v11;
	v11 =	vpop (erf)  }
0x217: {  	v22 =	vld [tilespmem:s11+$0x3F30];
	v23 =	vmul.f32 v11, v3;
	v11 =	vpop (erf);
	(erf) = vrcp.f32 v20  }
0x218: {  	v10 =	vadd.f32 v15, v10;
	v15 =	vld [tilespmem:s11+$0x3F40];
	v12 =	vadd.f32 v18, v12;
	v20 =	vmul.f32 v11, v0;
	v11 =	vpop (erf)  }
0x219: {  	v17 =	vadd.f32 v19, v17;
	v18 =	vld [tilespmem:s11+$0x350];
	v19 =	vadd.f32 v8, v6;
	[tilespmem:s4+$0x2B00] =	vst v23;
	v1 =	vmul.f32 v11, v1;
	v3 =	vpop (erf)  }
0x21a: {  	v11 =	vadd.f32 v14, v10;
	v10 =	vld [tilespmem:s11+$0x1750];
	v12 =	vadd.f32 v13, v12;
	v2 =	vmul.f32 v3, v2;
	[tilespmem:s4+$0x2B30] =	vst v20;
	v0 =	vpop (erf)  }
0x21b: {  	v3 =	vsub.f32 $0.0e+00, v17;
	v8 =	vadd.f32 v21, v9;
	v14 =	vld [tilespmem:s11+$0x3F50];
	v4 =	vmul.f32 v0, v4;
	[tilespmem:s4+$0x2B70] =	vst v1;
	v0 =	vpop (erf)  }
0x21c: {  	v1 =	vsub.f32 $0.0e+00, v11;
	v5 =	vadd.f32 v22, v5;
	[tilespmem:s11+$0x3F70] =	vst v12;
	v20 =	vld [tilespmem:s4+$0x2B40];
	v16 =	vmul.f32 v0, v16  }
0x21d: {  	v12 =	vsub.f32 $0.0e+00, v12;
	v23 =	vmul.f32 $1.442695020e+00, v3;
	v6 =	vadd.f32 v15, v7;
	[tilespmem:s11+$0x3F60] =	vst v19;
	v7 =	vld [tilespmem:s4+$0x2B50];
	v9 =	vpop (erf)  }
.Ltmp3:
0x21e: {  	v22 =	vmul.f32 $1.442695020e+00, v1;
	v1 =	vsub.f32 $0.0e+00, v8;
	v15 =	vsub.f32 $0.0e+00, v5;
	v0 =	vld [tilespmem:s11+$0x2B30];
	[tilespmem:s4+$0x2B10] =	vst v4;
	(pc) =	sbr.rel @p0 .LBB2_8-.Ltmp3, $4  }
0x21f: {  	v13 =	vmul.f32 $1.442695020e+00, v12;
	v3 =	vld [tilespmem:s11+$0x2B00];
	v4 =	vsub.f32 $0.0e+00, v6;
	(erf) = vpow2.f32 v23;
	[tilespmem:s4+$0x2B60] =	vst v16  }
0x220: {  	v18 =	vadd.f32 v10, v18;
	v12 =	vmul.f32 $1.442695020e+00, v1;
	v16 =	vmul.f32 $1.442695020e+00, v15;
	v1 =	vld [tilespmem:s11+$0x2B70];
	[tilespmem:s4+$0x2B20] =	vst v2;
	v21 =	vpop (erf)  }
0x221: {  	v15 =	vsub.f32 $0.0e+00, v19;
	[tilespmem:s11+$0x3F00] =	vst v17;
	v2 =	vld [tilespmem:s11+$0x2B20];
	v10 =	vmul.f32 $1.442695020e+00, v4;
	(erf) = vpow2.f32 v22  }
0x222: {  	[tilespmem:s11+$0x3F10] =	vst v11;
	v4 =	vld [tilespmem:s11+$0x2B10];
	v11 =	vadd.f32 v14, v18;
	(erf) = vpow2.f32 v16;
	v14 =	vmul.f32 v21, v20  }
0x223: {  	_ = 	snop  }
0x224: {  	(erf) = vpow2.f32 v13;
	v13 =	vsub.f32 $0.0e+00, v11;
	_ =	sdelay $0x1  }
0x225: {  	(erf) = vpow2.f32 v12;
	v12 =	vmul.f32 $1.442695020e+00, v13  }
0x226: {  	v15 =	vmul.f32 $1.442695020e+00, v15;
	_ =	sdelay $0x1  }
0x227: {  	(erf) = vpow2.f32 v15;
	v13 =	vpop (erf)  }
0x228: {  	(erf) = vpow2.f32 v12;
	v12 =	vpop (erf)  }
0x229: {  	v15 =	vpop (erf)  }
0x22a: {  	(erf) = vpow2.f32 v10;
	v10 =	vadd.f32 $1.000000000e+00, v15  }
0x22b: {  	v13 =	vadd.f32 $1.000000000e+00, v13;
	_ =	sdelay $0x1  }
0x22c: {  	(erf) = vrcp.f32 v13;
	v15 =	vpop (erf)  }
0x22d: {  	(erf) = vrcp.f32 v10;
	v10 =	vpop (erf)  }
0x22e: {  	v10 =	vadd.f32 $1.000000000e+00, v10  }
0x22f: {  	v15 =	vadd.f32 $1.000000000e+00, v15;
	_ =	sdelay $0x1  }
0x230: {  	[tilespmem:s11+$0x3F20] =	vst v8;
	v8 =	vadd.f32 $1.000000000e+00, v12;
	(erf) = vrcp.f32 v15;
	v12 =	vpop (erf)  }
0x231: {  	(erf) = vrcp.f32 v10;
	v10 =	vpop (erf)  }
0x232: {  	(erf) = vrcp.f32 v8;
	v8 =	vadd.f32 $1.000000000e+00, v10  }
0x233: {  	v7 =	vmul.f32 v9, v7;
	v9 =	vadd.f32 $1.000000000e+00, v12  }
0x234: {  	v10 =	vpop (erf)  }
0x235: {  	v13 =	vld [tilespmem:s11+$0x2B60];
	[tilespmem:s4+$0x2B50] =	vst v7;
	(erf) = vrcp.f32 v9;
	v7 =	vadd.f32 $1.000000000e+00, v10  }
0x236: {  	[tilespmem:s4+$0x2B40] =	vst v14;
	(erf) = vrcp.f32 v8;
	v8 =	vpop (erf)  }
0x237: {  	[tilespmem:s11+$0x3F30] =	vst v5;
	v5 =	vpop (erf);
	(erf) = vrcp.f32 v7  }
0x238: {  	v0 =	vmul.f32 v5, v0  }
0x239: {  	v3 =	vmul.f32 v8, v3;
	v5 =	vpop (erf)  }
0x23a: {  	[tilespmem:s11+$0x3F50] =	vst v11;
	v1 =	vmul.f32 v5, v1  }
0x23b: {  	v5 =	vld [tilespmem:s11+$0x2B50];
	[tilespmem:s11+$0x2B30] =	vst v0  }
0x23c: {  	[tilespmem:s11+$0x2B70] =	vst v1;
	v1 =	vld [tilespmem:s11+$0x2B40];
	v0 =	vpop (erf)  }
0x23d: {  	[tilespmem:s11+$0x2B00] =	vst v3;
	v3 =	vpop (erf);
	v0 =	vmul.f32 v0, v2  }
0x23e: {  	[tilespmem:s11+$0x3F40] =	vst v6;
	v3 =	vmul.f32 v3, v4;
	v4 =	vpop (erf)  }
0x23f: {  	v4 =	vmul.f32 v4, v13;
	v6 =	vpop (erf);
	[tilespmem:s11+$0x2B20] =	vst v0  }
0x240: {  	[tilespmem:s11+$0x2B10] =	vst v3;
	v2 =	vpop (erf);
	v0 =	vmul.f32 v6, v5  }
0x241: {  	[tilespmem:s11+$0x2B60] =	vst v4;
	v1 =	vmul.f32 v2, v1  }
0x242: {  	[tilespmem:s11+$0x2B50] =	vst v0  }
0x243: {  	s21 =	simm.s32 $0x0;
	s25 =	rddreg [dreg:$0xf];
	[tilespmem:s11+$0x2B40] =	vst v1  }
0x244: {  	[hbm4b:s25+s21] =	stream.linear.scatter [tilespmem:s18], [sflag:$0x3], $0x1400, $0x38;
	[tilespmem:$0x1E300] =	vst v63  }
0x245: {  	s26 =	simm.s32 $0x200  }
0x246: {  	[spmem:s5] =	stream.indirect.scatter.add.f32 [tilespmem:s17], [sflag:$0x7], $0x80, s26, s12, $0xb8;
	[tilespmem:$0x1E300] =	vst v63  }
0x247: {  	_ =	swait.ge [sflag:s29], $0x1400  }
0x248: {  	[sflag:s29] =	ssyncset.done $0x0  }
0x249: {  	[sflag:s29] =	ssyncadd.s32 $0xFFFFEC00  }
0x24a: {  	_ =	swait.ge [sflag:s14], $0x1400  }
0x24b: {  	[sflag:s14] =	ssyncset.done $0x0  }
0x24c: {  	[sflag:s14] =	ssyncadd.s32 $0xFFFFEC00  }
0x24d: {  	_ =	swait.ge [sflag:s13], $0x1400  }
0x24e: {  	[sflag:s13] =	ssyncset.done $0x0  }
0x24f: {  	[sflag:s13] =	ssyncadd.s32 $0xFFFFEC00  }
0x250: {  	_ =	swait.ge [sflag:s13], $0x1400  }
0x251: {  	[sflag:s13] =	ssyncset.done $0x0  }
0x252: {  	[sflag:s13] =	ssyncadd.s32 $0xFFFFEC00  }
0x253: {  	_ =	swait.ge [sflag:s13], $0x1400  }
0x254: {  	[sflag:s13] =	ssyncset.done $0x0  }
0x255: {  	[sflag:s13] =	ssyncadd.s32 $0xFFFFEC00  }
0x256: {  	_ =	swait.ge [sflag:s13], $0x1400  }
0x257: {  	[sflag:s13] =	ssyncset.done $0x0  }
0x258: {  	[sflag:s13] =	ssyncadd.s32 $0xFFFFEC00  }
0x259: {  	v0 =	vld [tilespmem:$0x180]  }
0x25a: {  	v1 =	vld [tilespmem:$0x190]  }
0x25b: {  	v2 =	vld [tilespmem:$0x198];
	_ =	sdelay $0x2  }
0x25c: {  	[tilespmem:$0x280] =	vst v0  }
0x25d: {  	[tilespmem:$0x290] =	vst v1  }
0x25e: {  	s4 =	simm.s32 $0x0;
	[tilespmem:$0x298] =	vst v2  }
0x25f: {  	v0 =	vld [tilespmem:s4+$0x8F60]  }
0x260: {  	v1 =	vld [tilespmem:s4+$0x6740]  }
0x261: {  	v3 =	vld [tilespmem:s4+$0x6730]  }
0x262: {  	v4 =	vld [tilespmem:s4+$0x5330]  }
0x263: {  	v5 =	vld [tilespmem:s4+$0x6720]  }
0x264: {  	v6 =	vld [tilespmem:s4+$0x5320]  }
0x265: {  	v7 =	vld [tilespmem:s4+$0x6710]  }
0x266: {  	v8 =	vld [tilespmem:s4+$0x5310]  }
0x267: {  	v9 =	vld [tilespmem:s4+$0x6700]  }
0x268: {  	v12 =	vld [tilespmem:s4+$0x5360]  }
0x269: {  	v13 =	vld [tilespmem:s4+$0x6760]  }
0x26a: {  	v14 =	vld [tilespmem:s4+$0x5370]  }
0x26b: {  	v15 =	vld [tilespmem:s4+$0x6770]  }
0x26c: {  	v10 =	vld [tilespmem:s4+$0x5300]  }
0x26d: {  	v11 =	vld [tilespmem:s4+$0x8F70]  }
0x26e: {  	v16 =	vld [tilespmem:s4+$0x8F00]  }
0x26f: {  	v17 =	vld [tilespmem:s4+$0x8F10]  }
0x270: {  	v19 =	vld [tilespmem:s4+$0x8F30];
	v14 =	vadd.f32 v15, v14;
	v12 =	vadd.f32 v13, v12  }
0x271: {  	v18 =	vld [tilespmem:s4+$0x8F20];
	v9 =	vadd.f32 v9, v10;
	v7 =	vadd.f32 v7, v8  }
0x272: {  	v13 =	vld [tilespmem:s4+$0x5350];
	v5 =	vadd.f32 v5, v6;
	v3 =	vadd.f32 v3, v4  }
0x273: {  	v15 =	vld [tilespmem:s4+$0x6750];
	v11 =	vadd.f32 v11, v14;
	v8 =	vadd.f32 v16, v9  }
0x274: {  	v2 =	vld [tilespmem:s4+$0x5340];
	v0 =	vadd.f32 v0, v12;
	v6 =	vadd.f32 v17, v7  }
0x275: {  	v12 =	vld [tilespmem:s4+$0x8F50];
	v3 =	vadd.f32 v19, v3;
	[tilespmem:s4+$0x8F70] =	vst v11;
	v7 =	vsub.f32 $0.0e+00, v8  }
0x276: {  	[tilespmem:s4+$0x8F10] =	vst v6;
	v6 =	vsub.f32 $0.0e+00, v6  }
0x277: {  	v5 =	vadd.f32 v18, v5;
	[tilespmem:s4+$0x8F60] =	vst v0;
	v16 =	vsub.f32 $0.0e+00, v3;
	v7 =	vmul.f32 $1.442695020e+00, v7  }
0x278: {  	v20 =	vld [tilespmem:s4+$0x8F40];
	[tilespmem:s4+$0x8F00] =	vst v8;
	v13 =	vadd.f32 v15, v13;
	v6 =	vmul.f32 $1.442695020e+00, v6  }
0x279: {  	s11 =	simm.s32 $0x80;
	v10 =	vld [tilespmem:s4+$0x7B30];
	[tilespmem:s4+$0x8F20] =	vst v5;
	v11 =	vsub.f32 $0.0e+00, v11;
	(erf) = vpow2.f32 v7;
	v7 =	vmul.f32 $1.442695020e+00, v16  }
0x27a: {  	v1 =	vadd.f32 v1, v2;
	v17 =	vld [tilespmem:s11+$0x8F60];
	v12 =	vadd.f32 v12, v13;
	(erf) = vpow2.f32 v6  }
0x27b: {  	v5 =	vsub.f32 $0.0e+00, v5;
	v2 =	vmul.f32 $1.442695020e+00, v11;
	v13 =	vld [tilespmem:s11+$0x6740];
	(erf) = vpow2.f32 v7  }
0x27c: {  	v0 =	vsub.f32 $0.0e+00, v0;
	v6 =	vld [tilespmem:s11+$0x5340];
	[tilespmem:s4+$0x8F50] =	vst v12  }
0x27d: {  	v11 =	vld [tilespmem:s11+$0x6730];
	[tilespmem:s4+$0x8F30] =	vst v3;
	v3 =	vmul.f32 $1.442695020e+00, v5;
	v5 =	vsub.f32 $0.0e+00, v12;
	(erf) = vpow2.f32 v2  }
0x27e: {  	v9 =	vld [tilespmem:s4+$0x7B00];
	v0 =	vmul.f32 $1.442695020e+00, v0  }
0x27f: {  	v14 =	vld [tilespmem:s4+$0x7B70];
	v1 =	vadd.f32 v20, v1;
	(erf) = vpow2.f32 v3;
	v3 =	vmul.f32 $1.442695020e+00, v5  }
0x280: {  	v8 =	vld [tilespmem:s4+$0x7B10]  }
0x281: {  	v2 =	vld [tilespmem:s11+$0x5330];
	[tilespmem:s4+$0x8F40] =	vst v1;
	v1 =	vsub.f32 $0.0e+00, v1  }
0x282: {  	v7 =	vld [tilespmem:s11+$0x6720];
	(erf) = vpow2.f32 v0;
	v0 =	vpop (erf)  }
0x283: {  	v5 =	vld [tilespmem:s11+$0x5320];
	v1 =	vmul.f32 $1.442695020e+00, v1;
	(erf) = vpow2.f32 v3;
	v3 =	vpop (erf)  }
0x284: {  	v12 =	vld [tilespmem:s11+$0x6710];
	v0 =	vadd.f32 $1.000000000e+00, v0;
	v50 =	vpop (erf)  }
0x285: {  	v16 =	vld [tilespmem:s11+$0x5310];
	(erf) = vpow2.f32 v1;
	v18 =	vadd.f32 $1.000000000e+00, v50  }
0x286: {  	v52 =	vld [tilespmem:s11+$0x8F70];
	(erf) = vrcp.f32 v0;
	v51 =	vpop (erf)  }
0x287: {  	v53 =	vld [tilespmem:s11+$0x5360];
	v19 =	vadd.f32 $1.000000000e+00, v51;
	(erf) = vrcp.f32 v18  }
0x288: {  	v21 =	vld [tilespmem:s11+$0x6760]  }
0x289: {  	v54 =	vld [tilespmem:s11+$0x5370];
	(erf) = vrcp.f32 v19  }
0x28a: {  	v23 =	vld [tilespmem:s11+$0x6770];
	v22 =	vpop (erf)  }
0x28b: {  	v25 =	vld [tilespmem:s11+$0x8F00];
	v22 =	vadd.f32 $1.000000000e+00, v22  }
0x28c: {  	v27 =	vld [tilespmem:s11+$0x8F10];
	v3 =	vadd.f32 $1.000000000e+00, v3;
	v24 =	vpop (erf)  }
0x28d: {  	v29 =	vld [tilespmem:s11+$0x8F20];
	v26 =	vpop (erf);
	(erf) = vrcp.f32 v22  }
0x28e: {  	v30 =	vld [tilespmem:s11+$0x8F30];
	v24 =	vadd.f32 $1.000000000e+00, v24;
	v28 =	vpop (erf);
	(erf) = vrcp.f32 v3  }
0x28f: {  	v31 =	vld [tilespmem:s11+$0x5350];
	v55 =	vpop (erf)  }
0x290: {  	v1 =	vld [tilespmem:s11+$0x6700];
	(erf) = vrcp.f32 v24;
	v3 =	vmul.f32 v55, v9;
	v56 =	vpop (erf)  }
0x291: {  	v0 =	vld [tilespmem:s11+$0x5300];
	v10 =	vmul.f32 v56, v10  }
0x292: {  	v9 =	vld [tilespmem:s11+$0x8F40];
	[tilespmem:s4+$0x7B00] =	vst v3;
	v3 =	vadd.f32 v23, v54;
	v57 =	vpop (erf)  }
0x293: {  	v6 =	vadd.f32 v13, v6;
	v58 =	vld [tilespmem:s11+$0x6750];
	v14 =	vmul.f32 v57, v14;
	[tilespmem:s4+$0x7B30] =	vst v10;
	v10 =	vadd.f32 v21, v53  }
0x294: {  	v15 =	vld [tilespmem:s4+$0x7B60];
	v59 =	vadd.f32 v52, v3;
	v3 =	vadd.f32 $1.000000000e+00, v26  }
0x295: {  	v60 =	vld [tilespmem:s11+$0x8F50];
	[tilespmem:s4+$0x7B70] =	vst v14;
	v14 =	vadd.f32 v17, v10;
	v10 =	vadd.f32 $1.000000000e+00, v28  }
0x296: {  	v2 =	vadd.f32 v11, v2;
	v0 =	vadd.f32 v1, v0;
	v17 =	vpop (erf);
	(erf) = vrcp.f32 v3  }
0x297: {  	v4 =	vld [tilespmem:s4+$0x7B20];
	v5 =	vadd.f32 v7, v5;
	v3 =	vadd.f32 v12, v16;
	v1 =	vpop (erf);
	(erf) = vrcp.f32 v10  }
0x298: {  	v6 =	vadd.f32 v9, v6;
	[tilespmem:s11+$0x8F70] =	vst v59;
	v1 =	vmul.f32 v1, v8;
	v10 =	vadd.f32 v25, v0  }
0x299: {  	v9 =	vsub.f32 $0.0e+00, v59;
	v61 =	vld [tilespmem:s4+$0x7B40];
	[tilespmem:s11+$0x8F60] =	vst v14;
	v8 =	vpop (erf);
	v11 =	vadd.f32 v27, v3  }
0x29a: {  	v0 =	vld [tilespmem:s11+$0x7B30];
	v12 =	vmul.f32 v8, v15;
	v8 =	vadd.f32 v29, v5;
	[tilespmem:s4+$0x7B10] =	vst v1;
	v1 =	vsub.f32 $0.0e+00, v10  }
0x29b: {  	v5 =	vadd.f32 v30, v2;
	v13 =	vsub.f32 $0.0e+00, v11  }
0x29c: {  	v4 =	vmul.f32 v17, v4;
	v7 =	vld [tilespmem:s4+$0x7B50];
	v2 =	vmul.f32 $1.442695020e+00, v1  }
0x29d: {  	v3 =	vld [tilespmem:s11+$0x7B00];
	[tilespmem:s4+$0x7B60] =	vst v12;
	v12 =	vsub.f32 $0.0e+00, v8;
	v15 =	vsub.f32 $0.0e+00, v5;
	v16 =	vmul.f32 $1.442695020e+00, v13  }
0x29e: {  	v1 =	vld [tilespmem:s11+$0x7B70];
	[tilespmem:s4+$0x7B20] =	vst v4;
	v4 =	vsub.f32 $0.0e+00, v6;
	v13 =	vmul.f32 $1.442695020e+00, v9;
	(erf) = vpow2.f32 v2  }
0x29f: {  	v62 =	vadd.f32 v58, v31;
	v12 =	vmul.f32 $1.442695020e+00, v12;
	v17 =	vmul.f32 $1.442695020e+00, v15;
	v9 =	vpop (erf)  }
0x2a0: {  	[tilespmem:s11+$0x8F00] =	vst v10;
	v15 =	vsub.f32 $0.0e+00, v14;
	v2 =	vld [tilespmem:s11+$0x7B20];
	v10 =	vmul.f32 $1.442695020e+00, v4;
	v63 =	vpop (erf);
	(erf) = vpow2.f32 v16  }
0x2a1: {  	s15 =	simm.s32 $0x400;
	[tilespmem:s11+$0x8F10] =	vst v11;
	v11 =	vadd.f32 v60, v62;
	v4 =	vld [tilespmem:s11+$0x7B10];
	(erf) = vpow2.f32 v17;
	v14 =	vmul.f32 v63, v61  }
.LBB2_10:
0x2a2: {  	s16 =	sshra.s32 s15, $0x2;
	p0 =	sne.s32 s15, $0x4E00;
	s15 =	sadd.s32 $0x200, s15;
	[tilespmem:s11+$0x8F20] =	vst v8;
	v16 =	vld [tilespmem:s11+$0x7B60];
	(erf) = vpow2.f32 v13;
	v7 =	vmul.f32 v9, v7  }
0x2a3: {  	v13 =	vmul.f32 $1.442695020e+00, v15;
	v8 =	vld [tilespmem:s16+$0x8F60];
	v9 =	vsub.f32 $0.0e+00, v11;
	(erf) = vpow2.f32 v12;
	[tilespmem:s4+$0x7B40] =	vst v14  }
0x2a4: {  	v12 =	vld [tilespmem:s16+$0x6740];
	[tilespmem:s4+$0x7B50] =	vst v7;
	s4 =	smov.u32 s11;
	s11 =	smov.u32 s16  }
0x2a5: {  	v7 =	vld [tilespmem:s11+$0x5340];
	[tilespmem:s4+$0x8F50] =	vst v11;
	v9 =	vmul.f32 $1.442695020e+00, v9;
	(erf) = vpow2.f32 v13  }
0x2a6: {  	v11 =	vld [tilespmem:s11+$0x6730];
	[tilespmem:s4+$0x8F30] =	vst v5  }
0x2a7: {  	v5 =	vld [tilespmem:s11+$0x5330];
	[tilespmem:s4+$0x8F40] =	vst v6;
	v6 =	vpop (erf);
	(erf) = vpow2.f32 v9  }
0x2a8: {  	v9 =	vld [tilespmem:s11+$0x6720];
	v6 =	vadd.f32 $1.000000000e+00, v6  }
0x2a9: {  	v13 =	vld [tilespmem:s11+$0x5320];
	v14 =	vpop (erf)  }
0x2aa: {  	v15 =	vld [tilespmem:s11+$0x6710];
	v14 =	vadd.f32 $1.000000000e+00, v14;
	v17 =	vpop (erf);
	(erf) = vpow2.f32 v10  }
0x2ab: {  	v10 =	vld [tilespmem:s11+$0x5310];
	v21 =	vadd.f32 $1.000000000e+00, v17;
	v18 =	vpop (erf)  }
0x2ac: {  	v19 =	vld [tilespmem:s11+$0x6700];
	v18 =	vadd.f32 $1.000000000e+00, v18;
	(erf) = vrcp.f32 v6;
	v6 =	vpop (erf)  }
0x2ad: {  	v20 =	vld [tilespmem:s11+$0x5300];
	v6 =	vadd.f32 $1.000000000e+00, v6;
	(erf) = vrcp.f32 v21  }
0x2ae: {  	v9 =	vadd.f32 v9, v13;
	v13 =	vld [tilespmem:s11+$0x8F70];
	v17 =	vpop (erf);
	(erf) = vrcp.f32 v18  }
0x2af: {  	v5 =	vadd.f32 v11, v5;
	v11 =	vld [tilespmem:s11+$0x5360];
	v17 =	vadd.f32 $1.000000000e+00, v17;
	(erf) = vrcp.f32 v6  }
0x2b0: {  	v6 =	vld [tilespmem:s11+$0x6760];
	(erf) = vrcp.f32 v14;
	v14 =	vpop (erf)  }
0x2b1: {  	v7 =	vadd.f32 v12, v7;
	v12 =	vld [tilespmem:s11+$0x5370];
	v14 =	vadd.f32 $1.000000000e+00, v14;
	(erf) = vrcp.f32 v17  }
0x2b2: {  	v17 =	vadd.f32 v19, v20;
	v18 =	vld [tilespmem:s11+$0x6770]  }
0x2b3: {  	v19 =	vld [tilespmem:s11+$0x8F00];
	v20 =	vpop (erf);
	(erf) = vrcp.f32 v14  }
0x2b4: {  	v14 =	vld [tilespmem:s11+$0x8F10];
	v20 =	vadd.f32 $1.000000000e+00, v20  }
0x2b5: {  	v21 =	vld [tilespmem:s11+$0x8F20];
	v6 =	vadd.f32 v6, v11;
	v11 =	vpop (erf)  }
0x2b6: {  	v22 =	vld [tilespmem:s11+$0x8F30];
	v23 =	vmul.f32 v11, v3;
	v11 =	vpop (erf);
	(erf) = vrcp.f32 v20  }
0x2b7: {  	v10 =	vadd.f32 v15, v10;
	v15 =	vld [tilespmem:s11+$0x8F40];
	v12 =	vadd.f32 v18, v12;
	v20 =	vmul.f32 v11, v0;
	v11 =	vpop (erf)  }
0x2b8: {  	v17 =	vadd.f32 v19, v17;
	v18 =	vld [tilespmem:s11+$0x5350];
	v19 =	vadd.f32 v8, v6;
	[tilespmem:s4+$0x7B00] =	vst v23;
	v1 =	vmul.f32 v11, v1;
	v3 =	vpop (erf)  }
0x2b9: {  	v11 =	vadd.f32 v14, v10;
	v10 =	vld [tilespmem:s11+$0x6750];
	v12 =	vadd.f32 v13, v12;
	v2 =	vmul.f32 v3, v2;
	[tilespmem:s4+$0x7B30] =	vst v20;
	v0 =	vpop (erf)  }
0x2ba: {  	v3 =	vsub.f32 $0.0e+00, v17;
	v8 =	vadd.f32 v21, v9;
	v14 =	vld [tilespmem:s11+$0x8F50];
	v4 =	vmul.f32 v0, v4;
	[tilespmem:s4+$0x7B70] =	vst v1;
	v0 =	vpop (erf)  }
0x2bb: {  	v1 =	vsub.f32 $0.0e+00, v11;
	v5 =	vadd.f32 v22, v5;
	[tilespmem:s11+$0x8F70] =	vst v12;
	v20 =	vld [tilespmem:s4+$0x7B40];
	v16 =	vmul.f32 v0, v16  }
0x2bc: {  	v12 =	vsub.f32 $0.0e+00, v12;
	v23 =	vmul.f32 $1.442695020e+00, v3;
	v6 =	vadd.f32 v15, v7;
	[tilespmem:s11+$0x8F60] =	vst v19;
	v7 =	vld [tilespmem:s4+$0x7B50];
	v9 =	vpop (erf)  }
.Ltmp4:
0x2bd: {  	v22 =	vmul.f32 $1.442695020e+00, v1;
	v1 =	vsub.f32 $0.0e+00, v8;
	v15 =	vsub.f32 $0.0e+00, v5;
	v0 =	vld [tilespmem:s11+$0x7B30];
	[tilespmem:s4+$0x7B10] =	vst v4;
	(pc) =	sbr.rel @p0 .LBB2_10-.Ltmp4, $4  }
0x2be: {  	v13 =	vmul.f32 $1.442695020e+00, v12;
	v3 =	vld [tilespmem:s11+$0x7B00];
	v4 =	vsub.f32 $0.0e+00, v6;
	(erf) = vpow2.f32 v23;
	[tilespmem:s4+$0x7B60] =	vst v16  }
0x2bf: {  	v18 =	vadd.f32 v10, v18;
	v12 =	vmul.f32 $1.442695020e+00, v1;
	v16 =	vmul.f32 $1.442695020e+00, v15;
	v1 =	vld [tilespmem:s11+$0x7B70];
	[tilespmem:s4+$0x7B20] =	vst v2;
	v21 =	vpop (erf)  }
0x2c0: {  	v15 =	vsub.f32 $0.0e+00, v19;
	[tilespmem:s11+$0x8F00] =	vst v17;
	v2 =	vld [tilespmem:s11+$0x7B20];
	v10 =	vmul.f32 $1.442695020e+00, v4;
	(erf) = vpow2.f32 v22  }
0x2c1: {  	[tilespmem:s11+$0x8F10] =	vst v11;
	v4 =	vld [tilespmem:s11+$0x7B10];
	v11 =	vadd.f32 v14, v18;
	(erf) = vpow2.f32 v16;
	v14 =	vmul.f32 v21, v20  }
0x2c2: {  	_ =	sdelay $0x1  }
0x2c3: {  	(erf) = vpow2.f32 v13;
	v37 =	vsub.f32 $0.0e+00, v11  }
0x2c4: {  	v15 =	vmul.f32 $1.442695020e+00, v15;
	(erf) = vpow2.f32 v12  }
0x2c5: {  	v38 =	vmul.f32 $1.442695020e+00, v37  }
0x2c6: {  	(erf) = vpow2.f32 v15  }
0x2c7: {  	v39 =	vpop (erf);
	(erf) = vpow2.f32 v38  }
0x2c8: {  	v40 =	vpop (erf);
	(erf) = vpow2.f32 v10  }
0x2c9: {  	v13 =	vadd.f32 $1.000000000e+00, v39;
	_ =	sdelay $0x1  }
0x2ca: {  	v41 =	vpop (erf);
	(erf) = vrcp.f32 v13  }
0x2cb: {  	v42 =	vadd.f32 $1.000000000e+00, v41;
	v43 =	vpop (erf)  }
0x2cc: {  	v15 =	vadd.f32 $1.000000000e+00, v43;
	v44 =	vpop (erf)  }
0x2cd: {  	(erf) = vrcp.f32 v42;
	v10 =	vadd.f32 $1.000000000e+00, v44  }
0x2ce: {  	v45 =	vadd.f32 $1.000000000e+00, v40;
	v46 =	vpop (erf);
	(erf) = vrcp.f32 v15  }
0x2cf: {  	v48 =	vadd.f32 $1.000000000e+00, v46;
	(erf) = vrcp.f32 v10;
	v49 =	vpop (erf)  }
0x2d0: {  	(erf) = vrcp.f32 v45;
	v50 =	vadd.f32 $1.000000000e+00, v49;
	v51 =	vpop (erf)  }
0x2d1: {  	(erf) = vrcp.f32 v48;
	v52 =	vadd.f32 $1.000000000e+00, v51  }
0x2d2: {  	[tilespmem:s11+$0x8F20] =	vst v8;
	v7 =	vmul.f32 v9, v7;
	(erf) = vrcp.f32 v50  }
0x2d3: {  	v47 =	vld [tilespmem:s11+$0x7B60];
	[tilespmem:s4+$0x7B40] =	vst v14;
	v53 =	vpop (erf);
	(erf) = vrcp.f32 v52  }
0x2d4: {  	[tilespmem:s4+$0x7B50] =	vst v7  }
0x2d5: {  	[tilespmem:s11+$0x8F50] =	vst v11  }
0x2d6: {  	[tilespmem:s11+$0x8F30] =	vst v5;
	v3 =	vmul.f32 v53, v3;
	v54 =	vpop (erf)  }
0x2d7: {  	[tilespmem:s11+$0x8F40] =	vst v6;
	v59 =	vld [tilespmem:s11+$0x7B50];
	v0 =	vmul.f32 v54, v0;
	v55 =	vpop (erf)  }
0x2d8: {  	v57 =	vld [tilespmem:s11+$0x7B40];
	[tilespmem:s11+$0x7B00] =	vst v3;
	v1 =	vmul.f32 v55, v1;
	v56 =	vpop (erf)  }
0x2d9: {  	[tilespmem:s11+$0x7B30] =	vst v0;
	v58 =	vpop (erf);
	v0 =	vmul.f32 v56, v2  }
0x2da: {  	[tilespmem:s11+$0x7B70] =	vst v1;
	v3 =	vmul.f32 v58, v4;
	v60 =	vpop (erf)  }
0x2db: {  	[tilespmem:s11+$0x7B20] =	vst v0;
	v4 =	vmul.f32 v60, v47;
	v61 =	vpop (erf)  }
0x2dc: {  	[tilespmem:s11+$0x7B10] =	vst v3;
	v63 =	vmul.f32 v61, v59;
	v62 =	vpop (erf)  }
0x2dd: {  	[tilespmem:s11+$0x7B60] =	vst v4;
	v1 =	vmul.f32 v62, v57  }
0x2de: {  	[tilespmem:s11+$0x7B50] =	vst v63  }
0x2df: {  	[tilespmem:s11+$0x7B40] =	vst v1;
	s11 =	rddreg [dreg:$0x10]  }
0x2e0: {  	[hbm4b:s11+s6] =	stream.linear.scatter [tilespmem:s23], [sflag:$0x4], $0x1400, $0x38;
	[tilespmem:$0x1E300] =	vst v63  }
0x2e1: {  	s15 =	simm.s32 $0x280  }
0x2e2: {  	[spmem:s5] =	stream.indirect.scatter.add.f32 [tilespmem:s22], [sflag:$0x7], $0x80, s15, s12, $0xb8;
	[tilespmem:$0x1E300] =	vst v63  }
0x2e3: {  	_ =	swait.ge [sflag:s29], $0x1400  }
0x2e4: {  	[sflag:s29] =	ssyncset.done $0x0  }
0x2e5: {  	[sflag:s29] =	ssyncadd.s32 $0xFFFFEC00  }
0x2e6: {  	_ =	swait.ge [sflag:s20], $0x1400  }
0x2e7: {  	[sflag:s20] =	ssyncset.done $0x0  }
0x2e8: {  	[sflag:s20] =	ssyncadd.s32 $0xFFFFEC00  }
0x2e9: {  	[bflag:$0x0] =	sbarrier.arrive $0xFFFF  }
0x2ea: {  	s15 =	rddreg [dreg:$0x8]  }
0x2eb: {  	s16 =	rddreg [dreg:$0x11]  }
0x2ec: {  	s21 =	rddreg [dreg:$0x16]  }
0x2ed: {  	[hbm:s16], [sflag:s15] =	dma.local [spmem:s21], $0x2800  }
0x2ee: {  	_ =	swait.ge [sflag:s29], $0x2800  }
0x2ef: {  	s25 =	rddreg [dreg:$0x15]  }
0x2f0: {  	s26 =	rddreg [dreg:$0x12];
	s11 =	sadd.s32 $0x1, s25  }
0x2f1: {  	p0 =	sne.s32 s11, s26  }
.Ltmp5:
0x2f2: {  	_ = 	snop;
	(pc) =	sbr.rel @p0 .LBB2_1-.Ltmp5, $3  }
0x2f3: {  	_ =	sdelay $0x1  }
0x2f4: {  	[sflag:s29] =	ssyncset.done $0x0  }
0x2f5: {  	[sflag:s29] =	ssyncadd.s32 $0xFFFFD800  }
0x2f6: {  	_ =	sfence.sel $0x180000  }
0x2f7: {  	[bflag:$0x0] =	sbarrier.arrive $0xFFFF  }
0x2f8: {  	_ =	strace $0x90000047  }
0x2f9: {  	s0 =	stileid.u32;
	[bflag:$0x2] =	sbarrier.arrive $0xFFFF  }
0x2fa: {  	p0 =	sne.s32 s0, $0x0;
	s0 =	rddreg [dreg:$0x5]  }
0x2fb: {  	s0 =	sadd.s32 @!p0 $0x100000, s0  }
0x2fc: {  	[sflag:s0] =	ssyncadd.tile.s32 @!p0 $0x1;
	_ =	shalt  }
.Lfunc_end2:
_tile_overlayer_lowered:
.L_overlay_start_2:
0x2fd: {  	(tag) =	ssettag $0x2  }
0x2fe: {  	s0 =	rddreg [dreg:$0x0];
	s2 =	stileid.u32  }
0x2ff: {  	s1 =	rddreg [dreg:$0x1];
	p0 =	sne.s32 s2, $0x0  }
0x300: {  	s3 =	rddreg [dreg:$0x2];
	[bflag:$0x3] =	sbarrier.arrive $0xFFFF;
	s2 =	simm.s32 @!p0 $0x1C07  }
0x301: {  	[timem:s3], [sflag:s2] =	dma.local @!p0 [hbm:s0], s1  }
0x302: {  	s0 =	simm.s32 @!p0 $0x7  }
0x303: {  	_ =	swait.ge @!p0 [sflag:s0], s1  }
0x304: {  	s1 =	ssub.s32 @!p0 $0x0, s1;
	[sflag:s0] =	ssyncset.done @!p0 $0x0  }
0x305: {  	[sflag:s0] =	ssyncadd.s32 @!p0 s1  }
0x306: {  	[bflag:$0x3] =	sbarrier.arrive $0xFFFF  }
0x307: {  	_ =	shalt  }

// kernel: kernel.7.cloned.1.call-start
scs
__scs_entry_jumppad:
0x0: {  	(pc) =	sbr.rel $0x88, $3  }
0x1: {  	(tag) =	ssettag $0x0;
	lr =	simm.s32 $0x1  }
0x2: {  	[smem:$0x3F95] =	sst lr;
	_ =	strace $0xD0000000  }
0x3: {  	_ = 	snop  }
0x4: {  	_ = 	snop  }
0x5: {  	_ = 	snop  }
0x6: {  	_ = 	snop  }
0x7: {  	_ = 	snop  }
__scs_overlays_trampoline_lowered:
0x8: {  	[smem:$0x3FA4] =	sst s0  }
0x9: {  	[smem:$0x3FA5] =	sst s1  }
0xa: {  	[smem:$0x3FA6] =	sst s2  }
0xb: {  	[smem:$0x3FA7] =	sst s3  }
0xc: {  	[smem:$0x3FA8] =	sst s4  }
0xd: {  	[smem:$0x3FA9] =	sst s5  }
0xe: {  	[smem:$0x3FAA] =	sst s6  }
0xf: {  	[smem:$0x3FAB] =	sst s7  }
0x10: {  	[smem:$0x3FAC] =	sst s8  }
0x11: {  	[smem:$0x3FAD] =	sst s9;
	s0 =	simm.s32 @!p0 $0x0  }
0x12: {  	s1 =	sld [smem:$0x3F93];
	s0 =	simm.s32 @p0 $0x1  }
0x13: {  	[smem:$0x3FAE] =	sst s0;
	s0 =	simm.s32 @!p1 $0x0  }
0x14: {  	s2 =	sld [smem:$0x3F92];
	s0 =	simm.s32 @p1 $0x1  }
0x15: {  	[smem:$0x3FAF] =	sst s0;
	s0 =	simm.s32 @!p2 $0x0  }
0x16: {  	s3 =	sld [smem:$0x3FDB];
	s0 =	simm.s32 @p2 $0x1  }
0x17: {  	s4 =	simm.s32 $0x1BF5;
	[smem:$0x3FB1] =	sst s0  }
0x18: {  	s0 =	sld [smem:$0x3F94];
	_ =	swait.ge [sflag:s4], $0x0  }
0x19: {  	s7 =	sld [smem:$0x3F95]  }
0x1a: {  	s8 =	sadd.s32 $0xFFFFE003, lr  }
0x1b: {  	s9 =	sadd.s32 $0xFFFFFEF7, lr;
	s5 =	simm.s32 $0xFFFFFFFF;
	p2 =	slt.u32 s8, $0xFFFFF086  }
0x1c: {  	p1 =	slt.u32 s9, $0xF7A;
	s5 =	simm.s32 @!p2 $0x0  }
0x1d: {  	s5 =	simm.s32 @p1 $0x1;
	p0 =	seq.s32 s7, s2  }
0x1e: {  	s7 =	smul.u32 @!p0 $0xF7A, s2;
	p2 =	seq.s32 @!p0 s5, $0x0  }
0x1f: {  	s9 =	smul.u32 $0xF7A, s1;
	s8 =	simm.s32 @!p0 $0x1BF5;
	p2 =	por !p2, p0  }
0x20: {  	[sflag:s8] =	ssyncset.s32 @!p0 $0xFFFFF086;
	s6 =	sadd.s32 @!p0 s3, s7;
	s7 =	simm.s32 @!p0 $0x108  }
0x21: {  	s3 =	sadd.s32 s3, s9;
	s6 =	sadd.s32 @!p0 $0x88, s6;
	s7 =	simm.s32 @p2 $0x1082  }
0x22: {  	[simem:s7], [sflag:s8] =	dma.local @!p0 [hbm:s6], $0xF7A  }
0x23: {  	s9 =	sor.u32 $0xD0000000, s2;
	s6 =	simm.s32 $0x108;
	_ =	swait.ge @!p0 [sflag:s8], $0x0  }
0x24: {  	s3 =	sadd.s32 $0x88, s3;
	s6 =	simm.s32 @!p1 $0x1082;
	[sflag:s4] =	ssyncset.s32 $0xFFFFF086  }
0x25: {  	[simem:s6], [sflag:s4] =	dma.local [hbm:s3], $0xF7A  }
0x26: {  	[smem:$0x3F95] =	sst s1;
	(tag) =	ssettag s2;
	_ =	strace s9  }
0x27: {  	s1 =	sld [smem:$0x3FA5]  }
0x28: {  	s2 =	sld [smem:$0x3FA6]  }
0x29: {  	s4 =	sld [smem:$0x3FA8]  }
0x2a: {  	p0 =	seq.s32 s5, $0x0;
	s5 =	sld [smem:$0x3FA9]  }
0x2b: {  	s6 =	sld [smem:$0x3FAA]  }
0x2c: {  	s7 =	sld [smem:$0x3FAB]  }
0x2d: {  	s3 =	simm.s32 $0x108;
	s8 =	sld [smem:$0x3FAC]  }
0x2e: {  	s3 =	simm.s32 @!p0 $0x1082;
	s9 =	sld [smem:$0x3FAD]  }
0x2f: {  	lr =	sadd.s32 s0, s3;
	s0 =	sld [smem:$0x3FA4]  }
0x30: {  	s3 =	sld [smem:$0x3FA7]  }
0x31: {  	[smem:$0x3FB0] =	sst s10  }
0x32: {  	s10 =	sld [smem:$0x3FAE];
	_ =	sdelay $0x3  }
0x33: {  	p0 =	seq.s32 s10, $0x1;
	s10 =	sld [smem:$0x3FB0];
	_ =	sdelay $0x3  }
0x34: {  	[smem:$0x3FB0] =	sst s10  }
0x35: {  	s10 =	sld [smem:$0x3FAF];
	_ =	sdelay $0x3  }
0x36: {  	p1 =	seq.s32 s10, $0x1;
	s10 =	sld [smem:$0x3FB0];
	_ =	sdelay $0x3  }
0x37: {  	[smem:$0x3FB0] =	sst s10  }
0x38: {  	s10 =	sld [smem:$0x3FB1]  }
0x39: {  	_ = 	snop;
	(pc) =	sbr.ind lr, $3  }
0x3a: {  	_ = 	snop  }
0x3b: {  	_ = 	snop  }
0x3c: {  	p2 =	seq.s32 s10, $0x1;
	s10 =	sld [smem:$0x3FB0]  }
0x3d: {  	_ =	shalt  }
0x3e: {  	_ =	shalt  }
0x3f: {  	_ =	shalt  }
0x40: {  	_ =	shalt  }
0x41: {  	_ =	shalt  }
0x42: {  	_ =	shalt  }
0x43: {  	_ =	shalt  }
0x44: {  	_ =	shalt  }
0x45: {  	_ =	shalt  }
0x46: {  	_ =	shalt  }
0x47: {  	_ =	shalt  }
0x48: {  	_ =	shalt  }
0x49: {  	_ =	shalt  }
0x4a: {  	_ =	shalt  }
0x4b: {  	_ =	shalt  }
0x4c: {  	_ =	shalt  }
0x4d: {  	_ =	shalt  }
0x4e: {  	_ =	shalt  }
0x4f: {  	_ =	shalt  }
0x50: {  	_ =	shalt  }
0x51: {  	_ =	shalt  }
0x52: {  	_ =	shalt  }
0x53: {  	_ =	shalt  }
0x54: {  	_ =	shalt  }
0x55: {  	_ =	shalt  }
0x56: {  	_ =	shalt  }
0x57: {  	_ =	shalt  }
0x58: {  	_ =	shalt  }
0x59: {  	_ =	shalt  }
0x5a: {  	_ =	shalt  }
0x5b: {  	_ =	shalt  }
0x5c: {  	_ =	shalt  }
0x5d: {  	_ =	shalt  }
0x5e: {  	_ =	shalt  }
0x5f: {  	_ =	shalt  }
0x60: {  	_ =	shalt  }
0x61: {  	_ =	shalt  }
0x62: {  	_ =	shalt  }
0x63: {  	_ =	shalt  }
0x64: {  	_ =	shalt  }
0x65: {  	_ =	shalt  }
0x66: {  	_ =	shalt  }
0x67: {  	_ =	shalt  }
0x68: {  	_ =	shalt  }
0x69: {  	_ =	shalt  }
0x6a: {  	_ =	shalt  }
0x6b: {  	_ =	shalt  }
0x6c: {  	_ =	shalt  }
0x6d: {  	_ =	shalt  }
0x6e: {  	_ =	shalt  }
0x6f: {  	_ =	shalt  }
0x70: {  	_ =	shalt  }
0x71: {  	_ =	shalt  }
0x72: {  	_ =	shalt  }
0x73: {  	_ =	shalt  }
0x74: {  	_ =	shalt  }
0x75: {  	_ =	shalt  }
0x76: {  	_ =	shalt  }
0x77: {  	_ =	shalt  }
0x78: {  	_ =	shalt  }
0x79: {  	_ =	shalt  }
0x7a: {  	_ =	shalt  }
0x7b: {  	_ =	shalt  }
0x7c: {  	_ =	shalt  }
0x7d: {  	_ =	shalt  }
0x7e: {  	_ =	shalt  }
0x7f: {  	_ =	shalt  }
0x80: {  	_ =	shalt  }
0x81: {  	_ =	shalt  }
0x82: {  	_ =	shalt  }
0x83: {  	_ =	shalt  }
0x84: {  	_ =	shalt  }
0x85: {  	_ =	shalt  }
0x86: {  	_ =	shalt  }
0x87: {  	_ =	shalt  }
.Lfunc_end0:
.L_simem_size_0:
called_computation_lowered:
.L_overlay_start_0:
0x88: {  	s2 =	sld [smem:$0x3FD9]  }
0x89: {  	s3 =	sld [smem:$0x3FFE];
	_ =	sdelay $0x1  }
0x8a: {  	s1 =	srdreg.scid  }
0x8b: {  	s0 =	sand.u32 $0x1, s1  }
0x8c: {  	s17 =	sshll.u32 s0, $0xA;
	s2 =	sadd.s32 s3, s2  }
0x8d: {  	s2 =	sadd.s32 s2, s17  }
0x8e: {  	[smem:$0x3FBC] =	sst s2  }
0x8f: {  	_ = 	snop  }
0x90: {  	(tm) =	ssettm $0x1  }
0x91: {  	s18 =	sld [smem:$0x3FFB];
	_ =	sdelay $0x3  }
0x92: {  	_ =	strace s18  }
0x93: {  	s2 =	sld [smem:$0x3FFC];
	_ =	sdelay $0x3  }
0x94: {  	_ =	strace s2  }
0x95: {  	s2 =	sld [smem:$0x3FFD];
	_ =	sdelay $0x3  }
0x96: {  	_ =	strace s2  }
0x97: {  	_ =	strace $0x8FFFFFFF  }
0x98: {  	s19 =	sld [smem:$0x3FDB];
	_ =	sdelay $0x1  }
0x99: {  	s20 =	simm.s32 $_scs_section_size  }
0x9a: {  	s4 =	simm.s32 $_size__tile_overlayer_lowered;
	s5 =	simm.s32 $_tile_overlayer_lowered  }
0x9b: {  	s6 =	simm.s32 $0x1BFF;
	s21 =	sshll.u32 s5, $0x1;
	s3 =	sadd.s32 s20, s19  }
0x9c: {  	s22 =	simm.s32 $0x0;
	s4 =	sshll.u32 s4, $0x1;
	s5 =	sadd.s32 s21, s3  }
0x9d: {  	[timem:s22], [sflag:s6] =	dma.local [hbm:s5], s4  }
0x9e: {  	_ =	swait.ge [sflag:s6], s4  }
0x9f: {  	s4 =	ssub.s32 $0x0, s4;
	[sflag:s6] =	ssyncset.done $0x0  }
0xa0: {  	[sflag:s6] =	ssyncadd.s32 s4;
	_ =	sdelay $0x1  }
0xa1: {  	s23 =	simm.s32 $0x1B8B  }
0xa2: {  	_ =	swait.ge [sflag:s23], $0x1  }
0xa3: {  	[sflag:s23] =	ssyncset.done $0x0  }
0xa4: {  	[sflag:s23] =	ssyncadd.s32 $0xFFFFFFFF  }
0xa5: {  	s4 =	sld [smem:$0x0]  }
0xa6: {  	s5 =	sand.u32 $0xFFFFFFFE, s1  }
0xa7: {  	p0 =	sne.s32 s1, s5  }
0xa8: {  	s5 =	sshll.u32 @p0 s5, $0xE  }
0xa9: {  	s5 =	sadd.s32 @p0 $0x11B8D, s5;
	s6 =	sshll.u32 @p0 s4, $0x11  }
0xaa: {  	s5 =	sor.u32 @p0 s6, s5  }
0xab: {  	[sflag:s5] =	ssyncadd.remote.s32 @p0 $0x1;
	_ =	sdelay $0x1  }
0xac: {  	s5 =	simm.s32 @p0 $0x1B8D  }
0xad: {  	_ =	swait.eq @p0 [sflag:s5], $0x1  }
0xae: {  	[sflag:s5] =	ssyncadd.s32 @p0 $0xFFFFFFFF  }
0xaf: {  	s6 =	sshll.u32 @!p0 s1, $0xE  }
0xb0: {  	s6 =	sor.u32 @!p0 $0x4000, s6;
	s5 =	simm.s32 @!p0 $0x1B8D  }
0xb1: {  	s4 =	sshll.u32 @!p0 s4, $0x11;
	s6 =	sadd.s32 @!p0 $0x11B8D, s6;
	_ =	swait.eq @!p0 [sflag:s5], $0x1  }
0xb2: {  	s4 =	sor.u32 @!p0 s4, s6;
	[sflag:s5] =	ssyncadd.s32 @!p0 $0xFFFFFFFF  }
0xb3: {  	s25 =	simm.s32 $0x1B8E;
	s24 =	sld [smem:$0x3FFE];
	[sflag:s4] =	ssyncadd.remote.s32 @!p0 $0x1  }
0xb4: {  	s26 =	simm.s32 $execute0_lowered;
	[smem:$0x3FD2] =	sst s25  }
0xb5: {  	s5 =	sshll.u32 s26, $0x1;
	_ =	strace $0x80000049;
	[dreg:$0x1] =	wrdreg $0xFFFFFFFF  }
0xb6: {  	s28 =	simm.s32 $_size_execute0_lowered;
	s3 =	sadd.s32 s3, s5;
	[dreg:$0x0] =	wrdreg $0x0  }
0xb7: {  	s5 =	sshll.u32 s28, $0x1;
	[dreg:$0x2] =	wrdreg s3  }
0xb8: {  	[dreg:$0x3] =	wrdreg s5  }
0xb9: {  	[dreg:$0x4] =	wrdreg $0xC0  }
0xba: {  	_ =	task [dreg:s22], $0x5FFFF  }
0xbb: {  	[dreg:$0x1] =	wrdreg $0xFFFFFFFF  }
0xbc: {  	[dreg:$0x0] =	wrdreg $0x60  }
0xbd: {  	[dreg:$0x2] =	wrdreg s24  }
0xbe: {  	[dreg:$0x3] =	wrdreg $0x28800  }
0xbf: {  	[dreg:$0x4] =	wrdreg $0x9  }
0xc0: {  	_ =	task.clear_ibuf [dreg:s22], $0x5FFFF;
	_ =	strace $0x90000049  }
0xc1: {  	s29 =	simm.s32 $0x9;
	_ =	strace $0x8000004B  }
0xc2: {  	_ =	swait.ge [sflag:s29], $0x1  }
0xc3: {  	[sflag:s29] =	ssyncadd.s32 $0xFFFFFFFF  }
0xc4: {  	_ =	strace $0x9000004B  }
0xc5: {  	_ =	sfence  }
0xc6: {  	s30 =	sld [smem:$0x0];
	_ =	sdelay $0x2  }
0xc7: {  	s31 =	sshll.u32 s1, $0xD;
	s1 =	sshrl.u32 s1, $0x2  }
0xc8: {  	s4 =	sand.u32 $0x4000, s31;
	s1 =	sadd.s32 s1, s30  }
0xc9: {  	s0 =	sor.u32 s4, s0;
	s1 =	sshll.u32 s1, $0x11  }
0xca: {  	s0 =	sor.u32 s1, s0  }
0xcb: {  	s0 =	sadd.s32 $0x8F2B, s0  }
0xcc: {  	[sflag:s0] =	ssyncadd.remote.s32 $0x1  }
0xcd: {  	_ =	sfence.sel $0xFFFF  }
0xce: {  	[dreg:$0x0] =	wrdreg $0xFFFFFFFF;
	(pc) =	sbr.abs _section_cstart, $3  }
0xcf: {  	[dreg:$0x1] =	wrdreg $0xFFFFFFFF  }
0xd0: {  	_ =	task.clear_ibuf [dreg:s22], $0x2FFFF;
	_ =	strace $0x9FFFFFFF  }
0xd1: {  	(tm) =	ssettm $0x7FFFFFFF  }
tec
execute0_lowered:
.L_overlay_start_1:
0x0: {  	(tag) =	ssettag $0x1  }
0x1: {  	s1 =	srdreg.scid  }
0x2: {  	s0 =	stileid.u32;
	s5 =	rddreg [dreg:$0x0]  }
0x3: {  	s2 =	rddreg [dreg:$0x1];
	s3 =	simm.s32 $0x0;
	s6 =	smul.u32 $0x4E20, s0  }
0x4: {  	s12 =	simm.s32 $0x80;
	s13 =	simm.s32 $0x50;
	s8 =	smul.u32 $0x14000, s0  }
0x5: {  	s4 =	sand.u32 $0x1, s1;
	s1 =	rddreg [dreg:$0x2];
	s28 =	smul.u32 $0x50000, s0  }
0x6: {  	s14 =	simm.s32 $0x0;
	[smem:$0x7FF] =	sst s3;
	s7 =	smul.u32 $0x2710, s4  }
0x7: {  	s31 =	sshll.u32 s0, $0x6;
	s9 =	smul.u32 $0x140000, s4;
	_ =	strace $0x8000004A  }
0x8: {  	s26 =	ssub.s32 $0x2, s4;
	s4 =	sadd.s32 $0x5BE400, s5;
	s23 =	sshrl.u32 s8, $0x3  }
0x9: {  	s11 =	sshrl.u32 s26, $0x1;
	s29 =	sshrl.u32 s28, $0x2;
	s6 =	sadd.s32 s7, s6  }
0xa: {  	s24 =	sadd.s32 s23, s5;
	s25 =	sadd.s32 s8, s9;
	s8 =	ssub.s32 s26, s11  }
0xb: {  	s30 =	sadd.s32 s29, s2;
	s11 =	simm.s32 $0x1;
	s6 =	sshrl.u32 s6, $0x3  }
0xc: {  	s7 =	sshrl.u32 s25, $0x3;
	s8 =	smax.u32 s8, $0x1;
	s10 =	sadd.s32 s6, s5  }
0xd: {  	s7 =	sadd.s32 s7, s5;
	s5 =	sadd.s32 $0x546400, s24;
	s6 =	sor.u32 $0x1C01, s31  }
0xe: {  	s7 =	sadd.s32 $0x5BEA00, s7;
	s9 =	sadd.s32 $0xC200, s10;
	s10 =	sshrl.u32 s30, $0x3  }
.LBB2_1:
0xf: {  	[spmem:s10], [sflag:s6] =	dma.local [hbm:s5], $0x2800  }
0x10: {  	_ =	swait.ge [sflag:s11], $0x2800  }
0x11: {  	[sflag:s11] =	ssyncset.done $0x0  }
0x12: {  	[sflag:s11] =	ssyncadd.s32 $0xFFFFD800  }
0x13: {  	[tilespmem:s12], [sflag:$0x1] =	stream.linear.gather [hbm4b:s4+s3], $0x2800, $0x38;
	[tilespmem:$0x16880] =	vst v63  }
0x14: {  	_ =	swait.ge [sflag:s11], $0x2800  }
0x15: {  	[sflag:s11] =	ssyncset.done $0x0  }
0x16: {  	[sflag:s11] =	ssyncadd.s32 $0xFFFFD800  }
0x17: {  	s15 =	sadd.s32 $0x0, s9;
	[bflag:$0x0] =	sbarrier.arrive $0xFFFF  }
0x18: {  	[tilespmem:s3], [sflag:$0x1] =	stream.linear.gather [hbm4b:s15+s3], $0x50, $0x38;
	[tilespmem:$0x16880] =	vst v63  }
0x19: {  	_ =	swait.ge [sflag:s11], $0x50  }
0x1a: {  	[sflag:s11] =	ssyncset.done $0x0  }
0x1b: {  	[sflag:s11] =	ssyncadd.s32 $0xFFFFFFB0  }
0x1c: {  	[spmem:s2] =	stream.indirect.scatter.add.f32 [tilespmem:s12], [sflag:$0x1], $0x80, s3, s13, $0xb8;
	[tilespmem:$0x16880] =	vst v63  }
0x1d: {  	_ =	swait.ge [sflag:s11], $0x2800  }
0x1e: {  	s16 =	simm.s32 $0x14;
	s15 =	simm.s32 $0xA;
	[sflag:s11] =	ssyncset.done $0x0  }
.LBB2_2:
0x1f: {  	s17 =	sadd.s32 s15, s9  }
0x20: {  	[sflag:s11] =	ssyncadd.s32 $0xFFFFD800;
	s15 =	smov.u32 s16;
	s18 =	sadd.s32 $0xA, s16  }
0x21: {  	[tilespmem:s3], [sflag:$0x1] =	stream.linear.gather [hbm4b:s17+s3], $0x50, $0x38;
	[tilespmem:$0x16880] =	vst v63  }
0x22: {  	p0 =	sne.s32 s16, $0x4D8;
	_ =	swait.ge [sflag:s11], $0x50  }
.Ltmp0:
0x23: {  	[sflag:s11] =	ssyncset.done $0x0;
	(pc) =	sbr.rel @p0 .LBB2_2-.Ltmp0, $4  }
0x24: {  	[sflag:s11] =	ssyncadd.s32 $0xFFFFFFB0  }
0x25: {  	[spmem:s2] =	stream.indirect.scatter.add.f32 [tilespmem:s12], [sflag:$0x1], $0x80, s3, s13, $0xb8;
	[tilespmem:$0x16880] =	vst v63  }
0x26: {  	_ =	swait.ge [sflag:s11], $0x2800  }
0x27: {  	s16 =	smov.u32 s18;
	[sflag:s11] =	ssyncset.done $0x0  }
0x28: {  	s15 =	sadd.s32 s15, s9;
	[sflag:s11] =	ssyncadd.s32 $0xFFFFD800  }
0x29: {  	[tilespmem:s3], [sflag:$0x1] =	stream.linear.gather [hbm4b:s15+s3], $0x50, $0x38;
	[tilespmem:$0x16880] =	vst v63  }
0x2a: {  	_ =	swait.ge [sflag:s11], $0x50  }
0x2b: {  	[sflag:s11] =	ssyncset.done $0x0  }
0x2c: {  	[sflag:s11] =	ssyncadd.s32 $0xFFFFFFB0  }
0x2d: {  	[spmem:s2] =	stream.indirect.scatter.add.f32 [tilespmem:s12], [sflag:$0x1], $0x80, s3, s13, $0xb8;
	[tilespmem:$0x16880] =	vst v63  }
0x2e: {  	_ =	swait.ge [sflag:s11], $0x2800  }
0x2f: {  	s14 =	sadd.s32 $0x1, s14;
	[sflag:s11] =	ssyncset.done $0x0  }
0x30: {  	p0 =	sne.s32 s14, s8;
	[sflag:s11] =	ssyncadd.s32 $0xFFFFD800  }
.Ltmp1:
0x31: {  	[bflag:$0x0] =	sbarrier.arrive $0xFFFF;
	(pc) =	sbr.rel @p0 .LBB2_1-.Ltmp1, $4  }
0x32: {  	[hbm:s7], [sflag:s6] =	dma.local [spmem:s10], $0x2800  }
0x33: {  	_ =	swait.ge [sflag:s11], $0x2800  }
0x34: {  	[sflag:s11] =	ssyncset.done $0x0  }
0x35: {  	[sflag:s11] =	ssyncadd.s32 $0xFFFFD800  }
0x36: {  	_ =	sfence.sel $0x180000  }
0x37: {  	[bflag:$0x0] =	sbarrier.arrive $0xFFFF  }
0x38: {  	p0 =	sne.s32 s0, $0x0;
	_ =	strace $0x9000004A  }
0x39: {  	s0 =	sadd.s32 @!p0 $0x100000, s1;
	[bflag:$0x2] =	sbarrier.arrive $0xFFFF  }
0x3a: {  	[sflag:s0] =	ssyncadd.tile.s32 @!p0 $0x1;
	_ =	shalt  }
.Lfunc_end2:
_tile_overlayer_lowered:
.L_overlay_start_2:
0x3b: {  	(tag) =	ssettag $0x2  }
0x3c: {  	s0 =	rddreg [dreg:$0x0];
	s2 =	stileid.u32  }
0x3d: {  	s1 =	rddreg [dreg:$0x1];
	p0 =	sne.s32 s2, $0x0  }
0x3e: {  	s3 =	rddreg [dreg:$0x2];
	[bflag:$0x3] =	sbarrier.arrive $0xFFFF;
	s2 =	simm.s32 @!p0 $0x1C01  }
0x3f: {  	[timem:s3], [sflag:s2] =	dma.local @!p0 [hbm:s0], s1  }
0x40: {  	s0 =	simm.s32 @!p0 $0x1  }
0x41: {  	_ =	swait.ge @!p0 [sflag:s0], s1  }
0x42: {  	s1 =	ssub.s32 @!p0 $0x0, s1;
	[sflag:s0] =	ssyncset.done @!p0 $0x0  }
0x43: {  	[sflag:s0] =	ssyncadd.s32 @!p0 s1  }
0x44: {  	[bflag:$0x3] =	sbarrier.arrive $0xFFFF  }
0x45: {  	_ =	shalt  }

</sc_bundles>
